<compile_context>
chip_gen: v7x
topology: tpu7x:2x2x1
jax: 0.10.2.dev20260603
libtpu: 0.0.44.dev20260713+nightly
codegen_flags: <defaults>
</compile_context>

<pallas_src>
import functools

import jax
import jax.numpy as jnp
from jax import lax
from jax.experimental import pallas as pl
from jax.experimental.pallas import tpu as pltpu
from jax.experimental.pallas import tpu_sc as plsc

N_HID = 128
LANES = 16
NC = 2
NS = 16
NW = NC * NS
CHUNK = 208
GSUB = 104


def _project_table(emb, W, b2):
    M = emb.shape[0]
    BM = 13880
    grid = (pl.cdiv(M, BM),)

    def body(e_ref, w_ref, b_ref, o_ref):
        acc = jax.lax.dot_general(
            e_ref[...], w_ref[...],
            dimension_numbers=(((1,), (1,)), ((), ())),
            preferred_element_type=jnp.float32,
        )
        o_ref[...] = acc + b_ref[0, :][None, :]

    return pl.pallas_call(
        body,
        grid=grid,
        in_specs=[
            pl.BlockSpec((BM, N_HID), lambda i: (i, 0)),
            pl.BlockSpec((N_HID, N_HID), lambda i: (0, 0)),
            pl.BlockSpec((8, N_HID), lambda i: (0, 0)),
        ],
        out_specs=pl.BlockSpec((BM, N_HID), lambda i: (i, 0)),
        out_shape=jax.ShapeDtypeStruct((M, N_HID), jnp.float32),
    )(emb, W, b2)


def _gather_add(P, t, x):
    N = t.shape[0]
    assert N % NW == 0
    rows_w = N // NW
    nfull = rows_w // CHUNK
    rem = rows_w - nfull * CHUNK
    assert rem % 8 == 0 and rem < CHUNK and nfull >= 4 and nfull % 2 == 0

    mesh = plsc.VectorSubcoreMesh(core_axis_name="c", subcore_axis_name="s")

    @functools.partial(
        pl.kernel,
        mesh=mesh,
        out_type=jax.ShapeDtypeStruct((N, N_HID), jnp.float32),
        compiler_params=pltpu.CompilerParams(
            needs_layout_passes=False, use_tc_tiling_on_sc=False),
        scratch_types=[
            pltpu.VMEM((rows_w,), jnp.int32),
            pltpu.VMEM((2, CHUNK, N_HID), jnp.float32),
            pltpu.VMEM((2, CHUNK, N_HID), jnp.float32),
            pltpu.SemaphoreType.DMA,
            pltpu.SemaphoreType.DMA,
            pltpu.SemaphoreType.DMA,
            pltpu.SemaphoreType.DMA,
            pltpu.SemaphoreType.DMA,
            pltpu.SemaphoreType.DMA,
        ],
    )
    def k(p_hbm, t_hbm, x_hbm, out_hbm, t_v, rows_v, x_v,
          g0, g1, xs0, xs1, os0, os1):
        wid = lax.axis_index("s") * NC + lax.axis_index("c")
        wbase = wid * rows_w
        gsem = (g0, g1)
        xsem = (xs0, xs1)
        osem = (os0, os1)

        pltpu.sync_copy(t_hbm.at[pl.ds(wbase, rows_w)], t_v)

        def gather_descs(c, s):
            return [
                pltpu.make_async_copy(
                    p_hbm.at[t_v.at[pl.ds(c * CHUNK + u * GSUB, GSUB)]],
                    rows_v.at[s, pl.ds(u * GSUB, GSUB)], gsem[s])
                for u in range(CHUNK // GSUB)
            ]

        def x_desc(c, s):
            return pltpu.make_async_copy(
                x_hbm.at[pl.ds(wbase + c * CHUNK, CHUNK)], x_v.at[s], xsem[s])

        def o_desc(c, s):
            return pltpu.make_async_copy(
                x_v.at[s], out_hbm.at[pl.ds(wbase + c * CHUNK, CHUNK)],
                osem[s])

        def issue(c, s):
            for d in gather_descs(c, s):
                d.start()
            x_desc(c, s).start()

        def unpack_add_row(s, r):
            for j in range(N_HID // LANES):
                sl = pl.ds(j * LANES, LANES)
                x_v[s, r, sl] = x_v[s, r, sl] + rows_v[s, r, sl]

        def add_chunk(s, n):
            def add_row(r, _):
                unpack_add_row(s, r)
                return 0
            lax.fori_loop(0, n, add_row, 0)

        def process(c, s, prefetch, wait_store):
            for d in gather_descs(c, s):
                d.wait()
            x_desc(c, s).wait()
            if prefetch:
                if wait_store:
                    o_desc(c - 1, 1 - s).wait()
                issue(c + 1, 1 - s)
            add_chunk(s, CHUNK)
            o_desc(c, s).start()

        issue(0, 0)
        process(0, 0, True, False)
        process(1, 1, True, True)

        def pair_body(i, _):
            process(2 * i, 0, True, True)
            process(2 * i + 1, 1, True, True)
            return 0
        lax.fori_loop(1, nfull // 2 - 1, pair_body, 0)

        process(nfull - 2, 0, True, True)
        process(nfull - 1, 1, False, False)

        o_desc(nfull - 2, 0).wait()

        if rem:
            rbase = wbase + nfull * CHUNK
            pltpu.make_async_copy(
                p_hbm.at[t_v.at[pl.ds(nfull * CHUNK, rem)]],
                rows_v.at[0, pl.ds(0, rem)], gsem[0]).start()
            pltpu.sync_copy(x_hbm.at[pl.ds(rbase, rem)],
                            x_v.at[0, pl.ds(0, rem)])
            pltpu.make_async_copy(
                p_hbm.at[t_v.at[pl.ds(nfull * CHUNK, rem)]],
                rows_v.at[0, pl.ds(0, rem)], gsem[0]).wait()
            add_chunk(0, rem)
            pltpu.sync_copy(x_v.at[0, pl.ds(0, rem)],
                            out_hbm.at[pl.ds(rbase, rem)])

        o_desc(nfull - 1, 1).wait()

    return k(P, t, x)


def kernel(x, t, emb, W, b):
    t = t.astype(jnp.int32)
    b2 = jnp.broadcast_to(b[None, :], (8, N_HID))
    P = _project_table(emb, W, b2)
    return _gather_add(P, t, x)

# --- scband reference (transcript-rebuilt; emitter-appended) ---
"""Pipeline reference for scband-relative-temporal-encoding-43207370998334 (READ-ONLY COPY).

The authoritative reference and input builder live on the scoring server;
editing this copy changes nothing except your own understanding.
"""

import jax, jax.numpy as jnp
import numpy as np
import math

N_HID = 128
MAX_LEN = 27759
N = 320000


def _make_emb_table():
    position = np.arange(0, MAX_LEN, dtype=np.float32)[:, None]
    div_term = np.exp(np.arange(0, N_HID, 2, dtype=np.float32) * -(math.log(10000.0) / N_HID))
    emb = np.zeros((MAX_LEN, N_HID), dtype=np.float32)
    emb[:, 0::2] = np.sin(position * div_term) / math.sqrt(N_HID)
    # n_hid is even (128), so cos fills all odd columns
    emb[:, 1::2] = np.cos(position * div_term) / math.sqrt(N_HID)
    return jnp.asarray(emb)


def setup_inputs(seed: int = 0) -> dict:
    key = jax.random.key(seed)
    k_x, k_t, k_w, k_b = jax.random.split(key, 4)
    x = jax.random.normal(k_x, (N, N_HID), dtype=jnp.float32)
    t = jax.random.randint(k_t, (N,), 0, MAX_LEN, dtype=jnp.int64 if jax.config.jax_enable_x64 else jnp.int32)
    emb = _make_emb_table()
    bound = 1.0 / math.sqrt(N_HID)
    W = jax.random.uniform(k_w, (N_HID, N_HID), dtype=jnp.float32, minval=-bound, maxval=bound)
    b = jax.random.uniform(k_b, (N_HID,), dtype=jnp.float32, minval=-bound, maxval=bound)
    return {"x": x, "t": t, "emb": emb, "W": W, "b": b}


def reference(x, t, emb, W, b):
    # emb(t): gather rows of the sinusoidal table
    e = jnp.take(emb, t, axis=0)
    # lin(e): torch Linear -> e @ W.T + b
    y = e @ W.T + b
    return x + y

if __name__ == "__main__":
    import jax
    _d = setup_inputs()
    print(jax.jit(kernel)(*tuple(_d.values())))

</pallas_src>

<mosaic_0001>
#map = affine_map<(d0, d1) -> (0, 0)>
#map1 = affine_map<(d0, d1) -> (0)>
module attributes {stable_mosaic.version = 14 : i64} {
  func.func @k(%arg0: i32, %arg1: i32, %arg2: memref<27759x128xf32, #tpu.memory_space<hbm>>, %arg3: memref<320000xi32, #tpu.memory_space<hbm>>, %arg4: memref<320000x128xf32, #tpu.memory_space<hbm>>, %arg5: memref<320000x128xf32, #tpu.memory_space<hbm>>, %arg6: memref<10000xi32, #tpu.memory_space<vmem>>, %arg7: memref<2x208x128xf32, #tpu.memory_space<vmem>>, %arg8: memref<2x208x128xf32, #tpu.memory_space<vmem>>, %arg9: memref<!tpu.dma_semaphore, #tpu.memory_space<semaphore_mem>>, %arg10: memref<!tpu.dma_semaphore, #tpu.memory_space<semaphore_mem>>, %arg11: memref<!tpu.dma_semaphore, #tpu.memory_space<semaphore_mem>>, %arg12: memref<!tpu.dma_semaphore, #tpu.memory_space<semaphore_mem>>, %arg13: memref<!tpu.dma_semaphore, #tpu.memory_space<semaphore_mem>>, %arg14: memref<!tpu.dma_semaphore, #tpu.memory_space<semaphore_mem>>) attributes {dimension_semantics = [#tpu.dimension_semantics<core_parallel>, #tpu.dimension_semantics<subcore_parallel>], iteration_bounds = array<i64: 2, 16>, scalar_prefetch = 0 : i64, scratch_operands = 9 : i64, tpu.core_type = #tpu.core_type<sc_vector_subcore>, window_params = [{transform_indices = #map}, {transform_indices = #map1}, {transform_indices = #map}, {transform_indices = #map}]} {
    %mul3A = arith.constant 2 : i32
    %mul3A_0 = arith.muli %arg1, %mul3A : i32
    %add3A = arith.addi %mul3A_0, %arg0 : i32
    %mul3A_1 = arith.constant 10000 : i32
    %mul3A_2 = arith.muli %add3A, %mul3A_1 : i32
    "tpu.region"() ({
      %run_scoped3A_465 = tpu.sem_alloc : memref<!tpu.dma_semaphore, #tpu.memory_space<semaphore_mem>>
      %dma_start3A_466 = tpu.memref_slice %arg3[%mul3A_2] : memref<320000xi32, #tpu.memory_space<hbm>> -> memref<10000xi32, #tpu.memory_space<hbm>>
      %dma_start3A_467 = tpu.memref_slice %arg3[%mul3A_2] : memref<320000xi32, #tpu.memory_space<hbm>> -> memref<10000xi32, #tpu.memory_space<hbm>>
      tpu.enqueue_dma source(%dma_start3A_467 : memref<10000xi32, #tpu.memory_space<hbm>>) target(%arg6 : memref<10000xi32, #tpu.memory_space<vmem>>) target_semaphore(%run_scoped3A_465 : memref<!tpu.dma_semaphore, #tpu.memory_space<semaphore_mem>>)
      %dma_wait3A_468 = tpu.memref_slice %arg3[%mul3A_2] : memref<320000xi32, #tpu.memory_space<hbm>> -> memref<10000xi32, #tpu.memory_space<hbm>>
      %dma_wait3A_469 = tpu.memref_slice %arg3[%mul3A_2] : memref<320000xi32, #tpu.memory_space<hbm>> -> memref<10000xi32, #tpu.memory_space<hbm>>
      tpu.wait_dma2 semaphore(%run_scoped3A_465 : memref<!tpu.dma_semaphore, #tpu.memory_space<semaphore_mem>>) src(%dma_wait3A_469 : memref<10000xi32, #tpu.memory_space<hbm>>) dst(%arg6 : memref<10000xi32, #tpu.memory_space<vmem>>)
      tpu.yield
    }) : () -> ()
    %dma_start3A = arith.constant 0 : i32
    %dma_start3A_3 = arith.constant 0 : i32
    %dma_start3A_4 = arith.constant 0 : i32
    %dma_start3A_5 = tpu.memref_slice %arg7[%dma_start3A, %dma_start3A_3, %dma_start3A_4] : memref<2x208x128xf32, #tpu.memory_space<vmem>> -> memref<1x104x128xf32, #tpu.memory_space<vmem>>
    %dma_start3A_6 = tpu.memref_squeeze %dma_start3A_5 : memref<1x104x128xf32, #tpu.memory_space<vmem>> -> memref<104x128xf32, #tpu.memory_space<vmem>>
    %dma_start3A_7 = arith.constant 0 : i32
    %dma_start3A_8 = tpu.memref_slice %arg6[%dma_start3A_7] : memref<10000xi32, #tpu.memory_space<vmem>> -> memref<104xi32, #tpu.memory_space<vmem>>
    %dma_start3A_9 = arith.constant 0 : i32
    %dma_start3A_10 = arith.constant 0 : i32
    %dma_start3A_11 = tpu.memref_slice %arg2[%dma_start3A_9, %dma_start3A_10] : memref<27759x128xf32, #tpu.memory_space<hbm>> -> memref<27759x128xf32, #tpu.memory_space<hbm>>
    tpu.enqueue_indirect_dma source(%dma_start3A_11 : memref<27759x128xf32, #tpu.memory_space<hbm>>) target(%dma_start3A_6 : memref<104x128xf32, #tpu.memory_space<vmem>>) offsets(%dma_start3A_8 : memref<104xi32, #tpu.memory_space<vmem>>) semaphore(%arg9 : memref<!tpu.dma_semaphore, #tpu.memory_space<semaphore_mem>>)
    %dma_start3A_12 = arith.constant 0 : i32
    %dma_start3A_13 = arith.constant 104 : i32
    %dma_start3A_14 = arith.constant 0 : i32
    %dma_start3A_15 = tpu.memref_slice %arg7[%dma_start3A_12, %dma_start3A_13, %dma_start3A_14] : memref<2x208x128xf32, #tpu.memory_space<vmem>> -> memref<1x104x128xf32, #tpu.memory_space<vmem>>
    %dma_start3A_16 = tpu.memref_squeeze %dma_start3A_15 : memref<1x104x128xf32, #tpu.memory_space<vmem>> -> memref<104x128xf32, #tpu.memory_space<vmem>>
    %dma_start3A_17 = arith.constant 104 : i32
    %dma_start3A_18 = tpu.memref_slice %arg6[%dma_start3A_17] : memref<10000xi32, #tpu.memory_space<vmem>> -> memref<104xi32, #tpu.memory_space<vmem>>
    %dma_start3A_19 = arith.constant 0 : i32
    %dma_start3A_20 = arith.constant 0 : i32
    %dma_start3A_21 = tpu.memref_slice %arg2[%dma_start3A_19, %dma_start3A_20] : memref<27759x128xf32, #tpu.memory_space<hbm>> -> memref<27759x128xf32, #tpu.memory_space<hbm>>
    tpu.enqueue_indirect_dma source(%dma_start3A_21 : memref<27759x128xf32, #tpu.memory_space<hbm>>) target(%dma_start3A_16 : memref<104x128xf32, #tpu.memory_space<vmem>>) offsets(%dma_start3A_18 : memref<104xi32, #tpu.memory_space<vmem>>) semaphore(%arg9 : memref<!tpu.dma_semaphore, #tpu.memory_space<semaphore_mem>>)
    %add3A_22 = arith.constant 0 : i32
    %add3A_23 = arith.addi %mul3A_2, %add3A_22 : i32
    %dma_start3A_24 = arith.constant 0 : i32
    %dma_start3A_25 = arith.constant 0 : i32
    %dma_start3A_26 = arith.constant 0 : i32
    %dma_start3A_27 = tpu.memref_slice %arg8[%dma_start3A_24, %dma_start3A_25, %dma_start3A_26] : memref<2x208x128xf32, #tpu.memory_space<vmem>> -> memref<1x208x128xf32, #tpu.memory_space<vmem>>
    %dma_start3A_28 = tpu.memref_squeeze %dma_start3A_27 : memref<1x208x128xf32, #tpu.memory_space<vmem>> -> memref<208x128xf32, #tpu.memory_space<vmem>>
    %dma_start3A_29 = arith.constant 0 : i32
    %dma_start3A_30 = tpu.memref_slice %arg4[%add3A_23, %dma_start3A_29] : memref<320000x128xf32, #tpu.memory_space<hbm>> -> memref<208x128xf32, #tpu.memory_space<hbm>>
    %dma_start3A_31 = arith.constant 0 : i32
    %dma_start3A_32 = arith.constant 0 : i32
    %dma_start3A_33 = tpu.memref_slice %arg8[%dma_start3A_24, %dma_start3A_31, %dma_start3A_32] : memref<2x208x128xf32, #tpu.memory_space<vmem>> -> memref<1x208x128xf32, #tpu.memory_space<vmem>>
    %dma_start3A_34 = tpu.memref_squeeze %dma_start3A_33 : memref<1x208x128xf32, #tpu.memory_space<vmem>> -> memref<208x128xf32, #tpu.memory_space<vmem>>
    %dma_start3A_35 = arith.constant 0 : i32
    %dma_start3A_36 = tpu.memref_slice %arg4[%add3A_23, %dma_start3A_35] : memref<320000x128xf32, #tpu.memory_space<hbm>> -> memref<208x128xf32, #tpu.memory_space<hbm>>
    tpu.enqueue_dma source(%dma_start3A_36 : memref<208x128xf32, #tpu.memory_space<hbm>>) target(%dma_start3A_34 : memref<208x128xf32, #tpu.memory_space<vmem>>) target_semaphore(%arg11 : memref<!tpu.dma_semaphore, #tpu.memory_space<semaphore_mem>>)
    %dma_wait3A = arith.constant 0 : i32
    %dma_wait3A_37 = arith.constant 0 : i32
    %dma_wait3A_38 = arith.constant 0 : i32
    %dma_wait3A_39 = tpu.memref_slice %arg7[%dma_wait3A, %dma_wait3A_37, %dma_wait3A_38] : memref<2x208x128xf32, #tpu.memory_space<vmem>> -> memref<1x104x128xf32, #tpu.memory_space<vmem>>
    %dma_wait3A_40 = tpu.memref_squeeze %dma_wait3A_39 : memref<1x104x128xf32, #tpu.memory_space<vmem>> -> memref<104x128xf32, #tpu.memory_space<vmem>>
    %dma_wait3A_41 = arith.constant 0 : i32
    %dma_wait3A_42 = tpu.memref_slice %arg6[%dma_wait3A_41] : memref<10000xi32, #tpu.memory_space<vmem>> -> memref<104xi32, #tpu.memory_space<vmem>>
    %dma_wait3A_43 = arith.constant 0 : i32
    %dma_wait3A_44 = arith.constant 0 : i32
    %dma_wait3A_45 = tpu.memref_slice %arg2[%dma_wait3A_43, %dma_wait3A_44] : memref<27759x128xf32, #tpu.memory_space<hbm>> -> memref<27759x128xf32, #tpu.memory_space<hbm>>
    tpu.wait_indirect_dma semaphore(%arg9 : memref<!tpu.dma_semaphore, #tpu.memory_space<semaphore_mem>>) src(%dma_wait3A_45 : memref<27759x128xf32, #tpu.memory_space<hbm>>) dst(%dma_wait3A_40 : memref<104x128xf32, #tpu.memory_space<vmem>>)
    %dma_wait3A_46 = arith.constant 0 : i32
    %dma_wait3A_47 = arith.constant 104 : i32
    %dma_wait3A_48 = arith.constant 0 : i32
    %dma_wait3A_49 = tpu.memref_slice %arg7[%dma_wait3A_46, %dma_wait3A_47, %dma_wait3A_48] : memref<2x208x128xf32, #tpu.memory_space<vmem>> -> memref<1x104x128xf32, #tpu.memory_space<vmem>>
    %dma_wait3A_50 = tpu.memref_squeeze %dma_wait3A_49 : memref<1x104x128xf32, #tpu.memory_space<vmem>> -> memref<104x128xf32, #tpu.memory_space<vmem>>
    %dma_wait3A_51 = arith.constant 104 : i32
    %dma_wait3A_52 = tpu.memref_slice %arg6[%dma_wait3A_51] : memref<10000xi32, #tpu.memory_space<vmem>> -> memref<104xi32, #tpu.memory_space<vmem>>
    %dma_wait3A_53 = arith.constant 0 : i32
    %dma_wait3A_54 = arith.constant 0 : i32
    %dma_wait3A_55 = tpu.memref_slice %arg2[%dma_wait3A_53, %dma_wait3A_54] : memref<27759x128xf32, #tpu.memory_space<hbm>> -> memref<27759x128xf32, #tpu.memory_space<hbm>>
    tpu.wait_indirect_dma semaphore(%arg9 : memref<!tpu.dma_semaphore, #tpu.memory_space<semaphore_mem>>) src(%dma_wait3A_55 : memref<27759x128xf32, #tpu.memory_space<hbm>>) dst(%dma_wait3A_50 : memref<104x128xf32, #tpu.memory_space<vmem>>)
    %add3A_56 = arith.constant 0 : i32
    %add3A_57 = arith.addi %mul3A_2, %add3A_56 : i32
    %dma_wait3A_58 = arith.constant 0 : i32
    %dma_wait3A_59 = arith.constant 0 : i32
    %dma_wait3A_60 = arith.constant 0 : i32
    %dma_wait3A_61 = tpu.memref_slice %arg8[%dma_wait3A_58, %dma_wait3A_59, %dma_wait3A_60] : memref<2x208x128xf32, #tpu.memory_space<vmem>> -> memref<1x208x128xf32, #tpu.memory_space<vmem>>
    %dma_wait3A_62 = tpu.memref_squeeze %dma_wait3A_61 : memref<1x208x128xf32, #tpu.memory_space<vmem>> -> memref<208x128xf32, #tpu.memory_space<vmem>>
    %dma_wait3A_63 = arith.constant 0 : i32
    %dma_wait3A_64 = tpu.memref_slice %arg4[%add3A_57, %dma_wait3A_63] : memref<320000x128xf32, #tpu.memory_space<hbm>> -> memref<208x128xf32, #tpu.memory_space<hbm>>
    %dma_wait3A_65 = arith.constant 0 : i32
    %dma_wait3A_66 = arith.constant 0 : i32
    %dma_wait3A_67 = tpu.memref_slice %arg8[%dma_wait3A_58, %dma_wait3A_65, %dma_wait3A_66] : memref<2x208x128xf32, #tpu.memory_space<vmem>> -> memref<1x208x128xf32, #tpu.memory_space<vmem>>
    %dma_wait3A_68 = tpu.memref_squeeze %dma_wait3A_67 : memref<1x208x128xf32, #tpu.memory_space<vmem>> -> memref<208x128xf32, #tpu.memory_space<vmem>>
    %dma_wait3A_69 = arith.constant 0 : i32
    %dma_wait3A_70 = tpu.memref_slice %arg4[%add3A_57, %dma_wait3A_69] : memref<320000x128xf32, #tpu.memory_space<hbm>> -> memref<208x128xf32, #tpu.memory_space<hbm>>
    tpu.wait_dma2 semaphore(%arg11 : memref<!tpu.dma_semaphore, #tpu.memory_space<semaphore_mem>>) src(%dma_wait3A_70 : memref<208x128xf32, #tpu.memory_space<hbm>>) dst(%dma_wait3A_68 : memref<208x128xf32, #tpu.memory_space<vmem>>)
    %dma_start3A_71 = arith.constant 1 : i32
    %dma_start3A_72 = arith.constant 0 : i32
    %dma_start3A_73 = arith.constant 0 : i32
    %dma_start3A_74 = tpu.memref_slice %arg7[%dma_start3A_71, %dma_start3A_72, %dma_start3A_73] : memref<2x208x128xf32, #tpu.memory_space<vmem>> -> memref<1x104x128xf32, #tpu.memory_space<vmem>>
    %dma_start3A_75 = tpu.memref_squeeze %dma_start3A_74 : memref<1x104x128xf32, #tpu.memory_space<vmem>> -> memref<104x128xf32, #tpu.memory_space<vmem>>
    %dma_start3A_76 = arith.constant 208 : i32
    %dma_start3A_77 = tpu.memref_slice %arg6[%dma_start3A_76] : memref<10000xi32, #tpu.memory_space<vmem>> -> memref<104xi32, #tpu.memory_space<vmem>>
    %dma_start3A_78 = arith.constant 0 : i32
    %dma_start3A_79 = arith.constant 0 : i32
    %dma_start3A_80 = tpu.memref_slice %arg2[%dma_start3A_78, %dma_start3A_79] : memref<27759x128xf32, #tpu.memory_space<hbm>> -> memref<27759x128xf32, #tpu.memory_space<hbm>>
    tpu.enqueue_indirect_dma source(%dma_start3A_80 : memref<27759x128xf32, #tpu.memory_space<hbm>>) target(%dma_start3A_75 : memref<104x128xf32, #tpu.memory_space<vmem>>) offsets(%dma_start3A_77 : memref<104xi32, #tpu.memory_space<vmem>>) semaphore(%arg10 : memref<!tpu.dma_semaphore, #tpu.memory_space<semaphore_mem>>)
    %dma_start3A_81 = arith.constant 1 : i32
    %dma_start3A_82 = arith.constant 104 : i32
    %dma_start3A_83 = arith.constant 0 : i32
    %dma_start3A_84 = tpu.memref_slice %arg7[%dma_start3A_81, %dma_start3A_82, %dma_start3A_83] : memref<2x208x128xf32, #tpu.memory_space<vmem>> -> memref<1x104x128xf32, #tpu.memory_space<vmem>>
    %dma_start3A_85 = tpu.memref_squeeze %dma_start3A_84 : memref<1x104x128xf32, #tpu.memory_space<vmem>> -> memref<104x128xf32, #tpu.memory_space<vmem>>
    %dma_start3A_86 = arith.constant 312 : i32
    %dma_start3A_87 = tpu.memref_slice %arg6[%dma_start3A_86] : memref<10000xi32, #tpu.memory_space<vmem>> -> memref<104xi32, #tpu.memory_space<vmem>>
    %dma_start3A_88 = arith.constant 0 : i32
    %dma_start3A_89 = arith.constant 0 : i32
    %dma_start3A_90 = tpu.memref_slice %arg2[%dma_start3A_88, %dma_start3A_89] : memref<27759x128xf32, #tpu.memory_space<hbm>> -> memref<27759x128xf32, #tpu.memory_space<hbm>>
    tpu.enqueue_indirect_dma source(%dma_start3A_90 : memref<27759x128xf32, #tpu.memory_space<hbm>>) target(%dma_start3A_85 : memref<104x128xf32, #tpu.memory_space<vmem>>) offsets(%dma_start3A_87 : memref<104xi32, #tpu.memory_space<vmem>>) semaphore(%arg10 : memref<!tpu.dma_semaphore, #tpu.memory_space<semaphore_mem>>)
    %add3A_91 = arith.constant 208 : i32
    %add3A_92 = arith.addi %mul3A_2, %add3A_91 : i32
    %dma_start3A_93 = arith.constant 1 : i32
    %dma_start3A_94 = arith.constant 0 : i32
    %dma_start3A_95 = arith.constant 0 : i32
    %dma_start3A_96 = tpu.memref_slice %arg8[%dma_start3A_93, %dma_start3A_94, %dma_start3A_95] : memref<2x208x128xf32, #tpu.memory_space<vmem>> -> memref<1x208x128xf32, #tpu.memory_space<vmem>>
    %dma_start3A_97 = tpu.memref_squeeze %dma_start3A_96 : memref<1x208x128xf32, #tpu.memory_space<vmem>> -> memref<208x128xf32, #tpu.memory_space<vmem>>
    %dma_start3A_98 = arith.constant 0 : i32
    %dma_start3A_99 = tpu.memref_slice %arg4[%add3A_92, %dma_start3A_98] : memref<320000x128xf32, #tpu.memory_space<hbm>> -> memref<208x128xf32, #tpu.memory_space<hbm>>
    %dma_start3A_100 = arith.constant 0 : i32
    %dma_start3A_101 = arith.constant 0 : i32
    %dma_start3A_102 = tpu.memref_slice %arg8[%dma_start3A_93, %dma_start3A_100, %dma_start3A_101] : memref<2x208x128xf32, #tpu.memory_space<vmem>> -> memref<1x208x128xf32, #tpu.memory_space<vmem>>
    %dma_start3A_103 = tpu.memref_squeeze %dma_start3A_102 : memref<1x208x128xf32, #tpu.memory_space<vmem>> -> memref<208x128xf32, #tpu.memory_space<vmem>>
    %dma_start3A_104 = arith.constant 0 : i32
    %dma_start3A_105 = tpu.memref_slice %arg4[%add3A_92, %dma_start3A_104] : memref<320000x128xf32, #tpu.memory_space<hbm>> -> memref<208x128xf32, #tpu.memory_space<hbm>>
    tpu.enqueue_dma source(%dma_start3A_105 : memref<208x128xf32, #tpu.memory_space<hbm>>) target(%dma_start3A_103 : memref<208x128xf32, #tpu.memory_space<vmem>>) target_semaphore(%arg12 : memref<!tpu.dma_semaphore, #tpu.memory_space<semaphore_mem>>)
    %scan3A = arith.constant 0 : i32
    %scan3A_106 = arith.constant 0 : i32
    %scan3A_107 = arith.constant 208 : i32
    %scan3A_108 = arith.addi %scan3A_106, %scan3A_107 : i32
    %scan3A_109 = arith.constant 1 : i32
    %scan3A_110 = scf.for %scan3A_465 = %scan3A_106 to %scan3A_108 step %scan3A_109 iter_args(%scan3A_466 = %scan3A) -> (i32)  : i32 {
      %get3A = arith.constant 0 : i32
      %get3A_467 = arith.index_cast %get3A : i32 to index
      %get3A_468 = arith.index_cast %scan3A_465 : i32 to index
      %get3A_469 = arith.constant 0 : index
      %get3A_470 = tpu.vector_load %arg8[%get3A_467, %get3A_468, %get3A_469] {strides = array<i32>} : memref<2x208x128xf32, #tpu.memory_space<vmem>>, vector<16xf32>,
      %get3A_471 = arith.constant 0 : i32
      %get3A_472 = arith.index_cast %get3A_471 : i32 to index
      %get3A_473 = arith.index_cast %scan3A_465 : i32 to index
      %get3A_474 = arith.constant 0 : index
      %get3A_475 = tpu.vector_load %arg7[%get3A_472, %get3A_473, %get3A_474] {strides = array<i32>} : memref<2x208x128xf32, #tpu.memory_space<vmem>>, vector<16xf32>,
      %add3A_476 = arith.addf %get3A_470, %get3A_475 : vector<16xf32>
      %swap3A = arith.constant 0 : i32
      %swap3A_477 = arith.index_cast %swap3A : i32 to index
      %swap3A_478 = arith.index_cast %scan3A_465 : i32 to index
      %swap3A_479 = arith.constant 0 : index
      %swap3A_480 = tpu.vector_load %arg8[%swap3A_477, %swap3A_478, %swap3A_479] {strides = array<i32>} : memref<2x208x128xf32, #tpu.memory_space<vmem>>, vector<16xf32>,
      tpu.vector_store %arg8[%swap3A_477, %swap3A_478, %swap3A_479], %add3A_476 {strides = array<i32>} : memref<2x208x128xf32, #tpu.memory_space<vmem>>, vector<16xf32>,
      %get3A_481 = arith.constant 0 : i32
      %get3A_482 = arith.index_cast %get3A_481 : i32 to index
      %get3A_483 = arith.index_cast %scan3A_465 : i32 to index
      %get3A_484 = arith.constant 16 : index
      %get3A_485 = tpu.vector_load %arg8[%get3A_482, %get3A_483, %get3A_484] {strides = array<i32>} : memref<2x208x128xf32, #tpu.memory_space<vmem>>, vector<16xf32>,
      %get3A_486 = arith.constant 0 : i32
      %get3A_487 = arith.index_cast %get3A_486 : i32 to index
      %get3A_488 = arith.index_cast %scan3A_465 : i32 to index
      %get3A_489 = arith.constant 16 : index
      %get3A_490 = tpu.vector_load %arg7[%get3A_487, %get3A_488, %get3A_489] {strides = array<i32>} : memref<2x208x128xf32, #tpu.memory_space<vmem>>, vector<16xf32>,
      %add3A_491 = arith.addf %get3A_485, %get3A_490 : vector<16xf32>
      %swap3A_492 = arith.constant 0 : i32
      %swap3A_493 = arith.index_cast %swap3A_492 : i32 to index
      %swap3A_494 = arith.index_cast %scan3A_465 : i32 to index
      %swap3A_495 = arith.constant 16 : index
      %swap3A_496 = tpu.vector_load %arg8[%swap3A_493, %swap3A_494, %swap3A_495] {strides = array<i32>} : memref<2x208x128xf32, #tpu.memory_space<vmem>>, vector<16xf32>,
      tpu.vector_store %arg8[%swap3A_493, %swap3A_494, %swap3A_495], %add3A_491 {strides = array<i32>} : memref<2x208x128xf32, #tpu.memory_space<vmem>>, vector<16xf32>,
      %get3A_497 = arith.constant 0 : i32
      %get3A_498 = arith.index_cast %get3A_497 : i32 to index
      %get3A_499 = arith.index_cast %scan3A_465 : i32 to index
      %get3A_500 = arith.constant 32 : index
      %get3A_501 = tpu.vector_load %arg8[%get3A_498, %get3A_499, %get3A_500] {strides = array<i32>} : memref<2x208x128xf32, #tpu.memory_space<vmem>>, vector<16xf32>,
      %get3A_502 = arith.constant 0 : i32
      %get3A_503 = arith.index_cast %get3A_502 : i32 to index
      %get3A_504 = arith.index_cast %scan3A_465 : i32 to index
      %get3A_505 = arith.constant 32 : index
      %get3A_506 = tpu.vector_load %arg7[%get3A_503, %get3A_504, %get3A_505] {strides = array<i32>} : memref<2x208x128xf32, #tpu.memory_space<vmem>>, vector<16xf32>,
      %add3A_507 = arith.addf %get3A_501, %get3A_506 : vector<16xf32>
      %swap3A_508 = arith.constant 0 : i32
      %swap3A_509 = arith.index_cast %swap3A_508 : i32 to index
      %swap3A_510 = arith.index_cast %scan3A_465 : i32 to index
      %swap3A_511 = arith.constant 32 : index
      %swap3A_512 = tpu.vector_load %arg8[%swap3A_509, %swap3A_510, %swap3A_511] {strides = array<i32>} : memref<2x208x128xf32, #tpu.memory_space<vmem>>, vector<16xf32>,
      tpu.vector_store %arg8[%swap3A_509, %swap3A_510, %swap3A_511], %add3A_507 {strides = array<i32>} : memref<2x208x128xf32, #tpu.memory_space<vmem>>, vector<16xf32>,
      %get3A_513 = arith.constant 0 : i32
      %get3A_514 = arith.index_cast %get3A_513 : i32 to index
      %get3A_515 = arith.index_cast %scan3A_465 : i32 to index
      %get3A_516 = arith.constant 48 : index
      %get3A_517 = tpu.vector_load %arg8[%get3A_514, %get3A_515, %get3A_516] {strides = array<i32>} : memref<2x208x128xf32, #tpu.memory_space<vmem>>, vector<16xf32>,
      %get3A_518 = arith.constant 0 : i32
      %get3A_519 = arith.index_cast %get3A_518 : i32 to index
      %get3A_520 = arith.index_cast %scan3A_465 : i32 to index
      %get3A_521 = arith.constant 48 : index
      %get3A_522 = tpu.vector_load %arg7[%get3A_519, %get3A_520, %get3A_521] {strides = array<i32>} : memref<2x208x128xf32, #tpu.memory_space<vmem>>, vector<16xf32>,
      %add3A_523 = arith.addf %get3A_517, %get3A_522 : vector<16xf32>
      %swap3A_524 = arith.constant 0 : i32
      %swap3A_525 = arith.index_cast %swap3A_524 : i32 to index
      %swap3A_526 = arith.index_cast %scan3A_465 : i32 to index
      %swap3A_527 = arith.constant 48 : index
      %swap3A_528 = tpu.vector_load %arg8[%swap3A_525, %swap3A_526, %swap3A_527] {strides = array<i32>} : memref<2x208x128xf32, #tpu.memory_space<vmem>>, vector<16xf32>,
      tpu.vector_store %arg8[%swap3A_525, %swap3A_526, %swap3A_527], %add3A_523 {strides = array<i32>} : memref<2x208x128xf32, #tpu.memory_space<vmem>>, vector<16xf32>,
      %get3A_529 = arith.constant 0 : i32
      %get3A_530 = arith.index_cast %get3A_529 : i32 to index
      %get3A_531 = arith.index_cast %scan3A_465 : i32 to index
      %get3A_532 = arith.constant 64 : index
      %get3A_533 = tpu.vector_load %arg8[%get3A_530, %get3A_531, %get3A_532] {strides = array<i32>} : memref<2x208x128xf32, #tpu.memory_space<vmem>>, vector<16xf32>,
      %get3A_534 = arith.constant 0 : i32
      %get3A_535 = arith.index_cast %get3A_534 : i32 to index
      %get3A_536 = arith.index_cast %scan3A_465 : i32 to index
      %get3A_537 = arith.constant 64 : index
      %get3A_538 = tpu.vector_load %arg7[%get3A_535, %get3A_536, %get3A_537] {strides = array<i32>} : memref<2x208x128xf32, #tpu.memory_space<vmem>>, vector<16xf32>,
      %add3A_539 = arith.addf %get3A_533, %get3A_538 : vector<16xf32>
      %swap3A_540 = arith.constant 0 : i32
      %swap3A_541 = arith.index_cast %swap3A_540 : i32 to index
      %swap3A_542 = arith.index_cast %scan3A_465 : i32 to index
      %swap3A_543 = arith.constant 64 : index
      %swap3A_544 = tpu.vector_load %arg8[%swap3A_541, %swap3A_542, %swap3A_543] {strides = array<i32>} : memref<2x208x128xf32, #tpu.memory_space<vmem>>, vector<16xf32>,
      tpu.vector_store %arg8[%swap3A_541, %swap3A_542, %swap3A_543], %add3A_539 {strides = array<i32>} : memref<2x208x128xf32, #tpu.memory_space<vmem>>, vector<16xf32>,
      %get3A_545 = arith.constant 0 : i32
      %get3A_546 = arith.index_cast %get3A_545 : i32 to index
      %get3A_547 = arith.index_cast %scan3A_465 : i32 to index
      %get3A_548 = arith.constant 80 : index
      %get3A_549 = tpu.vector_load %arg8[%get3A_546, %get3A_547, %get3A_548] {strides = array<i32>} : memref<2x208x128xf32, #tpu.memory_space<vmem>>, vector<16xf32>,
      %get3A_550 = arith.constant 0 : i32
      %get3A_551 = arith.index_cast %get3A_550 : i32 to index
      %get3A_552 = arith.index_cast %scan3A_465 : i32 to index
      %get3A_553 = arith.constant 80 : index
      %get3A_554 = tpu.vector_load %arg7[%get3A_551, %get3A_552, %get3A_553] {strides = array<i32>} : memref<2x208x128xf32, #tpu.memory_space<vmem>>, vector<16xf32>,
      %add3A_555 = arith.addf %get3A_549, %get3A_554 : vector<16xf32>
      %swap3A_556 = arith.constant 0 : i32
      %swap3A_557 = arith.index_cast %swap3A_556 : i32 to index
      %swap3A_558 = arith.index_cast %scan3A_465 : i32 to index
      %swap3A_559 = arith.constant 80 : index
      %swap3A_560 = tpu.vector_load %arg8[%swap3A_557, %swap3A_558, %swap3A_559] {strides = array<i32>} : memref<2x208x128xf32, #tpu.memory_space<vmem>>, vector<16xf32>,
      tpu.vector_store %arg8[%swap3A_557, %swap3A_558, %swap3A_559], %add3A_555 {strides = array<i32>} : memref<2x208x128xf32, #tpu.memory_space<vmem>>, vector<16xf32>,
      %get3A_561 = arith.constant 0 : i32
      %get3A_562 = arith.index_cast %get3A_561 : i32 to index
      %get3A_563 = arith.index_cast %scan3A_465 : i32 to index
      %get3A_564 = arith.constant 96 : index
      %get3A_565 = tpu.vector_load %arg8[%get3A_562, %get3A_563, %get3A_564] {strides = array<i32>} : memref<2x208x128xf32, #tpu.memory_space<vmem>>, vector<16xf32>,
      %get3A_566 = arith.constant 0 : i32
      %get3A_567 = arith.index_cast %get3A_566 : i32 to index
      %get3A_568 = arith.index_cast %scan3A_465 : i32 to index
      %get3A_569 = arith.constant 96 : index
      %get3A_570 = tpu.vector_load %arg7[%get3A_567, %get3A_568, %get3A_569] {strides = array<i32>} : memref<2x208x128xf32, #tpu.memory_space<vmem>>, vector<16xf32>,
      %add3A_571 = arith.addf %get3A_565, %get3A_570 : vector<16xf32>
      %swap3A_572 = arith.constant 0 : i32
      %swap3A_573 = arith.index_cast %swap3A_572 : i32 to index
      %swap3A_574 = arith.index_cast %scan3A_465 : i32 to index
      %swap3A_575 = arith.constant 96 : index
      %swap3A_576 = tpu.vector_load %arg8[%swap3A_573, %swap3A_574, %swap3A_575] {strides = array<i32>} : memref<2x208x128xf32, #tpu.memory_space<vmem>>, vector<16xf32>,
      tpu.vector_store %arg8[%swap3A_573, %swap3A_574, %swap3A_575], %add3A_571 {strides = array<i32>} : memref<2x208x128xf32, #tpu.memory_space<vmem>>, vector<16xf32>,
      %get3A_577 = arith.constant 0 : i32
      %get3A_578 = arith.index_cast %get3A_577 : i32 to index
      %get3A_579 = arith.index_cast %scan3A_465 : i32 to index
      %get3A_580 = arith.constant 112 : index
      %get3A_581 = tpu.vector_load %arg8[%get3A_578, %get3A_579, %get3A_580] {strides = array<i32>} : memref<2x208x128xf32, #tpu.memory_space<vmem>>, vector<16xf32>,
      %get3A_582 = arith.constant 0 : i32
      %get3A_583 = arith.index_cast %get3A_582 : i32 to index
      %get3A_584 = arith.index_cast %scan3A_465 : i32 to index
      %get3A_585 = arith.constant 112 : index
      %get3A_586 = tpu.vector_load %arg7[%get3A_583, %get3A_584, %get3A_585] {strides = array<i32>} : memref<2x208x128xf32, #tpu.memory_space<vmem>>, vector<16xf32>,
      %add3A_587 = arith.addf %get3A_581, %get3A_586 : vector<16xf32>
      %swap3A_588 = arith.constant 0 : i32
      %swap3A_589 = arith.index_cast %swap3A_588 : i32 to index
      %swap3A_590 = arith.index_cast %scan3A_465 : i32 to index
      %swap3A_591 = arith.constant 112 : index
      %swap3A_592 = tpu.vector_load %arg8[%swap3A_589, %swap3A_590, %swap3A_591] {strides = array<i32>} : memref<2x208x128xf32, #tpu.memory_space<vmem>>, vector<16xf32>,
      tpu.vector_store %arg8[%swap3A_589, %swap3A_590, %swap3A_591], %add3A_587 {strides = array<i32>} : memref<2x208x128xf32, #tpu.memory_space<vmem>>, vector<16xf32>,
      %scan3A_593 = arith.constant 0 : i32
      scf.yield %scan3A_593 : i32
    }
    %scan3A_111 = arith.constant 208 : i32
    %add3A_112 = arith.constant 0 : i32
    %add3A_113 = arith.addi %mul3A_2, %add3A_112 : i32
    %dma_start3A_114 = arith.constant 0 : i32
    %dma_start3A_115 = arith.constant 0 : i32
    %dma_start3A_116 = arith.constant 0 : i32
    %dma_start3A_117 = tpu.memref_slice %arg8[%dma_start3A_114, %dma_start3A_115, %dma_start3A_116] : memref<2x208x128xf32, #tpu.memory_space<vmem>> -> memref<1x208x128xf32, #tpu.memory_space<vmem>>
    %dma_start3A_118 = tpu.memref_squeeze %dma_start3A_117 : memref<1x208x128xf32, #tpu.memory_space<vmem>> -> memref<208x128xf32, #tpu.memory_space<vmem>>
    %dma_start3A_119 = arith.constant 0 : i32
    %dma_start3A_120 = tpu.memref_slice %arg5[%add3A_113, %dma_start3A_119] : memref<320000x128xf32, #tpu.memory_space<hbm>> -> memref<208x128xf32, #tpu.memory_space<hbm>>
    %dma_start3A_121 = arith.constant 0 : i32
    %dma_start3A_122 = tpu.memref_slice %arg5[%add3A_113, %dma_start3A_121] : memref<320000x128xf32, #tpu.memory_space<hbm>> -> memref<208x128xf32, #tpu.memory_space<hbm>>
    %dma_start3A_123 = arith.constant 0 : i32
    %dma_start3A_124 = arith.constant 0 : i32
    %dma_start3A_125 = tpu.memref_slice %arg8[%dma_start3A_114, %dma_start3A_123, %dma_start3A_124] : memref<2x208x128xf32, #tpu.memory_space<vmem>> -> memref<1x208x128xf32, #tpu.memory_space<vmem>>
    %dma_start3A_126 = tpu.memref_squeeze %dma_start3A_125 : memref<1x208x128xf32, #tpu.memory_space<vmem>> -> memref<208x128xf32, #tpu.memory_space<vmem>>
    tpu.enqueue_dma source(%dma_start3A_126 : memref<208x128xf32, #tpu.memory_space<vmem>>) target(%dma_start3A_122 : memref<208x128xf32, #tpu.memory_space<hbm>>) target_semaphore(%arg13 : memref<!tpu.dma_semaphore, #tpu.memory_space<semaphore_mem>>)
    %dma_wait3A_127 = arith.constant 1 : i32
    %dma_wait3A_128 = arith.constant 0 : i32
    %dma_wait3A_129 = arith.constant 0 : i32
    %dma_wait3A_130 = tpu.memref_slice %arg7[%dma_wait3A_127, %dma_wait3A_128, %dma_wait3A_129] : memref<2x208x128xf32, #tpu.memory_space<vmem>> -> memref<1x104x128xf32, #tpu.memory_space<vmem>>
    %dma_wait3A_131 = tpu.memref_squeeze %dma_wait3A_130 : memref<1x104x128xf32, #tpu.memory_space<vmem>> -> memref<104x128xf32, #tpu.memory_space<vmem>>
    %dma_wait3A_132 = arith.constant 208 : i32
    %dma_wait3A_133 = tpu.memref_slice %arg6[%dma_wait3A_132] : memref<10000xi32, #tpu.memory_space<vmem>> -> memref<104xi32, #tpu.memory_space<vmem>>
    %dma_wait3A_134 = arith.constant 0 : i32
    %dma_wait3A_135 = arith.constant 0 : i32
    %dma_wait3A_136 = tpu.memref_slice %arg2[%dma_wait3A_134, %dma_wait3A_135] : memref<27759x128xf32, #tpu.memory_space<hbm>> -> memref<27759x128xf32, #tpu.memory_space<hbm>>
    tpu.wait_indirect_dma semaphore(%arg10 : memref<!tpu.dma_semaphore, #tpu.memory_space<semaphore_mem>>) src(%dma_wait3A_136 : memref<27759x128xf32, #tpu.memory_space<hbm>>) dst(%dma_wait3A_131 : memref<104x128xf32, #tpu.memory_space<vmem>>)
    %dma_wait3A_137 = arith.constant 1 : i32
    %dma_wait3A_138 = arith.constant 104 : i32
    %dma_wait3A_139 = arith.constant 0 : i32
    %dma_wait3A_140 = tpu.memref_slice %arg7[%dma_wait3A_137, %dma_wait3A_138, %dma_wait3A_139] : memref<2x208x128xf32, #tpu.memory_space<vmem>> -> memref<1x104x128xf32, #tpu.memory_space<vmem>>
    %dma_wait3A_141 = tpu.memref_squeeze %dma_wait3A_140 : memref<1x104x128xf32, #tpu.memory_space<vmem>> -> memref<104x128xf32, #tpu.memory_space<vmem>>
    %dma_wait3A_142 = arith.constant 312 : i32
    %dma_wait3A_143 = tpu.memref_slice %arg6[%dma_wait3A_142] : memref<10000xi32, #tpu.memory_space<vmem>> -> memref<104xi32, #tpu.memory_space<vmem>>
    %dma_wait3A_144 = arith.constant 0 : i32
    %dma_wait3A_145 = arith.constant 0 : i32
    %dma_wait3A_146 = tpu.memref_slice %arg2[%dma_wait3A_144, %dma_wait3A_145] : memref<27759x128xf32, #tpu.memory_space<hbm>> -> memref<27759x128xf32, #tpu.memory_space<hbm>>
    tpu.wait_indirect_dma semaphore(%arg10 : memref<!tpu.dma_semaphore, #tpu.memory_space<semaphore_mem>>) src(%dma_wait3A_146 : memref<27759x128xf32, #tpu.memory_space<hbm>>) dst(%dma_wait3A_141 : memref<104x128xf32, #tpu.memory_space<vmem>>)
    %add3A_147 = arith.constant 208 : i32
    %add3A_148 = arith.addi %mul3A_2, %add3A_147 : i32
    %dma_wait3A_149 = arith.constant 1 : i32
    %dma_wait3A_150 = arith.constant 0 : i32
    %dma_wait3A_151 = arith.constant 0 : i32
    %dma_wait3A_152 = tpu.memref_slice %arg8[%dma_wait3A_149, %dma_wait3A_150, %dma_wait3A_151] : memref<2x208x128xf32, #tpu.memory_space<vmem>> -> memref<1x208x128xf32, #tpu.memory_space<vmem>>
    %dma_wait3A_153 = tpu.memref_squeeze %dma_wait3A_152 : memref<1x208x128xf32, #tpu.memory_space<vmem>> -> memref<208x128xf32, #tpu.memory_space<vmem>>
    %dma_wait3A_154 = arith.constant 0 : i32
    %dma_wait3A_155 = tpu.memref_slice %arg4[%add3A_148, %dma_wait3A_154] : memref<320000x128xf32, #tpu.memory_space<hbm>> -> memref<208x128xf32, #tpu.memory_space<hbm>>
    %dma_wait3A_156 = arith.constant 0 : i32
    %dma_wait3A_157 = arith.constant 0 : i32
    %dma_wait3A_158 = tpu.memref_slice %arg8[%dma_wait3A_149, %dma_wait3A_156, %dma_wait3A_157] : memref<2x208x128xf32, #tpu.memory_space<vmem>> -> memref<1x208x128xf32, #tpu.memory_space<vmem>>
    %dma_wait3A_159 = tpu.memref_squeeze %dma_wait3A_158 : memref<1x208x128xf32, #tpu.memory_space<vmem>> -> memref<208x128xf32, #tpu.memory_space<vmem>>
    %dma_wait3A_160 = arith.constant 0 : i32
    %dma_wait3A_161 = tpu.memref_slice %arg4[%add3A_148, %dma_wait3A_160] : memref<320000x128xf32, #tpu.memory_space<hbm>> -> memref<208x128xf32, #tpu.memory_space<hbm>>
    tpu.wait_dma2 semaphore(%arg12 : memref<!tpu.dma_semaphore, #tpu.memory_space<semaphore_mem>>) src(%dma_wait3A_161 : memref<208x128xf32, #tpu.memory_space<hbm>>) dst(%dma_wait3A_159 : memref<208x128xf32, #tpu.memory_space<vmem>>)
    %add3A_162 = arith.constant 0 : i32
    %add3A_163 = arith.addi %mul3A_2, %add3A_162 : i32
    %dma_wait3A_164 = arith.constant 0 : i32
    %dma_wait3A_165 = arith.constant 0 : i32
    %dma_wait3A_166 = arith.constant 0 : i32
    %dma_wait3A_167 = tpu.memref_slice %arg8[%dma_wait3A_164, %dma_wait3A_165, %dma_wait3A_166] : memref<2x208x128xf32, #tpu.memory_space<vmem>> -> memref<1x208x128xf32, #tpu.memory_space<vmem>>
    %dma_wait3A_168 = tpu.memref_squeeze %dma_wait3A_167 : memref<1x208x128xf32, #tpu.memory_space<vmem>> -> memref<208x128xf32, #tpu.memory_space<vmem>>
    %dma_wait3A_169 = arith.constant 0 : i32
    %dma_wait3A_170 = tpu.memref_slice %arg5[%add3A_163, %dma_wait3A_169] : memref<320000x128xf32, #tpu.memory_space<hbm>> -> memref<208x128xf32, #tpu.memory_space<hbm>>
    %dma_wait3A_171 = arith.constant 0 : i32
    %dma_wait3A_172 = tpu.memref_slice %arg5[%add3A_163, %dma_wait3A_171] : memref<320000x128xf32, #tpu.memory_space<hbm>> -> memref<208x128xf32, #tpu.memory_space<hbm>>
    %dma_wait3A_173 = arith.constant 0 : i32
    %dma_wait3A_174 = arith.constant 0 : i32
    %dma_wait3A_175 = tpu.memref_slice %arg8[%dma_wait3A_164, %dma_wait3A_173, %dma_wait3A_174] : memref<2x208x128xf32, #tpu.memory_space<vmem>> -> memref<1x208x128xf32, #tpu.memory_space<vmem>>
    %dma_wait3A_176 = tpu.memref_squeeze %dma_wait3A_175 : memref<1x208x128xf32, #tpu.memory_space<vmem>> -> memref<208x128xf32, #tpu.memory_space<vmem>>
    tpu.wait_dma2 semaphore(%arg13 : memref<!tpu.dma_semaphore, #tpu.memory_space<semaphore_mem>>) src(%dma_wait3A_176 : memref<208x128xf32, #tpu.memory_space<vmem>>) dst(%dma_wait3A_172 : memref<208x128xf32, #tpu.memory_space<hbm>>)
    %dma_start3A_177 = arith.constant 0 : i32
    %dma_start3A_178 = arith.constant 0 : i32
    %dma_start3A_179 = arith.constant 0 : i32
    %dma_start3A_180 = tpu.memref_slice %arg7[%dma_start3A_177, %dma_start3A_178, %dma_start3A_179] : memref<2x208x128xf32, #tpu.memory_space<vmem>> -> memref<1x104x128xf32, #tpu.memory_space<vmem>>
    %dma_start3A_181 = tpu.memref_squeeze %dma_start3A_180 : memref<1x104x128xf32, #tpu.memory_space<vmem>> -> memref<104x128xf32, #tpu.memory_space<vmem>>
    %dma_start3A_182 = arith.constant 416 : i32
    %dma_start3A_183 = tpu.memref_slice %arg6[%dma_start3A_182] : memref<10000xi32, #tpu.memory_space<vmem>> -> memref<104xi32, #tpu.memory_space<vmem>>
    %dma_start3A_184 = arith.constant 0 : i32
    %dma_start3A_185 = arith.constant 0 : i32
    %dma_start3A_186 = tpu.memref_slice %arg2[%dma_start3A_184, %dma_start3A_185] : memref<27759x128xf32, #tpu.memory_space<hbm>> -> memref<27759x128xf32, #tpu.memory_space<hbm>>
    tpu.enqueue_indirect_dma source(%dma_start3A_186 : memref<27759x128xf32, #tpu.memory_space<hbm>>) target(%dma_start3A_181 : memref<104x128xf32, #tpu.memory_space<vmem>>) offsets(%dma_start3A_183 : memref<104xi32, #tpu.memory_space<vmem>>) semaphore(%arg9 : memref<!tpu.dma_semaphore, #tpu.memory_space<semaphore_mem>>)
    %dma_start3A_187 = arith.constant 0 : i32
    %dma_start3A_188 = arith.constant 104 : i32
    %dma_start3A_189 = arith.constant 0 : i32
    %dma_start3A_190 = tpu.memref_slice %arg7[%dma_start3A_187, %dma_start3A_188, %dma_start3A_189] : memref<2x208x128xf32, #tpu.memory_space<vmem>> -> memref<1x104x128xf32, #tpu.memory_space<vmem>>
    %dma_start3A_191 = tpu.memref_squeeze %dma_start3A_190 : memref<1x104x128xf32, #tpu.memory_space<vmem>> -> memref<104x128xf32, #tpu.memory_space<vmem>>
    %dma_start3A_192 = arith.constant 520 : i32
    %dma_start3A_193 = tpu.memref_slice %arg6[%dma_start3A_192] : memref<10000xi32, #tpu.memory_space<vmem>> -> memref<104xi32, #tpu.memory_space<vmem>>
    %dma_start3A_194 = arith.constant 0 : i32
    %dma_start3A_195 = arith.constant 0 : i32
    %dma_start3A_196 = tpu.memref_slice %arg2[%dma_start3A_194, %dma_start3A_195] : memref<27759x128xf32, #tpu.memory_space<hbm>> -> memref<27759x128xf32, #tpu.memory_space<hbm>>
    tpu.enqueue_indirect_dma source(%dma_start3A_196 : memref<27759x128xf32, #tpu.memory_space<hbm>>) target(%dma_start3A_191 : memref<104x128xf32, #tpu.memory_space<vmem>>) offsets(%dma_start3A_193 : memref<104xi32, #tpu.memory_space<vmem>>) semaphore(%arg9 : memref<!tpu.dma_semaphore, #tpu.memory_space<semaphore_mem>>)
    %add3A_197 = arith.constant 416 : i32
    %add3A_198 = arith.addi %mul3A_2, %add3A_197 : i32
    %dma_start3A_199 = arith.constant 0 : i32
    %dma_start3A_200 = arith.constant 0 : i32
    %dma_start3A_201 = arith.constant 0 : i32
    %dma_start3A_202 = tpu.memref_slice %arg8[%dma_start3A_199, %dma_start3A_200, %dma_start3A_201] : memref<2x208x128xf32, #tpu.memory_space<vmem>> -> memref<1x208x128xf32, #tpu.memory_space<vmem>>
    %dma_start3A_203 = tpu.memref_squeeze %dma_start3A_202 : memref<1x208x128xf32, #tpu.memory_space<vmem>> -> memref<208x128xf32, #tpu.memory_space<vmem>>
    %dma_start3A_204 = arith.constant 0 : i32
    %dma_start3A_205 = tpu.memref_slice %arg4[%add3A_198, %dma_start3A_204] : memref<320000x128xf32, #tpu.memory_space<hbm>> -> memref<208x128xf32, #tpu.memory_space<hbm>>
    %dma_start3A_206 = arith.constant 0 : i32
    %dma_start3A_207 = arith.constant 0 : i32
    %dma_start3A_208 = tpu.memref_slice %arg8[%dma_start3A_199, %dma_start3A_206, %dma_start3A_207] : memref<2x208x128xf32, #tpu.memory_space<vmem>> -> memref<1x208x128xf32, #tpu.memory_space<vmem>>
    %dma_start3A_209 = tpu.memref_squeeze %dma_start3A_208 : memref<1x208x128xf32, #tpu.memory_space<vmem>> -> memref<208x128xf32, #tpu.memory_space<vmem>>
    %dma_start3A_210 = arith.constant 0 : i32
    %dma_start3A_211 = tpu.memref_slice %arg4[%add3A_198, %dma_start3A_210] : memref<320000x128xf32, #tpu.memory_space<hbm>> -> memref<208x128xf32, #tpu.memory_space<hbm>>
    tpu.enqueue_dma source(%dma_start3A_211 : memref<208x128xf32, #tpu.memory_space<hbm>>) target(%dma_start3A_209 : memref<208x128xf32, #tpu.memory_space<vmem>>) target_semaphore(%arg11 : memref<!tpu.dma_semaphore, #tpu.memory_space<semaphore_mem>>)
    %scan3A_212 = arith.constant 0 : i32
    %scan3A_213 = arith.constant 0 : i32
    %scan3A_214 = arith.constant 208 : i32
    %scan3A_215 = arith.addi %scan3A_213, %scan3A_214 : i32
    %scan3A_216 = arith.constant 1 : i32
    %scan3A_217 = scf.for %scan3A_465 = %scan3A_213 to %scan3A_215 step %scan3A_216 iter_args(%scan3A_466 = %scan3A_212) -> (i32)  : i32 {
      %get3A = arith.constant 1 : i32
      %get3A_467 = arith.index_cast %get3A : i32 to index
      %get3A_468 = arith.index_cast %scan3A_465 : i32 to index
      %get3A_469 = arith.constant 0 : index
      %get3A_470 = tpu.vector_load %arg8[%get3A_467, %get3A_468, %get3A_469] {strides = array<i32>} : memref<2x208x128xf32, #tpu.memory_space<vmem>>, vector<16xf32>,
      %get3A_471 = arith.constant 1 : i32
      %get3A_472 = arith.index_cast %get3A_471 : i32 to index
      %get3A_473 = arith.index_cast %scan3A_465 : i32 to index
      %get3A_474 = arith.constant 0 : index
      %get3A_475 = tpu.vector_load %arg7[%get3A_472, %get3A_473, %get3A_474] {strides = array<i32>} : memref<2x208x128xf32, #tpu.memory_space<vmem>>, vector<16xf32>,
      %add3A_476 = arith.addf %get3A_470, %get3A_475 : vector<16xf32>
      %swap3A = arith.constant 1 : i32
      %swap3A_477 = arith.index_cast %swap3A : i32 to index
      %swap3A_478 = arith.index_cast %scan3A_465 : i32 to index
      %swap3A_479 = arith.constant 0 : index
      %swap3A_480 = tpu.vector_load %arg8[%swap3A_477, %swap3A_478, %swap3A_479] {strides = array<i32>} : memref<2x208x128xf32, #tpu.memory_space<vmem>>, vector<16xf32>,
      tpu.vector_store %arg8[%swap3A_477, %swap3A_478, %swap3A_479], %add3A_476 {strides = array<i32>} : memref<2x208x128xf32, #tpu.memory_space<vmem>>, vector<16xf32>,
      %get3A_481 = arith.constant 1 : i32
      %get3A_482 = arith.index_cast %get3A_481 : i32 to index
      %get3A_483 = arith.index_cast %scan3A_465 : i32 to index
      %get3A_484 = arith.constant 16 : index
      %get3A_485 = tpu.vector_load %arg8[%get3A_482, %get3A_483, %get3A_484] {strides = array<i32>} : memref<2x208x128xf32, #tpu.memory_space<vmem>>, vector<16xf32>,
      %get3A_486 = arith.constant 1 : i32
      %get3A_487 = arith.index_cast %get3A_486 : i32 to index
      %get3A_488 = arith.index_cast %scan3A_465 : i32 to index
      %get3A_489 = arith.constant 16 : index
      %get3A_490 = tpu.vector_load %arg7[%get3A_487, %get3A_488, %get3A_489] {strides = array<i32>} : memref<2x208x128xf32, #tpu.memory_space<vmem>>, vector<16xf32>,
      %add3A_491 = arith.addf %get3A_485, %get3A_490 : vector<16xf32>
      %swap3A_492 = arith.constant 1 : i32
      %swap3A_493 = arith.index_cast %swap3A_492 : i32 to index
      %swap3A_494 = arith.index_cast %scan3A_465 : i32 to index
      %swap3A_495 = arith.constant 16 : index
      %swap3A_496 = tpu.vector_load %arg8[%swap3A_493, %swap3A_494, %swap3A_495] {strides = array<i32>} : memref<2x208x128xf32, #tpu.memory_space<vmem>>, vector<16xf32>,
      tpu.vector_store %arg8[%swap3A_493, %swap3A_494, %swap3A_495], %add3A_491 {strides = array<i32>} : memref<2x208x128xf32, #tpu.memory_space<vmem>>, vector<16xf32>,
      %get3A_497 = arith.constant 1 : i32
      %get3A_498 = arith.index_cast %get3A_497 : i32 to index
      %get3A_499 = arith.index_cast %scan3A_465 : i32 to index
      %get3A_500 = arith.constant 32 : index
      %get3A_501 = tpu.vector_load %arg8[%get3A_498, %get3A_499, %get3A_500] {strides = array<i32>} : memref<2x208x128xf32, #tpu.memory_space<vmem>>, vector<16xf32>,
      %get3A_502 = arith.constant 1 : i32
      %get3A_503 = arith.index_cast %get3A_502 : i32 to index
      %get3A_504 = arith.index_cast %scan3A_465 : i32 to index
      %get3A_505 = arith.constant 32 : index
      %get3A_506 = tpu.vector_load %arg7[%get3A_503, %get3A_504, %get3A_505] {strides = array<i32>} : memref<2x208x128xf32, #tpu.memory_space<vmem>>, vector<16xf32>,
      %add3A_507 = arith.addf %get3A_501, %get3A_506 : vector<16xf32>
      %swap3A_508 = arith.constant 1 : i32
      %swap3A_509 = arith.index_cast %swap3A_508 : i32 to index
      %swap3A_510 = arith.index_cast %scan3A_465 : i32 to index
      %swap3A_511 = arith.constant 32 : index
      %swap3A_512 = tpu.vector_load %arg8[%swap3A_509, %swap3A_510, %swap3A_511] {strides = array<i32>} : memref<2x208x128xf32, #tpu.memory_space<vmem>>, vector<16xf32>,
      tpu.vector_store %arg8[%swap3A_509, %swap3A_510, %swap3A_511], %add3A_507 {strides = array<i32>} : memref<2x208x128xf32, #tpu.memory_space<vmem>>, vector<16xf32>,
      %get3A_513 = arith.constant 1 : i32
      %get3A_514 = arith.index_cast %get3A_513 : i32 to index
      %get3A_515 = arith.index_cast %scan3A_465 : i32 to index
      %get3A_516 = arith.constant 48 : index
      %get3A_517 = tpu.vector_load %arg8[%get3A_514, %get3A_515, %get3A_516] {strides = array<i32>} : memref<2x208x128xf32, #tpu.memory_space<vmem>>, vector<16xf32>,
      %get3A_518 = arith.constant 1 : i32
      %get3A_519 = arith.index_cast %get3A_518 : i32 to index
      %get3A_520 = arith.index_cast %scan3A_465 : i32 to index
      %get3A_521 = arith.constant 48 : index
      %get3A_522 = tpu.vector_load %arg7[%get3A_519, %get3A_520, %get3A_521] {strides = array<i32>} : memref<2x208x128xf32, #tpu.memory_space<vmem>>, vector<16xf32>,
      %add3A_523 = arith.addf %get3A_517, %get3A_522 : vector<16xf32>
      %swap3A_524 = arith.constant 1 : i32
      %swap3A_525 = arith.index_cast %swap3A_524 : i32 to index
      %swap3A_526 = arith.index_cast %scan3A_465 : i32 to index
      %swap3A_527 = arith.constant 48 : index
      %swap3A_528 = tpu.vector_load %arg8[%swap3A_525, %swap3A_526, %swap3A_527] {strides = array<i32>} : memref<2x208x128xf32, #tpu.memory_space<vmem>>, vector<16xf32>,
      tpu.vector_store %arg8[%swap3A_525, %swap3A_526, %swap3A_527], %add3A_523 {strides = array<i32>} : memref<2x208x128xf32, #tpu.memory_space<vmem>>, vector<16xf32>,
      %get3A_529 = arith.constant 1 : i32
      %get3A_530 = arith.index_cast %get3A_529 : i32 to index
      %get3A_531 = arith.index_cast %scan3A_465 : i32 to index
      %get3A_532 = arith.constant 64 : index
      %get3A_533 = tpu.vector_load %arg8[%get3A_530, %get3A_531, %get3A_532] {strides = array<i32>} : memref<2x208x128xf32, #tpu.memory_space<vmem>>, vector<16xf32>,
      %get3A_534 = arith.constant 1 : i32
      %get3A_535 = arith.index_cast %get3A_534 : i32 to index
      %get3A_536 = arith.index_cast %scan3A_465 : i32 to index
      %get3A_537 = arith.constant 64 : index
      %get3A_538 = tpu.vector_load %arg7[%get3A_535, %get3A_536, %get3A_537] {strides = array<i32>} : memref<2x208x128xf32, #tpu.memory_space<vmem>>, vector<16xf32>,
      %add3A_539 = arith.addf %get3A_533, %get3A_538 : vector<16xf32>
      %swap3A_540 = arith.constant 1 : i32
      %swap3A_541 = arith.index_cast %swap3A_540 : i32 to index
      %swap3A_542 = arith.index_cast %scan3A_465 : i32 to index
      %swap3A_543 = arith.constant 64 : index
      %swap3A_544 = tpu.vector_load %arg8[%swap3A_541, %swap3A_542, %swap3A_543] {strides = array<i32>} : memref<2x208x128xf32, #tpu.memory_space<vmem>>, vector<16xf32>,
      tpu.vector_store %arg8[%swap3A_541, %swap3A_542, %swap3A_543], %add3A_539 {strides = array<i32>} : memref<2x208x128xf32, #tpu.memory_space<vmem>>, vector<16xf32>,
      %get3A_545 = arith.constant 1 : i32
      %get3A_546 = arith.index_cast %get3A_545 : i32 to index
      %get3A_547 = arith.index_cast %scan3A_465 : i32 to index
      %get3A_548 = arith.constant 80 : index
      %get3A_549 = tpu.vector_load %arg8[%get3A_546, %get3A_547, %get3A_548] {strides = array<i32>} : memref<2x208x128xf32, #tpu.memory_space<vmem>>, vector<16xf32>,
      %get3A_550 = arith.constant 1 : i32
      %get3A_551 = arith.index_cast %get3A_550 : i32 to index
      %get3A_552 = arith.index_cast %scan3A_465 : i32 to index
      %get3A_553 = arith.constant 80 : index
      %get3A_554 = tpu.vector_load %arg7[%get3A_551, %get3A_552, %get3A_553] {strides = array<i32>} : memref<2x208x128xf32, #tpu.memory_space<vmem>>, vector<16xf32>,
      %add3A_555 = arith.addf %get3A_549, %get3A_554 : vector<16xf32>
      %swap3A_556 = arith.constant 1 : i32
      %swap3A_557 = arith.index_cast %swap3A_556 : i32 to index
      %swap3A_558 = arith.index_cast %scan3A_465 : i32 to index
      %swap3A_559 = arith.constant 80 : index
      %swap3A_560 = tpu.vector_load %arg8[%swap3A_557, %swap3A_558, %swap3A_559] {strides = array<i32>} : memref<2x208x128xf32, #tpu.memory_space<vmem>>, vector<16xf32>,
      tpu.vector_store %arg8[%swap3A_557, %swap3A_558, %swap3A_559], %add3A_555 {strides = array<i32>} : memref<2x208x128xf32, #tpu.memory_space<vmem>>, vector<16xf32>,
      %get3A_561 = arith.constant 1 : i32
      %get3A_562 = arith.index_cast %get3A_561 : i32 to index
      %get3A_563 = arith.index_cast %scan3A_465 : i32 to index
      %get3A_564 = arith.constant 96 : index
      %get3A_565 = tpu.vector_load %arg8[%get3A_562, %get3A_563, %get3A_564] {strides = array<i32>} : memref<2x208x128xf32, #tpu.memory_space<vmem>>, vector<16xf32>,
      %get3A_566 = arith.constant 1 : i32
      %get3A_567 = arith.index_cast %get3A_566 : i32 to index
      %get3A_568 = arith.index_cast %scan3A_465 : i32 to index
      %get3A_569 = arith.constant 96 : index
      %get3A_570 = tpu.vector_load %arg7[%get3A_567, %get3A_568, %get3A_569] {strides = array<i32>} : memref<2x208x128xf32, #tpu.memory_space<vmem>>, vector<16xf32>,
      %add3A_571 = arith.addf %get3A_565, %get3A_570 : vector<16xf32>
      %swap3A_572 = arith.constant 1 : i32
      %swap3A_573 = arith.index_cast %swap3A_572 : i32 to index
      %swap3A_574 = arith.index_cast %scan3A_465 : i32 to index
      %swap3A_575 = arith.constant 96 : index
      %swap3A_576 = tpu.vector_load %arg8[%swap3A_573, %swap3A_574, %swap3A_575] {strides = array<i32>} : memref<2x208x128xf32, #tpu.memory_space<vmem>>, vector<16xf32>,
      tpu.vector_store %arg8[%swap3A_573, %swap3A_574, %swap3A_575], %add3A_571 {strides = array<i32>} : memref<2x208x128xf32, #tpu.memory_space<vmem>>, vector<16xf32>,
      %get3A_577 = arith.constant 1 : i32
      %get3A_578 = arith.index_cast %get3A_577 : i32 to index
      %get3A_579 = arith.index_cast %scan3A_465 : i32 to index
      %get3A_580 = arith.constant 112 : index
      %get3A_581 = tpu.vector_load %arg8[%get3A_578, %get3A_579, %get3A_580] {strides = array<i32>} : memref<2x208x128xf32, #tpu.memory_space<vmem>>, vector<16xf32>,
      %get3A_582 = arith.constant 1 : i32
      %get3A_583 = arith.index_cast %get3A_582 : i32 to index
      %get3A_584 = arith.index_cast %scan3A_465 : i32 to index
      %get3A_585 = arith.constant 112 : index
      %get3A_586 = tpu.vector_load %arg7[%get3A_583, %get3A_584, %get3A_585] {strides = array<i32>} : memref<2x208x128xf32, #tpu.memory_space<vmem>>, vector<16xf32>,
      %add3A_587 = arith.addf %get3A_581, %get3A_586 : vector<16xf32>
      %swap3A_588 = arith.constant 1 : i32
      %swap3A_589 = arith.index_cast %swap3A_588 : i32 to index
      %swap3A_590 = arith.index_cast %scan3A_465 : i32 to index
      %swap3A_591 = arith.constant 112 : index
      %swap3A_592 = tpu.vector_load %arg8[%swap3A_589, %swap3A_590, %swap3A_591] {strides = array<i32>} : memref<2x208x128xf32, #tpu.memory_space<vmem>>, vector<16xf32>,
      tpu.vector_store %arg8[%swap3A_589, %swap3A_590, %swap3A_591], %add3A_587 {strides = array<i32>} : memref<2x208x128xf32, #tpu.memory_space<vmem>>, vector<16xf32>,
      %scan3A_593 = arith.constant 0 : i32
      scf.yield %scan3A_593 : i32
    }
    %scan3A_218 = arith.constant 208 : i32
    %add3A_219 = arith.constant 208 : i32
    %add3A_220 = arith.addi %mul3A_2, %add3A_219 : i32
    %dma_start3A_221 = arith.constant 1 : i32
    %dma_start3A_222 = arith.constant 0 : i32
    %dma_start3A_223 = arith.constant 0 : i32
    %dma_start3A_224 = tpu.memref_slice %arg8[%dma_start3A_221, %dma_start3A_222, %dma_start3A_223] : memref<2x208x128xf32, #tpu.memory_space<vmem>> -> memref<1x208x128xf32, #tpu.memory_space<vmem>>
    %dma_start3A_225 = tpu.memref_squeeze %dma_start3A_224 : memref<1x208x128xf32, #tpu.memory_space<vmem>> -> memref<208x128xf32, #tpu.memory_space<vmem>>
    %dma_start3A_226 = arith.constant 0 : i32
    %dma_start3A_227 = tpu.memref_slice %arg5[%add3A_220, %dma_start3A_226] : memref<320000x128xf32, #tpu.memory_space<hbm>> -> memref<208x128xf32, #tpu.memory_space<hbm>>
    %dma_start3A_228 = arith.constant 0 : i32
    %dma_start3A_229 = tpu.memref_slice %arg5[%add3A_220, %dma_start3A_228] : memref<320000x128xf32, #tpu.memory_space<hbm>> -> memref<208x128xf32, #tpu.memory_space<hbm>>
    %dma_start3A_230 = arith.constant 0 : i32
    %dma_start3A_231 = arith.constant 0 : i32
    %dma_start3A_232 = tpu.memref_slice %arg8[%dma_start3A_221, %dma_start3A_230, %dma_start3A_231] : memref<2x208x128xf32, #tpu.memory_space<vmem>> -> memref<1x208x128xf32, #tpu.memory_space<vmem>>
    %dma_start3A_233 = tpu.memref_squeeze %dma_start3A_232 : memref<1x208x128xf32, #tpu.memory_space<vmem>> -> memref<208x128xf32, #tpu.memory_space<vmem>>
    tpu.enqueue_dma source(%dma_start3A_233 : memref<208x128xf32, #tpu.memory_space<vmem>>) target(%dma_start3A_229 : memref<208x128xf32, #tpu.memory_space<hbm>>) target_semaphore(%arg14 : memref<!tpu.dma_semaphore, #tpu.memory_space<semaphore_mem>>)
    %scan3A_234 = arith.constant 0 : i32
    %scan3A_235 = arith.constant 1 : i32
    %scan3A_236 = arith.constant 22 : i32
    %scan3A_237 = arith.addi %scan3A_235, %scan3A_236 : i32
    %scan3A_238 = arith.constant 1 : i32
    %scan3A_239 = scf.for %scan3A_465 = %scan3A_235 to %scan3A_237 step %scan3A_238 iter_args(%scan3A_466 = %scan3A_234) -> (i32)  : i32 {
      %mul3A_467 = arith.constant 2 : i32
      %mul3A_468 = arith.muli %mul3A_467, %scan3A_465 : i32
      %mul3A_469 = arith.constant 208 : i32
      %mul3A_470 = arith.muli %mul3A_468, %mul3A_469 : i32
      %add3A_471 = arith.constant 0 : i32
      %add3A_472 = arith.addi %mul3A_470, %add3A_471 : i32
      %mul3A_473 = arith.constant 208 : i32
      %mul3A_474 = arith.muli %mul3A_468, %mul3A_473 : i32
      %add3A_475 = arith.constant 104 : i32
      %add3A_476 = arith.addi %mul3A_474, %add3A_475 : i32
      %dma_wait3A_477 = arith.constant 0 : i32
      %dma_wait3A_478 = arith.constant 0 : i32
      %dma_wait3A_479 = arith.constant 0 : i32
      %dma_wait3A_480 = tpu.memref_slice %arg7[%dma_wait3A_477, %dma_wait3A_478, %dma_wait3A_479] : memref<2x208x128xf32, #tpu.memory_space<vmem>> -> memref<1x104x128xf32, #tpu.memory_space<vmem>>
      %dma_wait3A_481 = tpu.memref_squeeze %dma_wait3A_480 : memref<1x104x128xf32, #tpu.memory_space<vmem>> -> memref<104x128xf32, #tpu.memory_space<vmem>>
      %dma_wait3A_482 = tpu.memref_slice %arg6[%add3A_472] : memref<10000xi32, #tpu.memory_space<vmem>> -> memref<104xi32, #tpu.memory_space<vmem>>
      %dma_wait3A_483 = arith.constant 0 : i32
      %dma_wait3A_484 = arith.constant 0 : i32
      %dma_wait3A_485 = tpu.memref_slice %arg2[%dma_wait3A_483, %dma_wait3A_484] : memref<27759x128xf32, #tpu.memory_space<hbm>> -> memref<27759x128xf32, #tpu.memory_space<hbm>>
      tpu.wait_indirect_dma semaphore(%arg9 : memref<!tpu.dma_semaphore, #tpu.memory_space<semaphore_mem>>) src(%dma_wait3A_485 : memref<27759x128xf32, #tpu.memory_space<hbm>>) dst(%dma_wait3A_481 : memref<104x128xf32, #tpu.memory_space<vmem>>)
      %dma_wait3A_486 = arith.constant 0 : i32
      %dma_wait3A_487 = arith.constant 104 : i32
      %dma_wait3A_488 = arith.constant 0 : i32
      %dma_wait3A_489 = tpu.memref_slice %arg7[%dma_wait3A_486, %dma_wait3A_487, %dma_wait3A_488] : memref<2x208x128xf32, #tpu.memory_space<vmem>> -> memref<1x104x128xf32, #tpu.memory_space<vmem>>
      %dma_wait3A_490 = tpu.memref_squeeze %dma_wait3A_489 : memref<1x104x128xf32, #tpu.memory_space<vmem>> -> memref<104x128xf32, #tpu.memory_space<vmem>>
      %dma_wait3A_491 = tpu.memref_slice %arg6[%add3A_476] : memref<10000xi32, #tpu.memory_space<vmem>> -> memref<104xi32, #tpu.memory_space<vmem>>
      %dma_wait3A_492 = arith.constant 0 : i32
      %dma_wait3A_493 = arith.constant 0 : i32
      %dma_wait3A_494 = tpu.memref_slice %arg2[%dma_wait3A_492, %dma_wait3A_493] : memref<27759x128xf32, #tpu.memory_space<hbm>> -> memref<27759x128xf32, #tpu.memory_space<hbm>>
      tpu.wait_indirect_dma semaphore(%arg9 : memref<!tpu.dma_semaphore, #tpu.memory_space<semaphore_mem>>) src(%dma_wait3A_494 : memref<27759x128xf32, #tpu.memory_space<hbm>>) dst(%dma_wait3A_490 : memref<104x128xf32, #tpu.memory_space<vmem>>)
      %mul3A_495 = arith.constant 208 : i32
      %mul3A_496 = arith.muli %mul3A_468, %mul3A_495 : i32
      %add3A_497 = arith.addi %mul3A_2, %mul3A_496 : i32
      %dma_wait3A_498 = arith.constant 0 : i32
      %dma_wait3A_499 = arith.constant 0 : i32
      %dma_wait3A_500 = arith.constant 0 : i32
      %dma_wait3A_501 = tpu.memref_slice %arg8[%dma_wait3A_498, %dma_wait3A_499, %dma_wait3A_500] : memref<2x208x128xf32, #tpu.memory_space<vmem>> -> memref<1x208x128xf32, #tpu.memory_space<vmem>>
      %dma_wait3A_502 = tpu.memref_squeeze %dma_wait3A_501 : memref<1x208x128xf32, #tpu.memory_space<vmem>> -> memref<208x128xf32, #tpu.memory_space<vmem>>
      %dma_wait3A_503 = arith.constant 0 : i32
      %dma_wait3A_504 = tpu.memref_slice %arg4[%add3A_497, %dma_wait3A_503] : memref<320000x128xf32, #tpu.memory_space<hbm>> -> memref<208x128xf32, #tpu.memory_space<hbm>>
      %dma_wait3A_505 = arith.constant 0 : i32
      %dma_wait3A_506 = arith.constant 0 : i32
      %dma_wait3A_507 = tpu.memref_slice %arg8[%dma_wait3A_498, %dma_wait3A_505, %dma_wait3A_506] : memref<2x208x128xf32, #tpu.memory_space<vmem>> -> memref<1x208x128xf32, #tpu.memory_space<vmem>>
      %dma_wait3A_508 = tpu.memref_squeeze %dma_wait3A_507 : memref<1x208x128xf32, #tpu.memory_space<vmem>> -> memref<208x128xf32, #tpu.memory_space<vmem>>
      %dma_wait3A_509 = arith.constant 0 : i32
      %dma_wait3A_510 = tpu.memref_slice %arg4[%add3A_497, %dma_wait3A_509] : memref<320000x128xf32, #tpu.memory_space<hbm>> -> memref<208x128xf32, #tpu.memory_space<hbm>>
      tpu.wait_dma2 semaphore(%arg11 : memref<!tpu.dma_semaphore, #tpu.memory_space<semaphore_mem>>) src(%dma_wait3A_510 : memref<208x128xf32, #tpu.memory_space<hbm>>) dst(%dma_wait3A_508 : memref<208x128xf32, #tpu.memory_space<vmem>>)
      %sub3A = arith.constant 1 : i32
      %sub3A_511 = arith.subi %mul3A_468, %sub3A : i32
      %mul3A_512 = arith.constant 208 : i32
      %mul3A_513 = arith.muli %sub3A_511, %mul3A_512 : i32
      %add3A_514 = arith.addi %mul3A_2, %mul3A_513 : i32
      %dma_wait3A_515 = arith.constant 1 : i32
      %dma_wait3A_516 = arith.constant 0 : i32
      %dma_wait3A_517 = arith.constant 0 : i32
      %dma_wait3A_518 = tpu.memref_slice %arg8[%dma_wait3A_515, %dma_wait3A_516, %dma_wait3A_517] : memref<2x208x128xf32, #tpu.memory_space<vmem>> -> memref<1x208x128xf32, #tpu.memory_space<vmem>>
      %dma_wait3A_519 = tpu.memref_squeeze %dma_wait3A_518 : memref<1x208x128xf32, #tpu.memory_space<vmem>> -> memref<208x128xf32, #tpu.memory_space<vmem>>
      %dma_wait3A_520 = arith.constant 0 : i32
      %dma_wait3A_521 = tpu.memref_slice %arg5[%add3A_514, %dma_wait3A_520] : memref<320000x128xf32, #tpu.memory_space<hbm>> -> memref<208x128xf32, #tpu.memory_space<hbm>>
      %dma_wait3A_522 = arith.constant 0 : i32
      %dma_wait3A_523 = tpu.memref_slice %arg5[%add3A_514, %dma_wait3A_522] : memref<320000x128xf32, #tpu.memory_space<hbm>> -> memref<208x128xf32, #tpu.memory_space<hbm>>
      %dma_wait3A_524 = arith.constant 0 : i32
      %dma_wait3A_525 = arith.constant 0 : i32
      %dma_wait3A_526 = tpu.memref_slice %arg8[%dma_wait3A_515, %dma_wait3A_524, %dma_wait3A_525] : memref<2x208x128xf32, #tpu.memory_space<vmem>> -> memref<1x208x128xf32, #tpu.memory_space<vmem>>
      %dma_wait3A_527 = tpu.memref_squeeze %dma_wait3A_526 : memref<1x208x128xf32, #tpu.memory_space<vmem>> -> memref<208x128xf32, #tpu.memory_space<vmem>>
      tpu.wait_dma2 semaphore(%arg14 : memref<!tpu.dma_semaphore, #tpu.memory_space<semaphore_mem>>) src(%dma_wait3A_527 : memref<208x128xf32, #tpu.memory_space<vmem>>) dst(%dma_wait3A_523 : memref<208x128xf32, #tpu.memory_space<hbm>>)
      %add3A_528 = arith.constant 1 : i32
      %add3A_529 = arith.addi %mul3A_468, %add3A_528 : i32
      %mul3A_530 = arith.constant 208 : i32
      %mul3A_531 = arith.muli %add3A_529, %mul3A_530 : i32
      %add3A_532 = arith.constant 0 : i32
      %add3A_533 = arith.addi %mul3A_531, %add3A_532 : i32
      %mul3A_534 = arith.constant 208 : i32
      %mul3A_535 = arith.muli %add3A_529, %mul3A_534 : i32
      %add3A_536 = arith.constant 104 : i32
      %add3A_537 = arith.addi %mul3A_535, %add3A_536 : i32
      %dma_start3A_538 = arith.constant 1 : i32
      %dma_start3A_539 = arith.constant 0 : i32
      %dma_start3A_540 = arith.constant 0 : i32
      %dma_start3A_541 = tpu.memref_slice %arg7[%dma_start3A_538, %dma_start3A_539, %dma_start3A_540] : memref<2x208x128xf32, #tpu.memory_space<vmem>> -> memref<1x104x128xf32, #tpu.memory_space<vmem>>
      %dma_start3A_542 = tpu.memref_squeeze %dma_start3A_541 : memref<1x104x128xf32, #tpu.memory_space<vmem>> -> memref<104x128xf32, #tpu.memory_space<vmem>>
      %dma_start3A_543 = tpu.memref_slice %arg6[%add3A_533] : memref<10000xi32, #tpu.memory_space<vmem>> -> memref<104xi32, #tpu.memory_space<vmem>>
      %dma_start3A_544 = arith.constant 0 : i32
      %dma_start3A_545 = arith.constant 0 : i32
      %dma_start3A_546 = tpu.memref_slice %arg2[%dma_start3A_544, %dma_start3A_545] : memref<27759x128xf32, #tpu.memory_space<hbm>> -> memref<27759x128xf32, #tpu.memory_space<hbm>>
      tpu.enqueue_indirect_dma source(%dma_start3A_546 : memref<27759x128xf32, #tpu.memory_space<hbm>>) target(%dma_start3A_542 : memref<104x128xf32, #tpu.memory_space<vmem>>) offsets(%dma_start3A_543 : memref<104xi32, #tpu.memory_space<vmem>>) semaphore(%arg10 : memref<!tpu.dma_semaphore, #tpu.memory_space<semaphore_mem>>)
      %dma_start3A_547 = arith.constant 1 : i32
      %dma_start3A_548 = arith.constant 104 : i32
      %dma_start3A_549 = arith.constant 0 : i32
      %dma_start3A_550 = tpu.memref_slice %arg7[%dma_start3A_547, %dma_start3A_548, %dma_start3A_549] : memref<2x208x128xf32, #tpu.memory_space<vmem>> -> memref<1x104x128xf32, #tpu.memory_space<vmem>>
      %dma_start3A_551 = tpu.memref_squeeze %dma_start3A_550 : memref<1x104x128xf32, #tpu.memory_space<vmem>> -> memref<104x128xf32, #tpu.memory_space<vmem>>
      %dma_start3A_552 = tpu.memref_slice %arg6[%add3A_537] : memref<10000xi32, #tpu.memory_space<vmem>> -> memref<104xi32, #tpu.memory_space<vmem>>
      %dma_start3A_553 = arith.constant 0 : i32
      %dma_start3A_554 = arith.constant 0 : i32
      %dma_start3A_555 = tpu.memref_slice %arg2[%dma_start3A_553, %dma_start3A_554] : memref<27759x128xf32, #tpu.memory_space<hbm>> -> memref<27759x128xf32, #tpu.memory_space<hbm>>
      tpu.enqueue_indirect_dma source(%dma_start3A_555 : memref<27759x128xf32, #tpu.memory_space<hbm>>) target(%dma_start3A_551 : memref<104x128xf32, #tpu.memory_space<vmem>>) offsets(%dma_start3A_552 : memref<104xi32, #tpu.memory_space<vmem>>) semaphore(%arg10 : memref<!tpu.dma_semaphore, #tpu.memory_space<semaphore_mem>>)
      %mul3A_556 = arith.constant 208 : i32
      %mul3A_557 = arith.muli %add3A_529, %mul3A_556 : i32
      %add3A_558 = arith.addi %mul3A_2, %mul3A_557 : i32
      %dma_start3A_559 = arith.constant 1 : i32
      %dma_start3A_560 = arith.constant 0 : i32
      %dma_start3A_561 = arith.constant 0 : i32
      %dma_start3A_562 = tpu.memref_slice %arg8[%dma_start3A_559, %dma_start3A_560, %dma_start3A_561] : memref<2x208x128xf32, #tpu.memory_space<vmem>> -> memref<1x208x128xf32, #tpu.memory_space<vmem>>
      %dma_start3A_563 = tpu.memref_squeeze %dma_start3A_562 : memref<1x208x128xf32, #tpu.memory_space<vmem>> -> memref<208x128xf32, #tpu.memory_space<vmem>>
      %dma_start3A_564 = arith.constant 0 : i32
      %dma_start3A_565 = tpu.memref_slice %arg4[%add3A_558, %dma_start3A_564] : memref<320000x128xf32, #tpu.memory_space<hbm>> -> memref<208x128xf32, #tpu.memory_space<hbm>>
      %dma_start3A_566 = arith.constant 0 : i32
      %dma_start3A_567 = arith.constant 0 : i32
      %dma_start3A_568 = tpu.memref_slice %arg8[%dma_start3A_559, %dma_start3A_566, %dma_start3A_567] : memref<2x208x128xf32, #tpu.memory_space<vmem>> -> memref<1x208x128xf32, #tpu.memory_space<vmem>>
      %dma_start3A_569 = tpu.memref_squeeze %dma_start3A_568 : memref<1x208x128xf32, #tpu.memory_space<vmem>> -> memref<208x128xf32, #tpu.memory_space<vmem>>
      %dma_start3A_570 = arith.constant 0 : i32
      %dma_start3A_571 = tpu.memref_slice %arg4[%add3A_558, %dma_start3A_570] : memref<320000x128xf32, #tpu.memory_space<hbm>> -> memref<208x128xf32, #tpu.memory_space<hbm>>
      tpu.enqueue_dma source(%dma_start3A_571 : memref<208x128xf32, #tpu.memory_space<hbm>>) target(%dma_start3A_569 : memref<208x128xf32, #tpu.memory_space<vmem>>) target_semaphore(%arg12 : memref<!tpu.dma_semaphore, #tpu.memory_space<semaphore_mem>>)
      %scan3A_572 = arith.constant 0 : i32
      %scan3A_573 = arith.constant 0 : i32
      %scan3A_574 = arith.constant 208 : i32
      %scan3A_575 = arith.addi %scan3A_573, %scan3A_574 : i32
      %scan3A_576 = arith.constant 1 : i32
      %scan3A_577 = scf.for %scan3A_727 = %scan3A_573 to %scan3A_575 step %scan3A_576 iter_args(%scan3A_728 = %scan3A_572) -> (i32)  : i32 {
        %get3A = arith.constant 0 : i32
        %get3A_729 = arith.index_cast %get3A : i32 to index
        %get3A_730 = arith.index_cast %scan3A_727 : i32 to index
        %get3A_731 = arith.constant 0 : index
        %get3A_732 = tpu.vector_load %arg8[%get3A_729, %get3A_730, %get3A_731] {strides = array<i32>} : memref<2x208x128xf32, #tpu.memory_space<vmem>>, vector<16xf32>,
        %get3A_733 = arith.constant 0 : i32
        %get3A_734 = arith.index_cast %get3A_733 : i32 to index
        %get3A_735 = arith.index_cast %scan3A_727 : i32 to index
        %get3A_736 = arith.constant 0 : index
        %get3A_737 = tpu.vector_load %arg7[%get3A_734, %get3A_735, %get3A_736] {strides = array<i32>} : memref<2x208x128xf32, #tpu.memory_space<vmem>>, vector<16xf32>,
        %add3A_738 = arith.addf %get3A_732, %get3A_737 : vector<16xf32>
        %swap3A = arith.constant 0 : i32
        %swap3A_739 = arith.index_cast %swap3A : i32 to index
        %swap3A_740 = arith.index_cast %scan3A_727 : i32 to index
        %swap3A_741 = arith.constant 0 : index
        %swap3A_742 = tpu.vector_load %arg8[%swap3A_739, %swap3A_740, %swap3A_741] {strides = array<i32>} : memref<2x208x128xf32, #tpu.memory_space<vmem>>, vector<16xf32>,
        tpu.vector_store %arg8[%swap3A_739, %swap3A_740, %swap3A_741], %add3A_738 {strides = array<i32>} : memref<2x208x128xf32, #tpu.memory_space<vmem>>, vector<16xf32>,
        %get3A_743 = arith.constant 0 : i32
        %get3A_744 = arith.index_cast %get3A_743 : i32 to index
        %get3A_745 = arith.index_cast %scan3A_727 : i32 to index
        %get3A_746 = arith.constant 16 : index
        %get3A_747 = tpu.vector_load %arg8[%get3A_744, %get3A_745, %get3A_746] {strides = array<i32>} : memref<2x208x128xf32, #tpu.memory_space<vmem>>, vector<16xf32>,
        %get3A_748 = arith.constant 0 : i32
        %get3A_749 = arith.index_cast %get3A_748 : i32 to index
        %get3A_750 = arith.index_cast %scan3A_727 : i32 to index
        %get3A_751 = arith.constant 16 : index
        %get3A_752 = tpu.vector_load %arg7[%get3A_749, %get3A_750, %get3A_751] {strides = array<i32>} : memref<2x208x128xf32, #tpu.memory_space<vmem>>, vector<16xf32>,
        %add3A_753 = arith.addf %get3A_747, %get3A_752 : vector<16xf32>
        %swap3A_754 = arith.constant 0 : i32
        %swap3A_755 = arith.index_cast %swap3A_754 : i32 to index
        %swap3A_756 = arith.index_cast %scan3A_727 : i32 to index
        %swap3A_757 = arith.constant 16 : index
        %swap3A_758 = tpu.vector_load %arg8[%swap3A_755, %swap3A_756, %swap3A_757] {strides = array<i32>} : memref<2x208x128xf32, #tpu.memory_space<vmem>>, vector<16xf32>,
        tpu.vector_store %arg8[%swap3A_755, %swap3A_756, %swap3A_757], %add3A_753 {strides = array<i32>} : memref<2x208x128xf32, #tpu.memory_space<vmem>>, vector<16xf32>,
        %get3A_759 = arith.constant 0 : i32
        %get3A_760 = arith.index_cast %get3A_759 : i32 to index
        %get3A_761 = arith.index_cast %scan3A_727 : i32 to index
        %get3A_762 = arith.constant 32 : index
        %get3A_763 = tpu.vector_load %arg8[%get3A_760, %get3A_761, %get3A_762] {strides = array<i32>} : memref<2x208x128xf32, #tpu.memory_space<vmem>>, vector<16xf32>,
        %get3A_764 = arith.constant 0 : i32
        %get3A_765 = arith.index_cast %get3A_764 : i32 to index
        %get3A_766 = arith.index_cast %scan3A_727 : i32 to index
        %get3A_767 = arith.constant 32 : index
        %get3A_768 = tpu.vector_load %arg7[%get3A_765, %get3A_766, %get3A_767] {strides = array<i32>} : memref<2x208x128xf32, #tpu.memory_space<vmem>>, vector<16xf32>,
        %add3A_769 = arith.addf %get3A_763, %get3A_768 : vector<16xf32>
        %swap3A_770 = arith.constant 0 : i32
        %swap3A_771 = arith.index_cast %swap3A_770 : i32 to index
        %swap3A_772 = arith.index_cast %scan3A_727 : i32 to index
        %swap3A_773 = arith.constant 32 : index
        %swap3A_774 = tpu.vector_load %arg8[%swap3A_771, %swap3A_772, %swap3A_773] {strides = array<i32>} : memref<2x208x128xf32, #tpu.memory_space<vmem>>, vector<16xf32>,
        tpu.vector_store %arg8[%swap3A_771, %swap3A_772, %swap3A_773], %add3A_769 {strides = array<i32>} : memref<2x208x128xf32, #tpu.memory_space<vmem>>, vector<16xf32>,
        %get3A_775 = arith.constant 0 : i32
        %get3A_776 = arith.index_cast %get3A_775 : i32 to index
        %get3A_777 = arith.index_cast %scan3A_727 : i32 to index
        %get3A_778 = arith.constant 48 : index
        %get3A_779 = tpu.vector_load %arg8[%get3A_776, %get3A_777, %get3A_778] {strides = array<i32>} : memref<2x208x128xf32, #tpu.memory_space<vmem>>, vector<16xf32>,
        %get3A_780 = arith.constant 0 : i32
        %get3A_781 = arith.index_cast %get3A_780 : i32 to index
        %get3A_782 = arith.index_cast %scan3A_727 : i32 to index
        %get3A_783 = arith.constant 48 : index
        %get3A_784 = tpu.vector_load %arg7[%get3A_781, %get3A_782, %get3A_783] {strides = array<i32>} : memref<2x208x128xf32, #tpu.memory_space<vmem>>, vector<16xf32>,
        %add3A_785 = arith.addf %get3A_779, %get3A_784 : vector<16xf32>
        %swap3A_786 = arith.constant 0 : i32
        %swap3A_787 = arith.index_cast %swap3A_786 : i32 to index
        %swap3A_788 = arith.index_cast %scan3A_727 : i32 to index
        %swap3A_789 = arith.constant 48 : index
        %swap3A_790 = tpu.vector_load %arg8[%swap3A_787, %swap3A_788, %swap3A_789] {strides = array<i32>} : memref<2x208x128xf32, #tpu.memory_space<vmem>>, vector<16xf32>,
        tpu.vector_store %arg8[%swap3A_787, %swap3A_788, %swap3A_789], %add3A_785 {strides = array<i32>} : memref<2x208x128xf32, #tpu.memory_space<vmem>>, vector<16xf32>,
        %get3A_791 = arith.constant 0 : i32
        %get3A_792 = arith.index_cast %get3A_791 : i32 to index
        %get3A_793 = arith.index_cast %scan3A_727 : i32 to index
        %get3A_794 = arith.constant 64 : index
        %get3A_795 = tpu.vector_load %arg8[%get3A_792, %get3A_793, %get3A_794] {strides = array<i32>} : memref<2x208x128xf32, #tpu.memory_space<vmem>>, vector<16xf32>,
        %get3A_796 = arith.constant 0 : i32
        %get3A_797 = arith.index_cast %get3A_796 : i32 to index
        %get3A_798 = arith.index_cast %scan3A_727 : i32 to index
        %get3A_799 = arith.constant 64 : index
        %get3A_800 = tpu.vector_load %arg7[%get3A_797, %get3A_798, %get3A_799] {strides = array<i32>} : memref<2x208x128xf32, #tpu.memory_space<vmem>>, vector<16xf32>,
        %add3A_801 = arith.addf %get3A_795, %get3A_800 : vector<16xf32>
        %swap3A_802 = arith.constant 0 : i32
        %swap3A_803 = arith.index_cast %swap3A_802 : i32 to index
        %swap3A_804 = arith.index_cast %scan3A_727 : i32 to index
        %swap3A_805 = arith.constant 64 : index
        %swap3A_806 = tpu.vector_load %arg8[%swap3A_803, %swap3A_804, %swap3A_805] {strides = array<i32>} : memref<2x208x128xf32, #tpu.memory_space<vmem>>, vector<16xf32>,
        tpu.vector_store %arg8[%swap3A_803, %swap3A_804, %swap3A_805], %add3A_801 {strides = array<i32>} : memref<2x208x128xf32, #tpu.memory_space<vmem>>, vector<16xf32>,
        %get3A_807 = arith.constant 0 : i32
        %get3A_808 = arith.index_cast %get3A_807 : i32 to index
        %get3A_809 = arith.index_cast %scan3A_727 : i32 to index
        %get3A_810 = arith.constant 80 : index
        %get3A_811 = tpu.vector_load %arg8[%get3A_808, %get3A_809, %get3A_810] {strides = array<i32>} : memref<2x208x128xf32, #tpu.memory_space<vmem>>, vector<16xf32>,
        %get3A_812 = arith.constant 0 : i32
        %get3A_813 = arith.index_cast %get3A_812 : i32 to index
        %get3A_814 = arith.index_cast %scan3A_727 : i32 to index
        %get3A_815 = arith.constant 80 : index
        %get3A_816 = tpu.vector_load %arg7[%get3A_813, %get3A_814, %get3A_815] {strides = array<i32>} : memref<2x208x128xf32, #tpu.memory_space<vmem>>, vector<16xf32>,
        %add3A_817 = arith.addf %get3A_811, %get3A_816 : vector<16xf32>
        %swap3A_818 = arith.constant 0 : i32
        %swap3A_819 = arith.index_cast %swap3A_818 : i32 to index
        %swap3A_820 = arith.index_cast %scan3A_727 : i32 to index
        %swap3A_821 = arith.constant 80 : index
        %swap3A_822 = tpu.vector_load %arg8[%swap3A_819, %swap3A_820, %swap3A_821] {strides = array<i32>} : memref<2x208x128xf32, #tpu.memory_space<vmem>>, vector<16xf32>,
        tpu.vector_store %arg8[%swap3A_819, %swap3A_820, %swap3A_821], %add3A_817 {strides = array<i32>} : memref<2x208x128xf32, #tpu.memory_space<vmem>>, vector<16xf32>,
        %get3A_823 = arith.constant 0 : i32
        %get3A_824 = arith.index_cast %get3A_823 : i32 to index
        %get3A_825 = arith.index_cast %scan3A_727 : i32 to index
        %get3A_826 = arith.constant 96 : index
        %get3A_827 = tpu.vector_load %arg8[%get3A_824, %get3A_825, %get3A_826] {strides = array<i32>} : memref<2x208x128xf32, #tpu.memory_space<vmem>>, vector<16xf32>,
        %get3A_828 = arith.constant 0 : i32
        %get3A_829 = arith.index_cast %get3A_828 : i32 to index
        %get3A_830 = arith.index_cast %scan3A_727 : i32 to index
        %get3A_831 = arith.constant 96 : index
        %get3A_832 = tpu.vector_load %arg7[%get3A_829, %get3A_830, %get3A_831] {strides = array<i32>} : memref<2x208x128xf32, #tpu.memory_space<vmem>>, vector<16xf32>,
        %add3A_833 = arith.addf %get3A_827, %get3A_832 : vector<16xf32>
        %swap3A_834 = arith.constant 0 : i32
        %swap3A_835 = arith.index_cast %swap3A_834 : i32 to index
        %swap3A_836 = arith.index_cast %scan3A_727 : i32 to index
        %swap3A_837 = arith.constant 96 : index
        %swap3A_838 = tpu.vector_load %arg8[%swap3A_835, %swap3A_836, %swap3A_837] {strides = array<i32>} : memref<2x208x128xf32, #tpu.memory_space<vmem>>, vector<16xf32>,
        tpu.vector_store %arg8[%swap3A_835, %swap3A_836, %swap3A_837], %add3A_833 {strides = array<i32>} : memref<2x208x128xf32, #tpu.memory_space<vmem>>, vector<16xf32>,
        %get3A_839 = arith.constant 0 : i32
        %get3A_840 = arith.index_cast %get3A_839 : i32 to index
        %get3A_841 = arith.index_cast %scan3A_727 : i32 to index
        %get3A_842 = arith.constant 112 : index
        %get3A_843 = tpu.vector_load %arg8[%get3A_840, %get3A_841, %get3A_842] {strides = array<i32>} : memref<2x208x128xf32, #tpu.memory_space<vmem>>, vector<16xf32>,
        %get3A_844 = arith.constant 0 : i32
        %get3A_845 = arith.index_cast %get3A_844 : i32 to index
        %get3A_846 = arith.index_cast %scan3A_727 : i32 to index
        %get3A_847 = arith.constant 112 : index
        %get3A_848 = tpu.vector_load %arg7[%get3A_845, %get3A_846, %get3A_847] {strides = array<i32>} : memref<2x208x128xf32, #tpu.memory_space<vmem>>, vector<16xf32>,
        %add3A_849 = arith.addf %get3A_843, %get3A_848 : vector<16xf32>
        %swap3A_850 = arith.constant 0 : i32
        %swap3A_851 = arith.index_cast %swap3A_850 : i32 to index
        %swap3A_852 = arith.index_cast %scan3A_727 : i32 to index
        %swap3A_853 = arith.constant 112 : index
        %swap3A_854 = tpu.vector_load %arg8[%swap3A_851, %swap3A_852, %swap3A_853] {strides = array<i32>} : memref<2x208x128xf32, #tpu.memory_space<vmem>>, vector<16xf32>,
        tpu.vector_store %arg8[%swap3A_851, %swap3A_852, %swap3A_853], %add3A_849 {strides = array<i32>} : memref<2x208x128xf32, #tpu.memory_space<vmem>>, vector<16xf32>,
        %scan3A_855 = arith.constant 0 : i32
        scf.yield %scan3A_855 : i32
      }
      %scan3A_578 = arith.constant 208 : i32
      %mul3A_579 = arith.constant 208 : i32
      %mul3A_580 = arith.muli %mul3A_468, %mul3A_579 : i32
      %add3A_581 = arith.addi %mul3A_2, %mul3A_580 : i32
      %dma_start3A_582 = arith.constant 0 : i32
      %dma_start3A_583 = arith.constant 0 : i32
      %dma_start3A_584 = arith.constant 0 : i32
      %dma_start3A_585 = tpu.memref_slice %arg8[%dma_start3A_582, %dma_start3A_583, %dma_start3A_584] : memref<2x208x128xf32, #tpu.memory_space<vmem>> -> memref<1x208x128xf32, #tpu.memory_space<vmem>>
      %dma_start3A_586 = tpu.memref_squeeze %dma_start3A_585 : memref<1x208x128xf32, #tpu.memory_space<vmem>> -> memref<208x128xf32, #tpu.memory_space<vmem>>
      %dma_start3A_587 = arith.constant 0 : i32
      %dma_start3A_588 = tpu.memref_slice %arg5[%add3A_581, %dma_start3A_587] : memref<320000x128xf32, #tpu.memory_space<hbm>> -> memref<208x128xf32, #tpu.memory_space<hbm>>
      %dma_start3A_589 = arith.constant 0 : i32
      %dma_start3A_590 = tpu.memref_slice %arg5[%add3A_581, %dma_start3A_589] : memref<320000x128xf32, #tpu.memory_space<hbm>> -> memref<208x128xf32, #tpu.memory_space<hbm>>
      %dma_start3A_591 = arith.constant 0 : i32
      %dma_start3A_592 = arith.constant 0 : i32
      %dma_start3A_593 = tpu.memref_slice %arg8[%dma_start3A_582, %dma_start3A_591, %dma_start3A_592] : memref<2x208x128xf32, #tpu.memory_space<vmem>> -> memref<1x208x128xf32, #tpu.memory_space<vmem>>
      %dma_start3A_594 = tpu.memref_squeeze %dma_start3A_593 : memref<1x208x128xf32, #tpu.memory_space<vmem>> -> memref<208x128xf32, #tpu.memory_space<vmem>>
      tpu.enqueue_dma source(%dma_start3A_594 : memref<208x128xf32, #tpu.memory_space<vmem>>) target(%dma_start3A_590 : memref<208x128xf32, #tpu.memory_space<hbm>>) target_semaphore(%arg13 : memref<!tpu.dma_semaphore, #tpu.memory_space<semaphore_mem>>)
      %mul3A_595 = arith.constant 2 : i32
      %mul3A_596 = arith.muli %mul3A_595, %scan3A_465 : i32
      %add3A_597 = arith.constant 1 : i32
      %add3A_598 = arith.addi %mul3A_596, %add3A_597 : i32
      %mul3A_599 = arith.constant 208 : i32
      %mul3A_600 = arith.muli %add3A_598, %mul3A_599 : i32
      %add3A_601 = arith.constant 0 : i32
      %add3A_602 = arith.addi %mul3A_600, %add3A_601 : i32
      %mul3A_603 = arith.constant 208 : i32
      %mul3A_604 = arith.muli %add3A_598, %mul3A_603 : i32
      %add3A_605 = arith.constant 104 : i32
      %add3A_606 = arith.addi %mul3A_604, %add3A_605 : i32
      %dma_wait3A_607 = arith.constant 1 : i32
      %dma_wait3A_608 = arith.constant 0 : i32
      %dma_wait3A_609 = arith.constant 0 : i32
      %dma_wait3A_610 = tpu.memref_slice %arg7[%dma_wait3A_607, %dma_wait3A_608, %dma_wait3A_609] : memref<2x208x128xf32, #tpu.memory_space<vmem>> -> memref<1x104x128xf32, #tpu.memory_space<vmem>>
      %dma_wait3A_611 = tpu.memref_squeeze %dma_wait3A_610 : memref<1x104x128xf32, #tpu.memory_space<vmem>> -> memref<104x128xf32, #tpu.memory_space<vmem>>
      %dma_wait3A_612 = tpu.memref_slice %arg6[%add3A_602] : memref<10000xi32, #tpu.memory_space<vmem>> -> memref<104xi32, #tpu.memory_space<vmem>>
      %dma_wait3A_613 = arith.constant 0 : i32
      %dma_wait3A_614 = arith.constant 0 : i32
      %dma_wait3A_615 = tpu.memref_slice %arg2[%dma_wait3A_613, %dma_wait3A_614] : memref<27759x128xf32, #tpu.memory_space<hbm>> -> memref<27759x128xf32, #tpu.memory_space<hbm>>
      tpu.wait_indirect_dma semaphore(%arg10 : memref<!tpu.dma_semaphore, #tpu.memory_space<semaphore_mem>>) src(%dma_wait3A_615 : memref<27759x128xf32, #tpu.memory_space<hbm>>) dst(%dma_wait3A_611 : memref<104x128xf32, #tpu.memory_space<vmem>>)
      %dma_wait3A_616 = arith.constant 1 : i32
      %dma_wait3A_617 = arith.constant 104 : i32
      %dma_wait3A_618 = arith.constant 0 : i32
      %dma_wait3A_619 = tpu.memref_slice %arg7[%dma_wait3A_616, %dma_wait3A_617, %dma_wait3A_618] : memref<2x208x128xf32, #tpu.memory_space<vmem>> -> memref<1x104x128xf32, #tpu.memory_space<vmem>>
      %dma_wait3A_620 = tpu.memref_squeeze %dma_wait3A_619 : memref<1x104x128xf32, #tpu.memory_space<vmem>> -> memref<104x128xf32, #tpu.memory_space<vmem>>
      %dma_wait3A_621 = tpu.memref_slice %arg6[%add3A_606] : memref<10000xi32, #tpu.memory_space<vmem>> -> memref<104xi32, #tpu.memory_space<vmem>>
      %dma_wait3A_622 = arith.constant 0 : i32
      %dma_wait3A_623 = arith.constant 0 : i32
      %dma_wait3A_624 = tpu.memref_slice %arg2[%dma_wait3A_622, %dma_wait3A_623] : memref<27759x128xf32, #tpu.memory_space<hbm>> -> memref<27759x128xf32, #tpu.memory_space<hbm>>
      tpu.wait_indirect_dma semaphore(%arg10 : memref<!tpu.dma_semaphore, #tpu.memory_space<semaphore_mem>>) src(%dma_wait3A_624 : memref<27759x128xf32, #tpu.memory_space<hbm>>) dst(%dma_wait3A_620 : memref<104x128xf32, #tpu.memory_space<vmem>>)
      %mul3A_625 = arith.constant 208 : i32
      %mul3A_626 = arith.muli %add3A_598, %mul3A_625 : i32
      %add3A_627 = arith.addi %mul3A_2, %mul3A_626 : i32
      %dma_wait3A_628 = arith.constant 1 : i32
      %dma_wait3A_629 = arith.constant 0 : i32
      %dma_wait3A_630 = arith.constant 0 : i32
      %dma_wait3A_631 = tpu.memref_slice %arg8[%dma_wait3A_628, %dma_wait3A_629, %dma_wait3A_630] : memref<2x208x128xf32, #tpu.memory_space<vmem>> -> memref<1x208x128xf32, #tpu.memory_space<vmem>>
      %dma_wait3A_632 = tpu.memref_squeeze %dma_wait3A_631 : memref<1x208x128xf32, #tpu.memory_space<vmem>> -> memref<208x128xf32, #tpu.memory_space<vmem>>
      %dma_wait3A_633 = arith.constant 0 : i32
      %dma_wait3A_634 = tpu.memref_slice %arg4[%add3A_627, %dma_wait3A_633] : memref<320000x128xf32, #tpu.memory_space<hbm>> -> memref<208x128xf32, #tpu.memory_space<hbm>>
      %dma_wait3A_635 = arith.constant 0 : i32
      %dma_wait3A_636 = arith.constant 0 : i32
      %dma_wait3A_637 = tpu.memref_slice %arg8[%dma_wait3A_628, %dma_wait3A_635, %dma_wait3A_636] : memref<2x208x128xf32, #tpu.memory_space<vmem>> -> memref<1x208x128xf32, #tpu.memory_space<vmem>>
      %dma_wait3A_638 = tpu.memref_squeeze %dma_wait3A_637 : memref<1x208x128xf32, #tpu.memory_space<vmem>> -> memref<208x128xf32, #tpu.memory_space<vmem>>
      %dma_wait3A_639 = arith.constant 0 : i32
      %dma_wait3A_640 = tpu.memref_slice %arg4[%add3A_627, %dma_wait3A_639] : memref<320000x128xf32, #tpu.memory_space<hbm>> -> memref<208x128xf32, #tpu.memory_space<hbm>>
      tpu.wait_dma2 semaphore(%arg12 : memref<!tpu.dma_semaphore, #tpu.memory_space<semaphore_mem>>) src(%dma_wait3A_640 : memref<208x128xf32, #tpu.memory_space<hbm>>) dst(%dma_wait3A_638 : memref<208x128xf32, #tpu.memory_space<vmem>>)
      %sub3A_641 = arith.constant 1 : i32
      %sub3A_642 = arith.subi %add3A_598, %sub3A_641 : i32
      %mul3A_643 = arith.constant 208 : i32
      %mul3A_644 = arith.muli %sub3A_642, %mul3A_643 : i32
      %add3A_645 = arith.addi %mul3A_2, %mul3A_644 : i32
      %dma_wait3A_646 = arith.constant 0 : i32
      %dma_wait3A_647 = arith.constant 0 : i32
      %dma_wait3A_648 = arith.constant 0 : i32
      %dma_wait3A_649 = tpu.memref_slice %arg8[%dma_wait3A_646, %dma_wait3A_647, %dma_wait3A_648] : memref<2x208x128xf32, #tpu.memory_space<vmem>> -> memref<1x208x128xf32, #tpu.memory_space<vmem>>
      %dma_wait3A_650 = tpu.memref_squeeze %dma_wait3A_649 : memref<1x208x128xf32, #tpu.memory_space<vmem>> -> memref<208x128xf32, #tpu.memory_space<vmem>>
      %dma_wait3A_651 = arith.constant 0 : i32
      %dma_wait3A_652 = tpu.memref_slice %arg5[%add3A_645, %dma_wait3A_651] : memref<320000x128xf32, #tpu.memory_space<hbm>> -> memref<208x128xf32, #tpu.memory_space<hbm>>
      %dma_wait3A_653 = arith.constant 0 : i32
      %dma_wait3A_654 = tpu.memref_slice %arg5[%add3A_645, %dma_wait3A_653] : memref<320000x128xf32, #tpu.memory_space<hbm>> -> memref<208x128xf32, #tpu.memory_space<hbm>>
      %dma_wait3A_655 = arith.constant 0 : i32
      %dma_wait3A_656 = arith.constant 0 : i32
      %dma_wait3A_657 = tpu.memref_slice %arg8[%dma_wait3A_646, %dma_wait3A_655, %dma_wait3A_656] : memref<2x208x128xf32, #tpu.memory_space<vmem>> -> memref<1x208x128xf32, #tpu.memory_space<vmem>>
      %dma_wait3A_658 = tpu.memref_squeeze %dma_wait3A_657 : memref<1x208x128xf32, #tpu.memory_space<vmem>> -> memref<208x128xf32, #tpu.memory_space<vmem>>
      tpu.wait_dma2 semaphore(%arg13 : memref<!tpu.dma_semaphore, #tpu.memory_space<semaphore_mem>>) src(%dma_wait3A_658 : memref<208x128xf32, #tpu.memory_space<vmem>>) dst(%dma_wait3A_654 : memref<208x128xf32, #tpu.memory_space<hbm>>)
      %add3A_659 = arith.constant 1 : i32
      %add3A_660 = arith.addi %add3A_598, %add3A_659 : i32
      %mul3A_661 = arith.constant 208 : i32
      %mul3A_662 = arith.muli %add3A_660, %mul3A_661 : i32
      %add3A_663 = arith.constant 0 : i32
      %add3A_664 = arith.addi %mul3A_662, %add3A_663 : i32
      %mul3A_665 = arith.constant 208 : i32
      %mul3A_666 = arith.muli %add3A_660, %mul3A_665 : i32
      %add3A_667 = arith.constant 104 : i32
      %add3A_668 = arith.addi %mul3A_666, %add3A_667 : i32
      %dma_start3A_669 = arith.constant 0 : i32
      %dma_start3A_670 = arith.constant 0 : i32
      %dma_start3A_671 = arith.constant 0 : i32
      %dma_start3A_672 = tpu.memref_slice %arg7[%dma_start3A_669, %dma_start3A_670, %dma_start3A_671] : memref<2x208x128xf32, #tpu.memory_space<vmem>> -> memref<1x104x128xf32, #tpu.memory_space<vmem>>
      %dma_start3A_673 = tpu.memref_squeeze %dma_start3A_672 : memref<1x104x128xf32, #tpu.memory_space<vmem>> -> memref<104x128xf32, #tpu.memory_space<vmem>>
      %dma_start3A_674 = tpu.memref_slice %arg6[%add3A_664] : memref<10000xi32, #tpu.memory_space<vmem>> -> memref<104xi32, #tpu.memory_space<vmem>>
      %dma_start3A_675 = arith.constant 0 : i32
      %dma_start3A_676 = arith.constant 0 : i32
      %dma_start3A_677 = tpu.memref_slice %arg2[%dma_start3A_675, %dma_start3A_676] : memref<27759x128xf32, #tpu.memory_space<hbm>> -> memref<27759x128xf32, #tpu.memory_space<hbm>>
      tpu.enqueue_indirect_dma source(%dma_start3A_677 : memref<27759x128xf32, #tpu.memory_space<hbm>>) target(%dma_start3A_673 : memref<104x128xf32, #tpu.memory_space<vmem>>) offsets(%dma_start3A_674 : memref<104xi32, #tpu.memory_space<vmem>>) semaphore(%arg9 : memref<!tpu.dma_semaphore, #tpu.memory_space<semaphore_mem>>)
      %dma_start3A_678 = arith.constant 0 : i32
      %dma_start3A_679 = arith.constant 104 : i32
      %dma_start3A_680 = arith.constant 0 : i32
      %dma_start3A_681 = tpu.memref_slice %arg7[%dma_start3A_678, %dma_start3A_679, %dma_start3A_680] : memref<2x208x128xf32, #tpu.memory_space<vmem>> -> memref<1x104x128xf32, #tpu.memory_space<vmem>>
      %dma_start3A_682 = tpu.memref_squeeze %dma_start3A_681 : memref<1x104x128xf32, #tpu.memory_space<vmem>> -> memref<104x128xf32, #tpu.memory_space<vmem>>
      %dma_start3A_683 = tpu.memref_slice %arg6[%add3A_668] : memref<10000xi32, #tpu.memory_space<vmem>> -> memref<104xi32, #tpu.memory_space<vmem>>
      %dma_start3A_684 = arith.constant 0 : i32
      %dma_start3A_685 = arith.constant 0 : i32
      %dma_start3A_686 = tpu.memref_slice %arg2[%dma_start3A_684, %dma_start3A_685] : memref<27759x128xf32, #tpu.memory_space<hbm>> -> memref<27759x128xf32, #tpu.memory_space<hbm>>
      tpu.enqueue_indirect_dma source(%dma_start3A_686 : memref<27759x128xf32, #tpu.memory_space<hbm>>) target(%dma_start3A_682 : memref<104x128xf32, #tpu.memory_space<vmem>>) offsets(%dma_start3A_683 : memref<104xi32, #tpu.memory_space<vmem>>) semaphore(%arg9 : memref<!tpu.dma_semaphore, #tpu.memory_space<semaphore_mem>>)
      %mul3A_687 = arith.constant 208 : i32
      %mul3A_688 = arith.muli %add3A_660, %mul3A_687 : i32
      %add3A_689 = arith.addi %mul3A_2, %mul3A_688 : i32
      %dma_start3A_690 = arith.constant 0 : i32
      %dma_start3A_691 = arith.constant 0 : i32
      %dma_start3A_692 = arith.constant 0 : i32
      %dma_start3A_693 = tpu.memref_slice %arg8[%dma_start3A_690, %dma_start3A_691, %dma_start3A_692] : memref<2x208x128xf32, #tpu.memory_space<vmem>> -> memref<1x208x128xf32, #tpu.memory_space<vmem>>
      %dma_start3A_694 = tpu.memref_squeeze %dma_start3A_693 : memref<1x208x128xf32, #tpu.memory_space<vmem>> -> memref<208x128xf32, #tpu.memory_space<vmem>>
      %dma_start3A_695 = arith.constant 0 : i32
      %dma_start3A_696 = tpu.memref_slice %arg4[%add3A_689, %dma_start3A_695] : memref<320000x128xf32, #tpu.memory_space<hbm>> -> memref<208x128xf32, #tpu.memory_space<hbm>>
      %dma_start3A_697 = arith.constant 0 : i32
      %dma_start3A_698 = arith.constant 0 : i32
      %dma_start3A_699 = tpu.memref_slice %arg8[%dma_start3A_690, %dma_start3A_697, %dma_start3A_698] : memref<2x208x128xf32, #tpu.memory_space<vmem>> -> memref<1x208x128xf32, #tpu.memory_space<vmem>>
      %dma_start3A_700 = tpu.memref_squeeze %dma_start3A_699 : memref<1x208x128xf32, #tpu.memory_space<vmem>> -> memref<208x128xf32, #tpu.memory_space<vmem>>
      %dma_start3A_701 = arith.constant 0 : i32
      %dma_start3A_702 = tpu.memref_slice %arg4[%add3A_689, %dma_start3A_701] : memref<320000x128xf32, #tpu.memory_space<hbm>> -> memref<208x128xf32, #tpu.memory_space<hbm>>
      tpu.enqueue_dma source(%dma_start3A_702 : memref<208x128xf32, #tpu.memory_space<hbm>>) target(%dma_start3A_700 : memref<208x128xf32, #tpu.memory_space<vmem>>) target_semaphore(%arg11 : memref<!tpu.dma_semaphore, #tpu.memory_space<semaphore_mem>>)
      %scan3A_703 = arith.constant 0 : i32
      %scan3A_704 = arith.constant 0 : i32
      %scan3A_705 = arith.constant 208 : i32
      %scan3A_706 = arith.addi %scan3A_704, %scan3A_705 : i32
      %scan3A_707 = arith.constant 1 : i32
      %scan3A_708 = scf.for %scan3A_727 = %scan3A_704 to %scan3A_706 step %scan3A_707 iter_args(%scan3A_728 = %scan3A_703) -> (i32)  : i32 {
        %get3A = arith.constant 1 : i32
        %get3A_729 = arith.index_cast %get3A : i32 to index
        %get3A_730 = arith.index_cast %scan3A_727 : i32 to index
        %get3A_731 = arith.constant 0 : index
        %get3A_732 = tpu.vector_load %arg8[%get3A_729, %get3A_730, %get3A_731] {strides = array<i32>} : memref<2x208x128xf32, #tpu.memory_space<vmem>>, vector<16xf32>,
        %get3A_733 = arith.constant 1 : i32
        %get3A_734 = arith.index_cast %get3A_733 : i32 to index
        %get3A_735 = arith.index_cast %scan3A_727 : i32 to index
        %get3A_736 = arith.constant 0 : index
        %get3A_737 = tpu.vector_load %arg7[%get3A_734, %get3A_735, %get3A_736] {strides = array<i32>} : memref<2x208x128xf32, #tpu.memory_space<vmem>>, vector<16xf32>,
        %add3A_738 = arith.addf %get3A_732, %get3A_737 : vector<16xf32>
        %swap3A = arith.constant 1 : i32
        %swap3A_739 = arith.index_cast %swap3A : i32 to index
        %swap3A_740 = arith.index_cast %scan3A_727 : i32 to index
        %swap3A_741 = arith.constant 0 : index
        %swap3A_742 = tpu.vector_load %arg8[%swap3A_739, %swap3A_740, %swap3A_741] {strides = array<i32>} : memref<2x208x128xf32, #tpu.memory_space<vmem>>, vector<16xf32>,
        tpu.vector_store %arg8[%swap3A_739, %swap3A_740, %swap3A_741], %add3A_738 {strides = array<i32>} : memref<2x208x128xf32, #tpu.memory_space<vmem>>, vector<16xf32>,
        %get3A_743 = arith.constant 1 : i32
        %get3A_744 = arith.index_cast %get3A_743 : i32 to index
        %get3A_745 = arith.index_cast %scan3A_727 : i32 to index
        %get3A_746 = arith.constant 16 : index
        %get3A_747 = tpu.vector_load %arg8[%get3A_744, %get3A_745, %get3A_746] {strides = array<i32>} : memref<2x208x128xf32, #tpu.memory_space<vmem>>, vector<16xf32>,
        %get3A_748 = arith.constant 1 : i32
        %get3A_749 = arith.index_cast %get3A_748 : i32 to index
        %get3A_750 = arith.index_cast %scan3A_727 : i32 to index
        %get3A_751 = arith.constant 16 : index
        %get3A_752 = tpu.vector_load %arg7[%get3A_749, %get3A_750, %get3A_751] {strides = array<i32>} : memref<2x208x128xf32, #tpu.memory_space<vmem>>, vector<16xf32>,
        %add3A_753 = arith.addf %get3A_747, %get3A_752 : vector<16xf32>
        %swap3A_754 = arith.constant 1 : i32
        %swap3A_755 = arith.index_cast %swap3A_754 : i32 to index
        %swap3A_756 = arith.index_cast %scan3A_727 : i32 to index
        %swap3A_757 = arith.constant 16 : index
        %swap3A_758 = tpu.vector_load %arg8[%swap3A_755, %swap3A_756, %swap3A_757] {strides = array<i32>} : memref<2x208x128xf32, #tpu.memory_space<vmem>>, vector<16xf32>,
        tpu.vector_store %arg8[%swap3A_755, %swap3A_756, %swap3A_757], %add3A_753 {strides = array<i32>} : memref<2x208x128xf32, #tpu.memory_space<vmem>>, vector<16xf32>,
        %get3A_759 = arith.constant 1 : i32
        %get3A_760 = arith.index_cast %get3A_759 : i32 to index
        %get3A_761 = arith.index_cast %scan3A_727 : i32 to index
        %get3A_762 = arith.constant 32 : index
        %get3A_763 = tpu.vector_load %arg8[%get3A_760, %get3A_761, %get3A_762] {strides = array<i32>} : memref<2x208x128xf32, #tpu.memory_space<vmem>>, vector<16xf32>,
        %get3A_764 = arith.constant 1 : i32
        %get3A_765 = arith.index_cast %get3A_764 : i32 to index
        %get3A_766 = arith.index_cast %scan3A_727 : i32 to index
        %get3A_767 = arith.constant 32 : index
        %get3A_768 = tpu.vector_load %arg7[%get3A_765, %get3A_766, %get3A_767] {strides = array<i32>} : memref<2x208x128xf32, #tpu.memory_space<vmem>>, vector<16xf32>,
        %add3A_769 = arith.addf %get3A_763, %get3A_768 : vector<16xf32>
        %swap3A_770 = arith.constant 1 : i32
        %swap3A_771 = arith.index_cast %swap3A_770 : i32 to index
        %swap3A_772 = arith.index_cast %scan3A_727 : i32 to index
        %swap3A_773 = arith.constant 32 : index
        %swap3A_774 = tpu.vector_load %arg8[%swap3A_771, %swap3A_772, %swap3A_773] {strides = array<i32>} : memref<2x208x128xf32, #tpu.memory_space<vmem>>, vector<16xf32>,
        tpu.vector_store %arg8[%swap3A_771, %swap3A_772, %swap3A_773], %add3A_769 {strides = array<i32>} : memref<2x208x128xf32, #tpu.memory_space<vmem>>, vector<16xf32>,
        %get3A_775 = arith.constant 1 : i32
        %get3A_776 = arith.index_cast %get3A_775 : i32 to index
        %get3A_777 = arith.index_cast %scan3A_727 : i32 to index
        %get3A_778 = arith.constant 48 : index
        %get3A_779 = tpu.vector_load %arg8[%get3A_776, %get3A_777, %get3A_778] {strides = array<i32>} : memref<2x208x128xf32, #tpu.memory_space<vmem>>, vector<16xf32>,
        %get3A_780 = arith.constant 1 : i32
        %get3A_781 = arith.index_cast %get3A_780 : i32 to index
        %get3A_782 = arith.index_cast %scan3A_727 : i32 to index
        %get3A_783 = arith.constant 48 : index
        %get3A_784 = tpu.vector_load %arg7[%get3A_781, %get3A_782, %get3A_783] {strides = array<i32>} : memref<2x208x128xf32, #tpu.memory_space<vmem>>, vector<16xf32>,
        %add3A_785 = arith.addf %get3A_779, %get3A_784 : vector<16xf32>
        %swap3A_786 = arith.constant 1 : i32
        %swap3A_787 = arith.index_cast %swap3A_786 : i32 to index
        %swap3A_788 = arith.index_cast %scan3A_727 : i32 to index
        %swap3A_789 = arith.constant 48 : index
        %swap3A_790 = tpu.vector_load %arg8[%swap3A_787, %swap3A_788, %swap3A_789] {strides = array<i32>} : memref<2x208x128xf32, #tpu.memory_space<vmem>>, vector<16xf32>,
        tpu.vector_store %arg8[%swap3A_787, %swap3A_788, %swap3A_789], %add3A_785 {strides = array<i32>} : memref<2x208x128xf32, #tpu.memory_space<vmem>>, vector<16xf32>,
        %get3A_791 = arith.constant 1 : i32
        %get3A_792 = arith.index_cast %get3A_791 : i32 to index
        %get3A_793 = arith.index_cast %scan3A_727 : i32 to index
        %get3A_794 = arith.constant 64 : index
        %get3A_795 = tpu.vector_load %arg8[%get3A_792, %get3A_793, %get3A_794] {strides = array<i32>} : memref<2x208x128xf32, #tpu.memory_space<vmem>>, vector<16xf32>,
        %get3A_796 = arith.constant 1 : i32
        %get3A_797 = arith.index_cast %get3A_796 : i32 to index
        %get3A_798 = arith.index_cast %scan3A_727 : i32 to index
        %get3A_799 = arith.constant 64 : index
        %get3A_800 = tpu.vector_load %arg7[%get3A_797, %get3A_798, %get3A_799] {strides = array<i32>} : memref<2x208x128xf32, #tpu.memory_space<vmem>>, vector<16xf32>,
        %add3A_801 = arith.addf %get3A_795, %get3A_800 : vector<16xf32>
        %swap3A_802 = arith.constant 1 : i32
        %swap3A_803 = arith.index_cast %swap3A_802 : i32 to index
        %swap3A_804 = arith.index_cast %scan3A_727 : i32 to index
        %swap3A_805 = arith.constant 64 : index
        %swap3A_806 = tpu.vector_load %arg8[%swap3A_803, %swap3A_804, %swap3A_805] {strides = array<i32>} : memref<2x208x128xf32, #tpu.memory_space<vmem>>, vector<16xf32>,
        tpu.vector_store %arg8[%swap3A_803, %swap3A_804, %swap3A_805], %add3A_801 {strides = array<i32>} : memref<2x208x128xf32, #tpu.memory_space<vmem>>, vector<16xf32>,
        %get3A_807 = arith.constant 1 : i32
        %get3A_808 = arith.index_cast %get3A_807 : i32 to index
        %get3A_809 = arith.index_cast %scan3A_727 : i32 to index
        %get3A_810 = arith.constant 80 : index
        %get3A_811 = tpu.vector_load %arg8[%get3A_808, %get3A_809, %get3A_810] {strides = array<i32>} : memref<2x208x128xf32, #tpu.memory_space<vmem>>, vector<16xf32>,
        %get3A_812 = arith.constant 1 : i32
        %get3A_813 = arith.index_cast %get3A_812 : i32 to index
        %get3A_814 = arith.index_cast %scan3A_727 : i32 to index
        %get3A_815 = arith.constant 80 : index
        %get3A_816 = tpu.vector_load %arg7[%get3A_813, %get3A_814, %get3A_815] {strides = array<i32>} : memref<2x208x128xf32, #tpu.memory_space<vmem>>, vector<16xf32>,
        %add3A_817 = arith.addf %get3A_811, %get3A_816 : vector<16xf32>
        %swap3A_818 = arith.constant 1 : i32
        %swap3A_819 = arith.index_cast %swap3A_818 : i32 to index
        %swap3A_820 = arith.index_cast %scan3A_727 : i32 to index
        %swap3A_821 = arith.constant 80 : index
        %swap3A_822 = tpu.vector_load %arg8[%swap3A_819, %swap3A_820, %swap3A_821] {strides = array<i32>} : memref<2x208x128xf32, #tpu.memory_space<vmem>>, vector<16xf32>,
        tpu.vector_store %arg8[%swap3A_819, %swap3A_820, %swap3A_821], %add3A_817 {strides = array<i32>} : memref<2x208x128xf32, #tpu.memory_space<vmem>>, vector<16xf32>,
        %get3A_823 = arith.constant 1 : i32
        %get3A_824 = arith.index_cast %get3A_823 : i32 to index
        %get3A_825 = arith.index_cast %scan3A_727 : i32 to index
        %get3A_826 = arith.constant 96 : index
        %get3A_827 = tpu.vector_load %arg8[%get3A_824, %get3A_825, %get3A_826] {strides = array<i32>} : memref<2x208x128xf32, #tpu.memory_space<vmem>>, vector<16xf32>,
        %get3A_828 = arith.constant 1 : i32
        %get3A_829 = arith.index_cast %get3A_828 : i32 to index
        %get3A_830 = arith.index_cast %scan3A_727 : i32 to index
        %get3A_831 = arith.constant 96 : index
        %get3A_832 = tpu.vector_load %arg7[%get3A_829, %get3A_830, %get3A_831] {strides = array<i32>} : memref<2x208x128xf32, #tpu.memory_space<vmem>>, vector<16xf32>,
        %add3A_833 = arith.addf %get3A_827, %get3A_832 : vector<16xf32>
        %swap3A_834 = arith.constant 1 : i32
        %swap3A_835 = arith.index_cast %swap3A_834 : i32 to index
        %swap3A_836 = arith.index_cast %scan3A_727 : i32 to index
        %swap3A_837 = arith.constant 96 : index
        %swap3A_838 = tpu.vector_load %arg8[%swap3A_835, %swap3A_836, %swap3A_837] {strides = array<i32>} : memref<2x208x128xf32, #tpu.memory_space<vmem>>, vector<16xf32>,
        tpu.vector_store %arg8[%swap3A_835, %swap3A_836, %swap3A_837], %add3A_833 {strides = array<i32>} : memref<2x208x128xf32, #tpu.memory_space<vmem>>, vector<16xf32>,
        %get3A_839 = arith.constant 1 : i32
        %get3A_840 = arith.index_cast %get3A_839 : i32 to index
        %get3A_841 = arith.index_cast %scan3A_727 : i32 to index
        %get3A_842 = arith.constant 112 : index
        %get3A_843 = tpu.vector_load %arg8[%get3A_840, %get3A_841, %get3A_842] {strides = array<i32>} : memref<2x208x128xf32, #tpu.memory_space<vmem>>, vector<16xf32>,
        %get3A_844 = arith.constant 1 : i32
        %get3A_845 = arith.index_cast %get3A_844 : i32 to index
        %get3A_846 = arith.index_cast %scan3A_727 : i32 to index
        %get3A_847 = arith.constant 112 : index
        %get3A_848 = tpu.vector_load %arg7[%get3A_845, %get3A_846, %get3A_847] {strides = array<i32>} : memref<2x208x128xf32, #tpu.memory_space<vmem>>, vector<16xf32>,
        %add3A_849 = arith.addf %get3A_843, %get3A_848 : vector<16xf32>
        %swap3A_850 = arith.constant 1 : i32
        %swap3A_851 = arith.index_cast %swap3A_850 : i32 to index
        %swap3A_852 = arith.index_cast %scan3A_727 : i32 to index
        %swap3A_853 = arith.constant 112 : index
        %swap3A_854 = tpu.vector_load %arg8[%swap3A_851, %swap3A_852, %swap3A_853] {strides = array<i32>} : memref<2x208x128xf32, #tpu.memory_space<vmem>>, vector<16xf32>,
        tpu.vector_store %arg8[%swap3A_851, %swap3A_852, %swap3A_853], %add3A_849 {strides = array<i32>} : memref<2x208x128xf32, #tpu.memory_space<vmem>>, vector<16xf32>,
        %scan3A_855 = arith.constant 0 : i32
        scf.yield %scan3A_855 : i32
      }
      %scan3A_709 = arith.constant 208 : i32
      %mul3A_710 = arith.constant 208 : i32
      %mul3A_711 = arith.muli %add3A_598, %mul3A_710 : i32
      %add3A_712 = arith.addi %mul3A_2, %mul3A_711 : i32
      %dma_start3A_713 = arith.constant 1 : i32
      %dma_start3A_714 = arith.constant 0 : i32
      %dma_start3A_715 = arith.constant 0 : i32
      %dma_start3A_716 = tpu.memref_slice %arg8[%dma_start3A_713, %dma_start3A_714, %dma_start3A_715] : memref<2x208x128xf32, #tpu.memory_space<vmem>> -> memref<1x208x128xf32, #tpu.memory_space<vmem>>
      %dma_start3A_717 = tpu.memref_squeeze %dma_start3A_716 : memref<1x208x128xf32, #tpu.memory_space<vmem>> -> memref<208x128xf32, #tpu.memory_space<vmem>>
      %dma_start3A_718 = arith.constant 0 : i32
      %dma_start3A_719 = tpu.memref_slice %arg5[%add3A_712, %dma_start3A_718] : memref<320000x128xf32, #tpu.memory_space<hbm>> -> memref<208x128xf32, #tpu.memory_space<hbm>>
      %dma_start3A_720 = arith.constant 0 : i32
      %dma_start3A_721 = tpu.memref_slice %arg5[%add3A_712, %dma_start3A_720] : memref<320000x128xf32, #tpu.memory_space<hbm>> -> memref<208x128xf32, #tpu.memory_space<hbm>>
      %dma_start3A_722 = arith.constant 0 : i32
      %dma_start3A_723 = arith.constant 0 : i32
      %dma_start3A_724 = tpu.memref_slice %arg8[%dma_start3A_713, %dma_start3A_722, %dma_start3A_723] : memref<2x208x128xf32, #tpu.memory_space<vmem>> -> memref<1x208x128xf32, #tpu.memory_space<vmem>>
      %dma_start3A_725 = tpu.memref_squeeze %dma_start3A_724 : memref<1x208x128xf32, #tpu.memory_space<vmem>> -> memref<208x128xf32, #tpu.memory_space<vmem>>
      tpu.enqueue_dma source(%dma_start3A_725 : memref<208x128xf32, #tpu.memory_space<vmem>>) target(%dma_start3A_721 : memref<208x128xf32, #tpu.memory_space<hbm>>) target_semaphore(%arg14 : memref<!tpu.dma_semaphore, #tpu.memory_space<semaphore_mem>>)
      %scan3A_726 = arith.constant 0 : i32
      scf.yield %scan3A_726 : i32
    }
    %scan3A_240 = arith.constant 22 : i32
    %dma_wait3A_241 = arith.constant 0 : i32
    %dma_wait3A_242 = arith.constant 0 : i32
    %dma_wait3A_243 = arith.constant 0 : i32
    %dma_wait3A_244 = tpu.memref_slice %arg7[%dma_wait3A_241, %dma_wait3A_242, %dma_wait3A_243] : memref<2x208x128xf32, #tpu.memory_space<vmem>> -> memref<1x104x128xf32, #tpu.memory_space<vmem>>
    %dma_wait3A_245 = tpu.memref_squeeze %dma_wait3A_244 : memref<1x104x128xf32, #tpu.memory_space<vmem>> -> memref<104x128xf32, #tpu.memory_space<vmem>>
    %dma_wait3A_246 = arith.constant 9568 : i32
    %dma_wait3A_247 = tpu.memref_slice %arg6[%dma_wait3A_246] : memref<10000xi32, #tpu.memory_space<vmem>> -> memref<104xi32, #tpu.memory_space<vmem>>
    %dma_wait3A_248 = arith.constant 0 : i32
    %dma_wait3A_249 = arith.constant 0 : i32
    %dma_wait3A_250 = tpu.memref_slice %arg2[%dma_wait3A_248, %dma_wait3A_249] : memref<27759x128xf32, #tpu.memory_space<hbm>> -> memref<27759x128xf32, #tpu.memory_space<hbm>>
    tpu.wait_indirect_dma semaphore(%arg9 : memref<!tpu.dma_semaphore, #tpu.memory_space<semaphore_mem>>) src(%dma_wait3A_250 : memref<27759x128xf32, #tpu.memory_space<hbm>>) dst(%dma_wait3A_245 : memref<104x128xf32, #tpu.memory_space<vmem>>)
    %dma_wait3A_251 = arith.constant 0 : i32
    %dma_wait3A_252 = arith.constant 104 : i32
    %dma_wait3A_253 = arith.constant 0 : i32
    %dma_wait3A_254 = tpu.memref_slice %arg7[%dma_wait3A_251, %dma_wait3A_252, %dma_wait3A_253] : memref<2x208x128xf32, #tpu.memory_space<vmem>> -> memref<1x104x128xf32, #tpu.memory_space<vmem>>
    %dma_wait3A_255 = tpu.memref_squeeze %dma_wait3A_254 : memref<1x104x128xf32, #tpu.memory_space<vmem>> -> memref<104x128xf32, #tpu.memory_space<vmem>>
    %dma_wait3A_256 = arith.constant 9672 : i32
    %dma_wait3A_257 = tpu.memref_slice %arg6[%dma_wait3A_256] : memref<10000xi32, #tpu.memory_space<vmem>> -> memref<104xi32, #tpu.memory_space<vmem>>
    %dma_wait3A_258 = arith.constant 0 : i32
    %dma_wait3A_259 = arith.constant 0 : i32
    %dma_wait3A_260 = tpu.memref_slice %arg2[%dma_wait3A_258, %dma_wait3A_259] : memref<27759x128xf32, #tpu.memory_space<hbm>> -> memref<27759x128xf32, #tpu.memory_space<hbm>>
    tpu.wait_indirect_dma semaphore(%arg9 : memref<!tpu.dma_semaphore, #tpu.memory_space<semaphore_mem>>) src(%dma_wait3A_260 : memref<27759x128xf32, #tpu.memory_space<hbm>>) dst(%dma_wait3A_255 : memref<104x128xf32, #tpu.memory_space<vmem>>)
    %add3A_261 = arith.constant 9568 : i32
    %add3A_262 = arith.addi %mul3A_2, %add3A_261 : i32
    %dma_wait3A_263 = arith.constant 0 : i32
    %dma_wait3A_264 = arith.constant 0 : i32
    %dma_wait3A_265 = arith.constant 0 : i32
    %dma_wait3A_266 = tpu.memref_slice %arg8[%dma_wait3A_263, %dma_wait3A_264, %dma_wait3A_265] : memref<2x208x128xf32, #tpu.memory_space<vmem>> -> memref<1x208x128xf32, #tpu.memory_space<vmem>>
    %dma_wait3A_267 = tpu.memref_squeeze %dma_wait3A_266 : memref<1x208x128xf32, #tpu.memory_space<vmem>> -> memref<208x128xf32, #tpu.memory_space<vmem>>
    %dma_wait3A_268 = arith.constant 0 : i32
    %dma_wait3A_269 = tpu.memref_slice %arg4[%add3A_262, %dma_wait3A_268] : memref<320000x128xf32, #tpu.memory_space<hbm>> -> memref<208x128xf32, #tpu.memory_space<hbm>>
    %dma_wait3A_270 = arith.constant 0 : i32
    %dma_wait3A_271 = arith.constant 0 : i32
    %dma_wait3A_272 = tpu.memref_slice %arg8[%dma_wait3A_263, %dma_wait3A_270, %dma_wait3A_271] : memref<2x208x128xf32, #tpu.memory_space<vmem>> -> memref<1x208x128xf32, #tpu.memory_space<vmem>>
    %dma_wait3A_273 = tpu.memref_squeeze %dma_wait3A_272 : memref<1x208x128xf32, #tpu.memory_space<vmem>> -> memref<208x128xf32, #tpu.memory_space<vmem>>
    %dma_wait3A_274 = arith.constant 0 : i32
    %dma_wait3A_275 = tpu.memref_slice %arg4[%add3A_262, %dma_wait3A_274] : memref<320000x128xf32, #tpu.memory_space<hbm>> -> memref<208x128xf32, #tpu.memory_space<hbm>>
    tpu.wait_dma2 semaphore(%arg11 : memref<!tpu.dma_semaphore, #tpu.memory_space<semaphore_mem>>) src(%dma_wait3A_275 : memref<208x128xf32, #tpu.memory_space<hbm>>) dst(%dma_wait3A_273 : memref<208x128xf32, #tpu.memory_space<vmem>>)
    %add3A_276 = arith.constant 9360 : i32
    %add3A_277 = arith.addi %mul3A_2, %add3A_276 : i32
    %dma_wait3A_278 = arith.constant 1 : i32
    %dma_wait3A_279 = arith.constant 0 : i32
    %dma_wait3A_280 = arith.constant 0 : i32
    %dma_wait3A_281 = tpu.memref_slice %arg8[%dma_wait3A_278, %dma_wait3A_279, %dma_wait3A_280] : memref<2x208x128xf32, #tpu.memory_space<vmem>> -> memref<1x208x128xf32, #tpu.memory_space<vmem>>
    %dma_wait3A_282 = tpu.memref_squeeze %dma_wait3A_281 : memref<1x208x128xf32, #tpu.memory_space<vmem>> -> memref<208x128xf32, #tpu.memory_space<vmem>>
    %dma_wait3A_283 = arith.constant 0 : i32
    %dma_wait3A_284 = tpu.memref_slice %arg5[%add3A_277, %dma_wait3A_283] : memref<320000x128xf32, #tpu.memory_space<hbm>> -> memref<208x128xf32, #tpu.memory_space<hbm>>
    %dma_wait3A_285 = arith.constant 0 : i32
    %dma_wait3A_286 = tpu.memref_slice %arg5[%add3A_277, %dma_wait3A_285] : memref<320000x128xf32, #tpu.memory_space<hbm>> -> memref<208x128xf32, #tpu.memory_space<hbm>>
    %dma_wait3A_287 = arith.constant 0 : i32
    %dma_wait3A_288 = arith.constant 0 : i32
    %dma_wait3A_289 = tpu.memref_slice %arg8[%dma_wait3A_278, %dma_wait3A_287, %dma_wait3A_288] : memref<2x208x128xf32, #tpu.memory_space<vmem>> -> memref<1x208x128xf32, #tpu.memory_space<vmem>>
    %dma_wait3A_290 = tpu.memref_squeeze %dma_wait3A_289 : memref<1x208x128xf32, #tpu.memory_space<vmem>> -> memref<208x128xf32, #tpu.memory_space<vmem>>
    tpu.wait_dma2 semaphore(%arg14 : memref<!tpu.dma_semaphore, #tpu.memory_space<semaphore_mem>>) src(%dma_wait3A_290 : memref<208x128xf32, #tpu.memory_space<vmem>>) dst(%dma_wait3A_286 : memref<208x128xf32, #tpu.memory_space<hbm>>)
    %dma_start3A_291 = arith.constant 1 : i32
    %dma_start3A_292 = arith.constant 0 : i32
    %dma_start3A_293 = arith.constant 0 : i32
    %dma_start3A_294 = tpu.memref_slice %arg7[%dma_start3A_291, %dma_start3A_292, %dma_start3A_293] : memref<2x208x128xf32, #tpu.memory_space<vmem>> -> memref<1x104x128xf32, #tpu.memory_space<vmem>>
    %dma_start3A_295 = tpu.memref_squeeze %dma_start3A_294 : memref<1x104x128xf32, #tpu.memory_space<vmem>> -> memref<104x128xf32, #tpu.memory_space<vmem>>
    %dma_start3A_296 = arith.constant 9776 : i32
    %dma_start3A_297 = tpu.memref_slice %arg6[%dma_start3A_296] : memref<10000xi32, #tpu.memory_space<vmem>> -> memref<104xi32, #tpu.memory_space<vmem>>
    %dma_start3A_298 = arith.constant 0 : i32
    %dma_start3A_299 = arith.constant 0 : i32
    %dma_start3A_300 = tpu.memref_slice %arg2[%dma_start3A_298, %dma_start3A_299] : memref<27759x128xf32, #tpu.memory_space<hbm>> -> memref<27759x128xf32, #tpu.memory_space<hbm>>
    tpu.enqueue_indirect_dma source(%dma_start3A_300 : memref<27759x128xf32, #tpu.memory_space<hbm>>) target(%dma_start3A_295 : memref<104x128xf32, #tpu.memory_space<vmem>>) offsets(%dma_start3A_297 : memref<104xi32, #tpu.memory_space<vmem>>) semaphore(%arg10 : memref<!tpu.dma_semaphore, #tpu.memory_space<semaphore_mem>>)
    %dma_start3A_301 = arith.constant 1 : i32
    %dma_start3A_302 = arith.constant 104 : i32
    %dma_start3A_303 = arith.constant 0 : i32
    %dma_start3A_304 = tpu.memref_slice %arg7[%dma_start3A_301, %dma_start3A_302, %dma_start3A_303] : memref<2x208x128xf32, #tpu.memory_space<vmem>> -> memref<1x104x128xf32, #tpu.memory_space<vmem>>
    %dma_start3A_305 = tpu.memref_squeeze %dma_start3A_304 : memref<1x104x128xf32, #tpu.memory_space<vmem>> -> memref<104x128xf32, #tpu.memory_space<vmem>>
    %dma_start3A_306 = arith.constant 9880 : i32
    %dma_start3A_307 = tpu.memref_slice %arg6[%dma_start3A_306] : memref<10000xi32, #tpu.memory_space<vmem>> -> memref<104xi32, #tpu.memory_space<vmem>>
    %dma_start3A_308 = arith.constant 0 : i32
    %dma_start3A_309 = arith.constant 0 : i32
    %dma_start3A_310 = tpu.memref_slice %arg2[%dma_start3A_308, %dma_start3A_309] : memref<27759x128xf32, #tpu.memory_space<hbm>> -> memref<27759x128xf32, #tpu.memory_space<hbm>>
    tpu.enqueue_indirect_dma source(%dma_start3A_310 : memref<27759x128xf32, #tpu.memory_space<hbm>>) target(%dma_start3A_305 : memref<104x128xf32, #tpu.memory_space<vmem>>) offsets(%dma_start3A_307 : memref<104xi32, #tpu.memory_space<vmem>>) semaphore(%arg10 : memref<!tpu.dma_semaphore, #tpu.memory_space<semaphore_mem>>)
    %add3A_311 = arith.constant 9776 : i32
    %add3A_312 = arith.addi %mul3A_2, %add3A_311 : i32
    %dma_start3A_313 = arith.constant 1 : i32
    %dma_start3A_314 = arith.constant 0 : i32
    %dma_start3A_315 = arith.constant 0 : i32
    %dma_start3A_316 = tpu.memref_slice %arg8[%dma_start3A_313, %dma_start3A_314, %dma_start3A_315] : memref<2x208x128xf32, #tpu.memory_space<vmem>> -> memref<1x208x128xf32, #tpu.memory_space<vmem>>
    %dma_start3A_317 = tpu.memref_squeeze %dma_start3A_316 : memref<1x208x128xf32, #tpu.memory_space<vmem>> -> memref<208x128xf32, #tpu.memory_space<vmem>>
    %dma_start3A_318 = arith.constant 0 : i32
    %dma_start3A_319 = tpu.memref_slice %arg4[%add3A_312, %dma_start3A_318] : memref<320000x128xf32, #tpu.memory_space<hbm>> -> memref<208x128xf32, #tpu.memory_space<hbm>>
    %dma_start3A_320 = arith.constant 0 : i32
    %dma_start3A_321 = arith.constant 0 : i32
    %dma_start3A_322 = tpu.memref_slice %arg8[%dma_start3A_313, %dma_start3A_320, %dma_start3A_321] : memref<2x208x128xf32, #tpu.memory_space<vmem>> -> memref<1x208x128xf32, #tpu.memory_space<vmem>>
    %dma_start3A_323 = tpu.memref_squeeze %dma_start3A_322 : memref<1x208x128xf32, #tpu.memory_space<vmem>> -> memref<208x128xf32, #tpu.memory_space<vmem>>
    %dma_start3A_324 = arith.constant 0 : i32
    %dma_start3A_325 = tpu.memref_slice %arg4[%add3A_312, %dma_start3A_324] : memref<320000x128xf32, #tpu.memory_space<hbm>> -> memref<208x128xf32, #tpu.memory_space<hbm>>
    tpu.enqueue_dma source(%dma_start3A_325 : memref<208x128xf32, #tpu.memory_space<hbm>>) target(%dma_start3A_323 : memref<208x128xf32, #tpu.memory_space<vmem>>) target_semaphore(%arg12 : memref<!tpu.dma_semaphore, #tpu.memory_space<semaphore_mem>>)
    %scan3A_326 = arith.constant 0 : i32
    %scan3A_327 = arith.constant 0 : i32
    %scan3A_328 = arith.constant 208 : i32
    %scan3A_329 = arith.addi %scan3A_327, %scan3A_328 : i32
    %scan3A_330 = arith.constant 1 : i32
    %scan3A_331 = scf.for %scan3A_465 = %scan3A_327 to %scan3A_329 step %scan3A_330 iter_args(%scan3A_466 = %scan3A_326) -> (i32)  : i32 {
      %get3A = arith.constant 0 : i32
      %get3A_467 = arith.index_cast %get3A : i32 to index
      %get3A_468 = arith.index_cast %scan3A_465 : i32 to index
      %get3A_469 = arith.constant 0 : index
      %get3A_470 = tpu.vector_load %arg8[%get3A_467, %get3A_468, %get3A_469] {strides = array<i32>} : memref<2x208x128xf32, #tpu.memory_space<vmem>>, vector<16xf32>,
      %get3A_471 = arith.constant 0 : i32
      %get3A_472 = arith.index_cast %get3A_471 : i32 to index
      %get3A_473 = arith.index_cast %scan3A_465 : i32 to index
      %get3A_474 = arith.constant 0 : index
      %get3A_475 = tpu.vector_load %arg7[%get3A_472, %get3A_473, %get3A_474] {strides = array<i32>} : memref<2x208x128xf32, #tpu.memory_space<vmem>>, vector<16xf32>,
      %add3A_476 = arith.addf %get3A_470, %get3A_475 : vector<16xf32>
      %swap3A = arith.constant 0 : i32
      %swap3A_477 = arith.index_cast %swap3A : i32 to index
      %swap3A_478 = arith.index_cast %scan3A_465 : i32 to index
      %swap3A_479 = arith.constant 0 : index
      %swap3A_480 = tpu.vector_load %arg8[%swap3A_477, %swap3A_478, %swap3A_479] {strides = array<i32>} : memref<2x208x128xf32, #tpu.memory_space<vmem>>, vector<16xf32>,
      tpu.vector_store %arg8[%swap3A_477, %swap3A_478, %swap3A_479], %add3A_476 {strides = array<i32>} : memref<2x208x128xf32, #tpu.memory_space<vmem>>, vector<16xf32>,
      %get3A_481 = arith.constant 0 : i32
      %get3A_482 = arith.index_cast %get3A_481 : i32 to index
      %get3A_483 = arith.index_cast %scan3A_465 : i32 to index
      %get3A_484 = arith.constant 16 : index
      %get3A_485 = tpu.vector_load %arg8[%get3A_482, %get3A_483, %get3A_484] {strides = array<i32>} : memref<2x208x128xf32, #tpu.memory_space<vmem>>, vector<16xf32>,
      %get3A_486 = arith.constant 0 : i32
      %get3A_487 = arith.index_cast %get3A_486 : i32 to index
      %get3A_488 = arith.index_cast %scan3A_465 : i32 to index
      %get3A_489 = arith.constant 16 : index
      %get3A_490 = tpu.vector_load %arg7[%get3A_487, %get3A_488, %get3A_489] {strides = array<i32>} : memref<2x208x128xf32, #tpu.memory_space<vmem>>, vector<16xf32>,
      %add3A_491 = arith.addf %get3A_485, %get3A_490 : vector<16xf32>
      %swap3A_492 = arith.constant 0 : i32
      %swap3A_493 = arith.index_cast %swap3A_492 : i32 to index
      %swap3A_494 = arith.index_cast %scan3A_465 : i32 to index
      %swap3A_495 = arith.constant 16 : index
      %swap3A_496 = tpu.vector_load %arg8[%swap3A_493, %swap3A_494, %swap3A_495] {strides = array<i32>} : memref<2x208x128xf32, #tpu.memory_space<vmem>>, vector<16xf32>,
      tpu.vector_store %arg8[%swap3A_493, %swap3A_494, %swap3A_495], %add3A_491 {strides = array<i32>} : memref<2x208x128xf32, #tpu.memory_space<vmem>>, vector<16xf32>,
      %get3A_497 = arith.constant 0 : i32
      %get3A_498 = arith.index_cast %get3A_497 : i32 to index
      %get3A_499 = arith.index_cast %scan3A_465 : i32 to index
      %get3A_500 = arith.constant 32 : index
      %get3A_501 = tpu.vector_load %arg8[%get3A_498, %get3A_499, %get3A_500] {strides = array<i32>} : memref<2x208x128xf32, #tpu.memory_space<vmem>>, vector<16xf32>,
      %get3A_502 = arith.constant 0 : i32
      %get3A_503 = arith.index_cast %get3A_502 : i32 to index
      %get3A_504 = arith.index_cast %scan3A_465 : i32 to index
      %get3A_505 = arith.constant 32 : index
      %get3A_506 = tpu.vector_load %arg7[%get3A_503, %get3A_504, %get3A_505] {strides = array<i32>} : memref<2x208x128xf32, #tpu.memory_space<vmem>>, vector<16xf32>,
      %add3A_507 = arith.addf %get3A_501, %get3A_506 : vector<16xf32>
      %swap3A_508 = arith.constant 0 : i32
      %swap3A_509 = arith.index_cast %swap3A_508 : i32 to index
      %swap3A_510 = arith.index_cast %scan3A_465 : i32 to index
      %swap3A_511 = arith.constant 32 : index
      %swap3A_512 = tpu.vector_load %arg8[%swap3A_509, %swap3A_510, %swap3A_511] {strides = array<i32>} : memref<2x208x128xf32, #tpu.memory_space<vmem>>, vector<16xf32>,
      tpu.vector_store %arg8[%swap3A_509, %swap3A_510, %swap3A_511], %add3A_507 {strides = array<i32>} : memref<2x208x128xf32, #tpu.memory_space<vmem>>, vector<16xf32>,
      %get3A_513 = arith.constant 0 : i32
      %get3A_514 = arith.index_cast %get3A_513 : i32 to index
      %get3A_515 = arith.index_cast %scan3A_465 : i32 to index
      %get3A_516 = arith.constant 48 : index
      %get3A_517 = tpu.vector_load %arg8[%get3A_514, %get3A_515, %get3A_516] {strides = array<i32>} : memref<2x208x128xf32, #tpu.memory_space<vmem>>, vector<16xf32>,
      %get3A_518 = arith.constant 0 : i32
      %get3A_519 = arith.index_cast %get3A_518 : i32 to index
      %get3A_520 = arith.index_cast %scan3A_465 : i32 to index
      %get3A_521 = arith.constant 48 : index
      %get3A_522 = tpu.vector_load %arg7[%get3A_519, %get3A_520, %get3A_521] {strides = array<i32>} : memref<2x208x128xf32, #tpu.memory_space<vmem>>, vector<16xf32>,
      %add3A_523 = arith.addf %get3A_517, %get3A_522 : vector<16xf32>
      %swap3A_524 = arith.constant 0 : i32
      %swap3A_525 = arith.index_cast %swap3A_524 : i32 to index
      %swap3A_526 = arith.index_cast %scan3A_465 : i32 to index
      %swap3A_527 = arith.constant 48 : index
      %swap3A_528 = tpu.vector_load %arg8[%swap3A_525, %swap3A_526, %swap3A_527] {strides = array<i32>} : memref<2x208x128xf32, #tpu.memory_space<vmem>>, vector<16xf32>,
      tpu.vector_store %arg8[%swap3A_525, %swap3A_526, %swap3A_527], %add3A_523 {strides = array<i32>} : memref<2x208x128xf32, #tpu.memory_space<vmem>>, vector<16xf32>,
      %get3A_529 = arith.constant 0 : i32
      %get3A_530 = arith.index_cast %get3A_529 : i32 to index
      %get3A_531 = arith.index_cast %scan3A_465 : i32 to index
      %get3A_532 = arith.constant 64 : index
      %get3A_533 = tpu.vector_load %arg8[%get3A_530, %get3A_531, %get3A_532] {strides = array<i32>} : memref<2x208x128xf32, #tpu.memory_space<vmem>>, vector<16xf32>,
      %get3A_534 = arith.constant 0 : i32
      %get3A_535 = arith.index_cast %get3A_534 : i32 to index
      %get3A_536 = arith.index_cast %scan3A_465 : i32 to index
      %get3A_537 = arith.constant 64 : index
      %get3A_538 = tpu.vector_load %arg7[%get3A_535, %get3A_536, %get3A_537] {strides = array<i32>} : memref<2x208x128xf32, #tpu.memory_space<vmem>>, vector<16xf32>,
      %add3A_539 = arith.addf %get3A_533, %get3A_538 : vector<16xf32>
      %swap3A_540 = arith.constant 0 : i32
      %swap3A_541 = arith.index_cast %swap3A_540 : i32 to index
      %swap3A_542 = arith.index_cast %scan3A_465 : i32 to index
      %swap3A_543 = arith.constant 64 : index
      %swap3A_544 = tpu.vector_load %arg8[%swap3A_541, %swap3A_542, %swap3A_543] {strides = array<i32>} : memref<2x208x128xf32, #tpu.memory_space<vmem>>, vector<16xf32>,
      tpu.vector_store %arg8[%swap3A_541, %swap3A_542, %swap3A_543], %add3A_539 {strides = array<i32>} : memref<2x208x128xf32, #tpu.memory_space<vmem>>, vector<16xf32>,
      %get3A_545 = arith.constant 0 : i32
      %get3A_546 = arith.index_cast %get3A_545 : i32 to index
      %get3A_547 = arith.index_cast %scan3A_465 : i32 to index
      %get3A_548 = arith.constant 80 : index
      %get3A_549 = tpu.vector_load %arg8[%get3A_546, %get3A_547, %get3A_548] {strides = array<i32>} : memref<2x208x128xf32, #tpu.memory_space<vmem>>, vector<16xf32>,
      %get3A_550 = arith.constant 0 : i32
      %get3A_551 = arith.index_cast %get3A_550 : i32 to index
      %get3A_552 = arith.index_cast %scan3A_465 : i32 to index
      %get3A_553 = arith.constant 80 : index
      %get3A_554 = tpu.vector_load %arg7[%get3A_551, %get3A_552, %get3A_553] {strides = array<i32>} : memref<2x208x128xf32, #tpu.memory_space<vmem>>, vector<16xf32>,
      %add3A_555 = arith.addf %get3A_549, %get3A_554 : vector<16xf32>
      %swap3A_556 = arith.constant 0 : i32
      %swap3A_557 = arith.index_cast %swap3A_556 : i32 to index
      %swap3A_558 = arith.index_cast %scan3A_465 : i32 to index
      %swap3A_559 = arith.constant 80 : index
      %swap3A_560 = tpu.vector_load %arg8[%swap3A_557, %swap3A_558, %swap3A_559] {strides = array<i32>} : memref<2x208x128xf32, #tpu.memory_space<vmem>>, vector<16xf32>,
      tpu.vector_store %arg8[%swap3A_557, %swap3A_558, %swap3A_559], %add3A_555 {strides = array<i32>} : memref<2x208x128xf32, #tpu.memory_space<vmem>>, vector<16xf32>,
      %get3A_561 = arith.constant 0 : i32
      %get3A_562 = arith.index_cast %get3A_561 : i32 to index
      %get3A_563 = arith.index_cast %scan3A_465 : i32 to index
      %get3A_564 = arith.constant 96 : index
      %get3A_565 = tpu.vector_load %arg8[%get3A_562, %get3A_563, %get3A_564] {strides = array<i32>} : memref<2x208x128xf32, #tpu.memory_space<vmem>>, vector<16xf32>,
      %get3A_566 = arith.constant 0 : i32
      %get3A_567 = arith.index_cast %get3A_566 : i32 to index
      %get3A_568 = arith.index_cast %scan3A_465 : i32 to index
      %get3A_569 = arith.constant 96 : index
      %get3A_570 = tpu.vector_load %arg7[%get3A_567, %get3A_568, %get3A_569] {strides = array<i32>} : memref<2x208x128xf32, #tpu.memory_space<vmem>>, vector<16xf32>,
      %add3A_571 = arith.addf %get3A_565, %get3A_570 : vector<16xf32>
      %swap3A_572 = arith.constant 0 : i32
      %swap3A_573 = arith.index_cast %swap3A_572 : i32 to index
      %swap3A_574 = arith.index_cast %scan3A_465 : i32 to index
      %swap3A_575 = arith.constant 96 : index
      %swap3A_576 = tpu.vector_load %arg8[%swap3A_573, %swap3A_574, %swap3A_575] {strides = array<i32>} : memref<2x208x128xf32, #tpu.memory_space<vmem>>, vector<16xf32>,
      tpu.vector_store %arg8[%swap3A_573, %swap3A_574, %swap3A_575], %add3A_571 {strides = array<i32>} : memref<2x208x128xf32, #tpu.memory_space<vmem>>, vector<16xf32>,
      %get3A_577 = arith.constant 0 : i32
      %get3A_578 = arith.index_cast %get3A_577 : i32 to index
      %get3A_579 = arith.index_cast %scan3A_465 : i32 to index
      %get3A_580 = arith.constant 112 : index
      %get3A_581 = tpu.vector_load %arg8[%get3A_578, %get3A_579, %get3A_580] {strides = array<i32>} : memref<2x208x128xf32, #tpu.memory_space<vmem>>, vector<16xf32>,
      %get3A_582 = arith.constant 0 : i32
      %get3A_583 = arith.index_cast %get3A_582 : i32 to index
      %get3A_584 = arith.index_cast %scan3A_465 : i32 to index
      %get3A_585 = arith.constant 112 : index
      %get3A_586 = tpu.vector_load %arg7[%get3A_583, %get3A_584, %get3A_585] {strides = array<i32>} : memref<2x208x128xf32, #tpu.memory_space<vmem>>, vector<16xf32>,
      %add3A_587 = arith.addf %get3A_581, %get3A_586 : vector<16xf32>
      %swap3A_588 = arith.constant 0 : i32
      %swap3A_589 = arith.index_cast %swap3A_588 : i32 to index
      %swap3A_590 = arith.index_cast %scan3A_465 : i32 to index
      %swap3A_591 = arith.constant 112 : index
      %swap3A_592 = tpu.vector_load %arg8[%swap3A_589, %swap3A_590, %swap3A_591] {strides = array<i32>} : memref<2x208x128xf32, #tpu.memory_space<vmem>>, vector<16xf32>,
      tpu.vector_store %arg8[%swap3A_589, %swap3A_590, %swap3A_591], %add3A_587 {strides = array<i32>} : memref<2x208x128xf32, #tpu.memory_space<vmem>>, vector<16xf32>,
      %scan3A_593 = arith.constant 0 : i32
      scf.yield %scan3A_593 : i32
    }
    %scan3A_332 = arith.constant 208 : i32
    %add3A_333 = arith.constant 9568 : i32
    %add3A_334 = arith.addi %mul3A_2, %add3A_333 : i32
    %dma_start3A_335 = arith.constant 0 : i32
    %dma_start3A_336 = arith.constant 0 : i32
    %dma_start3A_337 = arith.constant 0 : i32
    %dma_start3A_338 = tpu.memref_slice %arg8[%dma_start3A_335, %dma_start3A_336, %dma_start3A_337] : memref<2x208x128xf32, #tpu.memory_space<vmem>> -> memref<1x208x128xf32, #tpu.memory_space<vmem>>
    %dma_start3A_339 = tpu.memref_squeeze %dma_start3A_338 : memref<1x208x128xf32, #tpu.memory_space<vmem>> -> memref<208x128xf32, #tpu.memory_space<vmem>>
    %dma_start3A_340 = arith.constant 0 : i32
    %dma_start3A_341 = tpu.memref_slice %arg5[%add3A_334, %dma_start3A_340] : memref<320000x128xf32, #tpu.memory_space<hbm>> -> memref<208x128xf32, #tpu.memory_space<hbm>>
    %dma_start3A_342 = arith.constant 0 : i32
    %dma_start3A_343 = tpu.memref_slice %arg5[%add3A_334, %dma_start3A_342] : memref<320000x128xf32, #tpu.memory_space<hbm>> -> memref<208x128xf32, #tpu.memory_space<hbm>>
    %dma_start3A_344 = arith.constant 0 : i32
    %dma_start3A_345 = arith.constant 0 : i32
    %dma_start3A_346 = tpu.memref_slice %arg8[%dma_start3A_335, %dma_start3A_344, %dma_start3A_345] : memref<2x208x128xf32, #tpu.memory_space<vmem>> -> memref<1x208x128xf32, #tpu.memory_space<vmem>>
    %dma_start3A_347 = tpu.memref_squeeze %dma_start3A_346 : memref<1x208x128xf32, #tpu.memory_space<vmem>> -> memref<208x128xf32, #tpu.memory_space<vmem>>
    tpu.enqueue_dma source(%dma_start3A_347 : memref<208x128xf32, #tpu.memory_space<vmem>>) target(%dma_start3A_343 : memref<208x128xf32, #tpu.memory_space<hbm>>) target_semaphore(%arg13 : memref<!tpu.dma_semaphore, #tpu.memory_space<semaphore_mem>>)
    %dma_wait3A_348 = arith.constant 1 : i32
    %dma_wait3A_349 = arith.constant 0 : i32
    %dma_wait3A_350 = arith.constant 0 : i32
    %dma_wait3A_351 = tpu.memref_slice %arg7[%dma_wait3A_348, %dma_wait3A_349, %dma_wait3A_350] : memref<2x208x128xf32, #tpu.memory_space<vmem>> -> memref<1x104x128xf32, #tpu.memory_space<vmem>>
    %dma_wait3A_352 = tpu.memref_squeeze %dma_wait3A_351 : memref<1x104x128xf32, #tpu.memory_space<vmem>> -> memref<104x128xf32, #tpu.memory_space<vmem>>
    %dma_wait3A_353 = arith.constant 9776 : i32
    %dma_wait3A_354 = tpu.memref_slice %arg6[%dma_wait3A_353] : memref<10000xi32, #tpu.memory_space<vmem>> -> memref<104xi32, #tpu.memory_space<vmem>>
    %dma_wait3A_355 = arith.constant 0 : i32
    %dma_wait3A_356 = arith.constant 0 : i32
    %dma_wait3A_357 = tpu.memref_slice %arg2[%dma_wait3A_355, %dma_wait3A_356] : memref<27759x128xf32, #tpu.memory_space<hbm>> -> memref<27759x128xf32, #tpu.memory_space<hbm>>
    tpu.wait_indirect_dma semaphore(%arg10 : memref<!tpu.dma_semaphore, #tpu.memory_space<semaphore_mem>>) src(%dma_wait3A_357 : memref<27759x128xf32, #tpu.memory_space<hbm>>) dst(%dma_wait3A_352 : memref<104x128xf32, #tpu.memory_space<vmem>>)
    %dma_wait3A_358 = arith.constant 1 : i32
    %dma_wait3A_359 = arith.constant 104 : i32
    %dma_wait3A_360 = arith.constant 0 : i32
    %dma_wait3A_361 = tpu.memref_slice %arg7[%dma_wait3A_358, %dma_wait3A_359, %dma_wait3A_360] : memref<2x208x128xf32, #tpu.memory_space<vmem>> -> memref<1x104x128xf32, #tpu.memory_space<vmem>>
    %dma_wait3A_362 = tpu.memref_squeeze %dma_wait3A_361 : memref<1x104x128xf32, #tpu.memory_space<vmem>> -> memref<104x128xf32, #tpu.memory_space<vmem>>
    %dma_wait3A_363 = arith.constant 9880 : i32
    %dma_wait3A_364 = tpu.memref_slice %arg6[%dma_wait3A_363] : memref<10000xi32, #tpu.memory_space<vmem>> -> memref<104xi32, #tpu.memory_space<vmem>>
    %dma_wait3A_365 = arith.constant 0 : i32
    %dma_wait3A_366 = arith.constant 0 : i32
    %dma_wait3A_367 = tpu.memref_slice %arg2[%dma_wait3A_365, %dma_wait3A_366] : memref<27759x128xf32, #tpu.memory_space<hbm>> -> memref<27759x128xf32, #tpu.memory_space<hbm>>
    tpu.wait_indirect_dma semaphore(%arg10 : memref<!tpu.dma_semaphore, #tpu.memory_space<semaphore_mem>>) src(%dma_wait3A_367 : memref<27759x128xf32, #tpu.memory_space<hbm>>) dst(%dma_wait3A_362 : memref<104x128xf32, #tpu.memory_space<vmem>>)
    %add3A_368 = arith.constant 9776 : i32
    %add3A_369 = arith.addi %mul3A_2, %add3A_368 : i32
    %dma_wait3A_370 = arith.constant 1 : i32
    %dma_wait3A_371 = arith.constant 0 : i32
    %dma_wait3A_372 = arith.constant 0 : i32
    %dma_wait3A_373 = tpu.memref_slice %arg8[%dma_wait3A_370, %dma_wait3A_371, %dma_wait3A_372] : memref<2x208x128xf32, #tpu.memory_space<vmem>> -> memref<1x208x128xf32, #tpu.memory_space<vmem>>
    %dma_wait3A_374 = tpu.memref_squeeze %dma_wait3A_373 : memref<1x208x128xf32, #tpu.memory_space<vmem>> -> memref<208x128xf32, #tpu.memory_space<vmem>>
    %dma_wait3A_375 = arith.constant 0 : i32
    %dma_wait3A_376 = tpu.memref_slice %arg4[%add3A_369, %dma_wait3A_375] : memref<320000x128xf32, #tpu.memory_space<hbm>> -> memref<208x128xf32, #tpu.memory_space<hbm>>
    %dma_wait3A_377 = arith.constant 0 : i32
    %dma_wait3A_378 = arith.constant 0 : i32
    %dma_wait3A_379 = tpu.memref_slice %arg8[%dma_wait3A_370, %dma_wait3A_377, %dma_wait3A_378] : memref<2x208x128xf32, #tpu.memory_space<vmem>> -> memref<1x208x128xf32, #tpu.memory_space<vmem>>
    %dma_wait3A_380 = tpu.memref_squeeze %dma_wait3A_379 : memref<1x208x128xf32, #tpu.memory_space<vmem>> -> memref<208x128xf32, #tpu.memory_space<vmem>>
    %dma_wait3A_381 = arith.constant 0 : i32
    %dma_wait3A_382 = tpu.memref_slice %arg4[%add3A_369, %dma_wait3A_381] : memref<320000x128xf32, #tpu.memory_space<hbm>> -> memref<208x128xf32, #tpu.memory_space<hbm>>
    tpu.wait_dma2 semaphore(%arg12 : memref<!tpu.dma_semaphore, #tpu.memory_space<semaphore_mem>>) src(%dma_wait3A_382 : memref<208x128xf32, #tpu.memory_space<hbm>>) dst(%dma_wait3A_380 : memref<208x128xf32, #tpu.memory_space<vmem>>)
    %scan3A_383 = arith.constant 0 : i32
    %scan3A_384 = arith.constant 0 : i32
    %scan3A_385 = arith.constant 208 : i32
    %scan3A_386 = arith.addi %scan3A_384, %scan3A_385 : i32
    %scan3A_387 = arith.constant 1 : i32
    %scan3A_388 = scf.for %scan3A_465 = %scan3A_384 to %scan3A_386 step %scan3A_387 iter_args(%scan3A_466 = %scan3A_383) -> (i32)  : i32 {
      %get3A = arith.constant 1 : i32
      %get3A_467 = arith.index_cast %get3A : i32 to index
      %get3A_468 = arith.index_cast %scan3A_465 : i32 to index
      %get3A_469 = arith.constant 0 : index
      %get3A_470 = tpu.vector_load %arg8[%get3A_467, %get3A_468, %get3A_469] {strides = array<i32>} : memref<2x208x128xf32, #tpu.memory_space<vmem>>, vector<16xf32>,
      %get3A_471 = arith.constant 1 : i32
      %get3A_472 = arith.index_cast %get3A_471 : i32 to index
      %get3A_473 = arith.index_cast %scan3A_465 : i32 to index
      %get3A_474 = arith.constant 0 : index
      %get3A_475 = tpu.vector_load %arg7[%get3A_472, %get3A_473, %get3A_474] {strides = array<i32>} : memref<2x208x128xf32, #tpu.memory_space<vmem>>, vector<16xf32>,
      %add3A_476 = arith.addf %get3A_470, %get3A_475 : vector<16xf32>
      %swap3A = arith.constant 1 : i32
      %swap3A_477 = arith.index_cast %swap3A : i32 to index
      %swap3A_478 = arith.index_cast %scan3A_465 : i32 to index
      %swap3A_479 = arith.constant 0 : index
      %swap3A_480 = tpu.vector_load %arg8[%swap3A_477, %swap3A_478, %swap3A_479] {strides = array<i32>} : memref<2x208x128xf32, #tpu.memory_space<vmem>>, vector<16xf32>,
      tpu.vector_store %arg8[%swap3A_477, %swap3A_478, %swap3A_479], %add3A_476 {strides = array<i32>} : memref<2x208x128xf32, #tpu.memory_space<vmem>>, vector<16xf32>,
      %get3A_481 = arith.constant 1 : i32
      %get3A_482 = arith.index_cast %get3A_481 : i32 to index
      %get3A_483 = arith.index_cast %scan3A_465 : i32 to index
      %get3A_484 = arith.constant 16 : index
      %get3A_485 = tpu.vector_load %arg8[%get3A_482, %get3A_483, %get3A_484] {strides = array<i32>} : memref<2x208x128xf32, #tpu.memory_space<vmem>>, vector<16xf32>,
      %get3A_486 = arith.constant 1 : i32
      %get3A_487 = arith.index_cast %get3A_486 : i32 to index
      %get3A_488 = arith.index_cast %scan3A_465 : i32 to index
      %get3A_489 = arith.constant 16 : index
      %get3A_490 = tpu.vector_load %arg7[%get3A_487, %get3A_488, %get3A_489] {strides = array<i32>} : memref<2x208x128xf32, #tpu.memory_space<vmem>>, vector<16xf32>,
      %add3A_491 = arith.addf %get3A_485, %get3A_490 : vector<16xf32>
      %swap3A_492 = arith.constant 1 : i32
      %swap3A_493 = arith.index_cast %swap3A_492 : i32 to index
      %swap3A_494 = arith.index_cast %scan3A_465 : i32 to index
      %swap3A_495 = arith.constant 16 : index
      %swap3A_496 = tpu.vector_load %arg8[%swap3A_493, %swap3A_494, %swap3A_495] {strides = array<i32>} : memref<2x208x128xf32, #tpu.memory_space<vmem>>, vector<16xf32>,
      tpu.vector_store %arg8[%swap3A_493, %swap3A_494, %swap3A_495], %add3A_491 {strides = array<i32>} : memref<2x208x128xf32, #tpu.memory_space<vmem>>, vector<16xf32>,
      %get3A_497 = arith.constant 1 : i32
      %get3A_498 = arith.index_cast %get3A_497 : i32 to index
      %get3A_499 = arith.index_cast %scan3A_465 : i32 to index
      %get3A_500 = arith.constant 32 : index
      %get3A_501 = tpu.vector_load %arg8[%get3A_498, %get3A_499, %get3A_500] {strides = array<i32>} : memref<2x208x128xf32, #tpu.memory_space<vmem>>, vector<16xf32>,
      %get3A_502 = arith.constant 1 : i32
      %get3A_503 = arith.index_cast %get3A_502 : i32 to index
      %get3A_504 = arith.index_cast %scan3A_465 : i32 to index
      %get3A_505 = arith.constant 32 : index
      %get3A_506 = tpu.vector_load %arg7[%get3A_503, %get3A_504, %get3A_505] {strides = array<i32>} : memref<2x208x128xf32, #tpu.memory_space<vmem>>, vector<16xf32>,
      %add3A_507 = arith.addf %get3A_501, %get3A_506 : vector<16xf32>
      %swap3A_508 = arith.constant 1 : i32
      %swap3A_509 = arith.index_cast %swap3A_508 : i32 to index
      %swap3A_510 = arith.index_cast %scan3A_465 : i32 to index
      %swap3A_511 = arith.constant 32 : index
      %swap3A_512 = tpu.vector_load %arg8[%swap3A_509, %swap3A_510, %swap3A_511] {strides = array<i32>} : memref<2x208x128xf32, #tpu.memory_space<vmem>>, vector<16xf32>,
      tpu.vector_store %arg8[%swap3A_509, %swap3A_510, %swap3A_511], %add3A_507 {strides = array<i32>} : memref<2x208x128xf32, #tpu.memory_space<vmem>>, vector<16xf32>,
      %get3A_513 = arith.constant 1 : i32
      %get3A_514 = arith.index_cast %get3A_513 : i32 to index
      %get3A_515 = arith.index_cast %scan3A_465 : i32 to index
      %get3A_516 = arith.constant 48 : index
      %get3A_517 = tpu.vector_load %arg8[%get3A_514, %get3A_515, %get3A_516] {strides = array<i32>} : memref<2x208x128xf32, #tpu.memory_space<vmem>>, vector<16xf32>,
      %get3A_518 = arith.constant 1 : i32
      %get3A_519 = arith.index_cast %get3A_518 : i32 to index
      %get3A_520 = arith.index_cast %scan3A_465 : i32 to index
      %get3A_521 = arith.constant 48 : index
      %get3A_522 = tpu.vector_load %arg7[%get3A_519, %get3A_520, %get3A_521] {strides = array<i32>} : memref<2x208x128xf32, #tpu.memory_space<vmem>>, vector<16xf32>,
      %add3A_523 = arith.addf %get3A_517, %get3A_522 : vector<16xf32>
      %swap3A_524 = arith.constant 1 : i32
      %swap3A_525 = arith.index_cast %swap3A_524 : i32 to index
      %swap3A_526 = arith.index_cast %scan3A_465 : i32 to index
      %swap3A_527 = arith.constant 48 : index
      %swap3A_528 = tpu.vector_load %arg8[%swap3A_525, %swap3A_526, %swap3A_527] {strides = array<i32>} : memref<2x208x128xf32, #tpu.memory_space<vmem>>, vector<16xf32>,
      tpu.vector_store %arg8[%swap3A_525, %swap3A_526, %swap3A_527], %add3A_523 {strides = array<i32>} : memref<2x208x128xf32, #tpu.memory_space<vmem>>, vector<16xf32>,
      %get3A_529 = arith.constant 1 : i32
      %get3A_530 = arith.index_cast %get3A_529 : i32 to index
      %get3A_531 = arith.index_cast %scan3A_465 : i32 to index
      %get3A_532 = arith.constant 64 : index
      %get3A_533 = tpu.vector_load %arg8[%get3A_530, %get3A_531, %get3A_532] {strides = array<i32>} : memref<2x208x128xf32, #tpu.memory_space<vmem>>, vector<16xf32>,
      %get3A_534 = arith.constant 1 : i32
      %get3A_535 = arith.index_cast %get3A_534 : i32 to index
      %get3A_536 = arith.index_cast %scan3A_465 : i32 to index
      %get3A_537 = arith.constant 64 : index
      %get3A_538 = tpu.vector_load %arg7[%get3A_535, %get3A_536, %get3A_537] {strides = array<i32>} : memref<2x208x128xf32, #tpu.memory_space<vmem>>, vector<16xf32>,
      %add3A_539 = arith.addf %get3A_533, %get3A_538 : vector<16xf32>
      %swap3A_540 = arith.constant 1 : i32
      %swap3A_541 = arith.index_cast %swap3A_540 : i32 to index
      %swap3A_542 = arith.index_cast %scan3A_465 : i32 to index
      %swap3A_543 = arith.constant 64 : index
      %swap3A_544 = tpu.vector_load %arg8[%swap3A_541, %swap3A_542, %swap3A_543] {strides = array<i32>} : memref<2x208x128xf32, #tpu.memory_space<vmem>>, vector<16xf32>,
      tpu.vector_store %arg8[%swap3A_541, %swap3A_542, %swap3A_543], %add3A_539 {strides = array<i32>} : memref<2x208x128xf32, #tpu.memory_space<vmem>>, vector<16xf32>,
      %get3A_545 = arith.constant 1 : i32
      %get3A_546 = arith.index_cast %get3A_545 : i32 to index
      %get3A_547 = arith.index_cast %scan3A_465 : i32 to index
      %get3A_548 = arith.constant 80 : index
      %get3A_549 = tpu.vector_load %arg8[%get3A_546, %get3A_547, %get3A_548] {strides = array<i32>} : memref<2x208x128xf32, #tpu.memory_space<vmem>>, vector<16xf32>,
      %get3A_550 = arith.constant 1 : i32
      %get3A_551 = arith.index_cast %get3A_550 : i32 to index
      %get3A_552 = arith.index_cast %scan3A_465 : i32 to index
      %get3A_553 = arith.constant 80 : index
      %get3A_554 = tpu.vector_load %arg7[%get3A_551, %get3A_552, %get3A_553] {strides = array<i32>} : memref<2x208x128xf32, #tpu.memory_space<vmem>>, vector<16xf32>,
      %add3A_555 = arith.addf %get3A_549, %get3A_554 : vector<16xf32>
      %swap3A_556 = arith.constant 1 : i32
      %swap3A_557 = arith.index_cast %swap3A_556 : i32 to index
      %swap3A_558 = arith.index_cast %scan3A_465 : i32 to index
      %swap3A_559 = arith.constant 80 : index
      %swap3A_560 = tpu.vector_load %arg8[%swap3A_557, %swap3A_558, %swap3A_559] {strides = array<i32>} : memref<2x208x128xf32, #tpu.memory_space<vmem>>, vector<16xf32>,
      tpu.vector_store %arg8[%swap3A_557, %swap3A_558, %swap3A_559], %add3A_555 {strides = array<i32>} : memref<2x208x128xf32, #tpu.memory_space<vmem>>, vector<16xf32>,
      %get3A_561 = arith.constant 1 : i32
      %get3A_562 = arith.index_cast %get3A_561 : i32 to index
      %get3A_563 = arith.index_cast %scan3A_465 : i32 to index
      %get3A_564 = arith.constant 96 : index
      %get3A_565 = tpu.vector_load %arg8[%get3A_562, %get3A_563, %get3A_564] {strides = array<i32>} : memref<2x208x128xf32, #tpu.memory_space<vmem>>, vector<16xf32>,
      %get3A_566 = arith.constant 1 : i32
      %get3A_567 = arith.index_cast %get3A_566 : i32 to index
      %get3A_568 = arith.index_cast %scan3A_465 : i32 to index
      %get3A_569 = arith.constant 96 : index
      %get3A_570 = tpu.vector_load %arg7[%get3A_567, %get3A_568, %get3A_569] {strides = array<i32>} : memref<2x208x128xf32, #tpu.memory_space<vmem>>, vector<16xf32>,
      %add3A_571 = arith.addf %get3A_565, %get3A_570 : vector<16xf32>
      %swap3A_572 = arith.constant 1 : i32
      %swap3A_573 = arith.index_cast %swap3A_572 : i32 to index
      %swap3A_574 = arith.index_cast %scan3A_465 : i32 to index
      %swap3A_575 = arith.constant 96 : index
      %swap3A_576 = tpu.vector_load %arg8[%swap3A_573, %swap3A_574, %swap3A_575] {strides = array<i32>} : memref<2x208x128xf32, #tpu.memory_space<vmem>>, vector<16xf32>,
      tpu.vector_store %arg8[%swap3A_573, %swap3A_574, %swap3A_575], %add3A_571 {strides = array<i32>} : memref<2x208x128xf32, #tpu.memory_space<vmem>>, vector<16xf32>,
      %get3A_577 = arith.constant 1 : i32
      %get3A_578 = arith.index_cast %get3A_577 : i32 to index
      %get3A_579 = arith.index_cast %scan3A_465 : i32 to index
      %get3A_580 = arith.constant 112 : index
      %get3A_581 = tpu.vector_load %arg8[%get3A_578, %get3A_579, %get3A_580] {strides = array<i32>} : memref<2x208x128xf32, #tpu.memory_space<vmem>>, vector<16xf32>,
      %get3A_582 = arith.constant 1 : i32
      %get3A_583 = arith.index_cast %get3A_582 : i32 to index
      %get3A_584 = arith.index_cast %scan3A_465 : i32 to index
      %get3A_585 = arith.constant 112 : index
      %get3A_586 = tpu.vector_load %arg7[%get3A_583, %get3A_584, %get3A_585] {strides = array<i32>} : memref<2x208x128xf32, #tpu.memory_space<vmem>>, vector<16xf32>,
      %add3A_587 = arith.addf %get3A_581, %get3A_586 : vector<16xf32>
      %swap3A_588 = arith.constant 1 : i32
      %swap3A_589 = arith.index_cast %swap3A_588 : i32 to index
      %swap3A_590 = arith.index_cast %scan3A_465 : i32 to index
      %swap3A_591 = arith.constant 112 : index
      %swap3A_592 = tpu.vector_load %arg8[%swap3A_589, %swap3A_590, %swap3A_591] {strides = array<i32>} : memref<2x208x128xf32, #tpu.memory_space<vmem>>, vector<16xf32>,
      tpu.vector_store %arg8[%swap3A_589, %swap3A_590, %swap3A_591], %add3A_587 {strides = array<i32>} : memref<2x208x128xf32, #tpu.memory_space<vmem>>, vector<16xf32>,
      %scan3A_593 = arith.constant 0 : i32
      scf.yield %scan3A_593 : i32
    }
    %scan3A_389 = arith.constant 208 : i32
    %add3A_390 = arith.constant 9776 : i32
    %add3A_391 = arith.addi %mul3A_2, %add3A_390 : i32
    %dma_start3A_392 = arith.constant 1 : i32
    %dma_start3A_393 = arith.constant 0 : i32
    %dma_start3A_394 = arith.constant 0 : i32
    %dma_start3A_395 = tpu.memref_slice %arg8[%dma_start3A_392, %dma_start3A_393, %dma_start3A_394] : memref<2x208x128xf32, #tpu.memory_space<vmem>> -> memref<1x208x128xf32, #tpu.memory_space<vmem>>
    %dma_start3A_396 = tpu.memref_squeeze %dma_start3A_395 : memref<1x208x128xf32, #tpu.memory_space<vmem>> -> memref<208x128xf32, #tpu.memory_space<vmem>>
    %dma_start3A_397 = arith.constant 0 : i32
    %dma_start3A_398 = tpu.memref_slice %arg5[%add3A_391, %dma_start3A_397] : memref<320000x128xf32, #tpu.memory_space<hbm>> -> memref<208x128xf32, #tpu.memory_space<hbm>>
    %dma_start3A_399 = arith.constant 0 : i32
    %dma_start3A_400 = tpu.memref_slice %arg5[%add3A_391, %dma_start3A_399] : memref<320000x128xf32, #tpu.memory_space<hbm>> -> memref<208x128xf32, #tpu.memory_space<hbm>>
    %dma_start3A_401 = arith.constant 0 : i32
    %dma_start3A_402 = arith.constant 0 : i32
    %dma_start3A_403 = tpu.memref_slice %arg8[%dma_start3A_392, %dma_start3A_401, %dma_start3A_402] : memref<2x208x128xf32, #tpu.memory_space<vmem>> -> memref<1x208x128xf32, #tpu.memory_space<vmem>>
    %dma_start3A_404 = tpu.memref_squeeze %dma_start3A_403 : memref<1x208x128xf32, #tpu.memory_space<vmem>> -> memref<208x128xf32, #tpu.memory_space<vmem>>
    tpu.enqueue_dma source(%dma_start3A_404 : memref<208x128xf32, #tpu.memory_space<vmem>>) target(%dma_start3A_400 : memref<208x128xf32, #tpu.memory_space<hbm>>) target_semaphore(%arg14 : memref<!tpu.dma_semaphore, #tpu.memory_space<semaphore_mem>>)
    %add3A_405 = arith.constant 9568 : i32
    %add3A_406 = arith.addi %mul3A_2, %add3A_405 : i32
    %dma_wait3A_407 = arith.constant 0 : i32
    %dma_wait3A_408 = arith.constant 0 : i32
    %dma_wait3A_409 = arith.constant 0 : i32
    %dma_wait3A_410 = tpu.memref_slice %arg8[%dma_wait3A_407, %dma_wait3A_408, %dma_wait3A_409] : memref<2x208x128xf32, #tpu.memory_space<vmem>> -> memref<1x208x128xf32, #tpu.memory_space<vmem>>
    %dma_wait3A_411 = tpu.memref_squeeze %dma_wait3A_410 : memref<1x208x128xf32, #tpu.memory_space<vmem>> -> memref<208x128xf32, #tpu.memory_space<vmem>>
    %dma_wait3A_412 = arith.constant 0 : i32
    %dma_wait3A_413 = tpu.memref_slice %arg5[%add3A_406, %dma_wait3A_412] : memref<320000x128xf32, #tpu.memory_space<hbm>> -> memref<208x128xf32, #tpu.memory_space<hbm>>
    %dma_wait3A_414 = arith.constant 0 : i32
    %dma_wait3A_415 = tpu.memref_slice %arg5[%add3A_406, %dma_wait3A_414] : memref<320000x128xf32, #tpu.memory_space<hbm>> -> memref<208x128xf32, #tpu.memory_space<hbm>>
    %dma_wait3A_416 = arith.constant 0 : i32
    %dma_wait3A_417 = arith.constant 0 : i32
    %dma_wait3A_418 = tpu.memref_slice %arg8[%dma_wait3A_407, %dma_wait3A_416, %dma_wait3A_417] : memref<2x208x128xf32, #tpu.memory_space<vmem>> -> memref<1x208x128xf32, #tpu.memory_space<vmem>>
    %dma_wait3A_419 = tpu.memref_squeeze %dma_wait3A_418 : memref<1x208x128xf32, #tpu.memory_space<vmem>> -> memref<208x128xf32, #tpu.memory_space<vmem>>
    tpu.wait_dma2 semaphore(%arg13 : memref<!tpu.dma_semaphore, #tpu.memory_space<semaphore_mem>>) src(%dma_wait3A_419 : memref<208x128xf32, #tpu.memory_space<vmem>>) dst(%dma_wait3A_415 : memref<208x128xf32, #tpu.memory_space<hbm>>)
    %add3A_420 = arith.constant 9984 : i32
    %add3A_421 = arith.addi %mul3A_2, %add3A_420 : i32
    %dma_start3A_422 = arith.constant 0 : i32
    %dma_start3A_423 = arith.constant 0 : i32
    %dma_start3A_424 = arith.constant 0 : i32
    %dma_start3A_425 = tpu.memref_slice %arg7[%dma_start3A_422, %dma_start3A_423, %dma_start3A_424] : memref<2x208x128xf32, #tpu.memory_space<vmem>> -> memref<1x16x128xf32, #tpu.memory_space<vmem>>
    %dma_start3A_426 = tpu.memref_squeeze %dma_start3A_425 : memref<1x16x128xf32, #tpu.memory_space<vmem>> -> memref<16x128xf32, #tpu.memory_space<vmem>>
    %dma_start3A_427 = arith.constant 9984 : i32
    %dma_start3A_428 = tpu.memref_slice %arg6[%dma_start3A_427] : memref<10000xi32, #tpu.memory_space<vmem>> -> memref<16xi32, #tpu.memory_space<vmem>>
    %dma_start3A_429 = arith.constant 0 : i32
    %dma_start3A_430 = arith.constant 0 : i32
    %dma_start3A_431 = tpu.memref_slice %arg2[%dma_start3A_429, %dma_start3A_430] : memref<27759x128xf32, #tpu.memory_space<hbm>> -> memref<27759x128xf32, #tpu.memory_space<hbm>>
    tpu.enqueue_indirect_dma source(%dma_start3A_431 : memref<27759x128xf32, #tpu.memory_space<hbm>>) target(%dma_start3A_426 : memref<16x128xf32, #tpu.memory_space<vmem>>) offsets(%dma_start3A_428 : memref<16xi32, #tpu.memory_space<vmem>>) semaphore(%arg9 : memref<!tpu.dma_semaphore, #tpu.memory_space<semaphore_mem>>)
    %run_scoped3A = arith.constant 0 : i32
    "tpu.region"() ({
      %run_scoped3A_465 = tpu.sem_alloc : memref<!tpu.dma_semaphore, #tpu.memory_space<semaphore_mem>>
      %dma_start3A_466 = arith.constant 0 : i32
      %dma_start3A_467 = arith.constant 0 : i32
      %dma_start3A_468 = tpu.memref_slice %arg8[%run_scoped3A, %dma_start3A_466, %dma_start3A_467] : memref<2x208x128xf32, #tpu.memory_space<vmem>> -> memref<1x16x128xf32, #tpu.memory_space<vmem>>
      %dma_start3A_469 = tpu.memref_squeeze %dma_start3A_468 : memref<1x16x128xf32, #tpu.memory_space<vmem>> -> memref<16x128xf32, #tpu.memory_space<vmem>>
      %dma_start3A_470 = arith.constant 0 : i32
      %dma_start3A_471 = tpu.memref_slice %arg4[%add3A_421, %dma_start3A_470] : memref<320000x128xf32, #tpu.memory_space<hbm>> -> memref<16x128xf32, #tpu.memory_space<hbm>>
      %dma_start3A_472 = arith.constant 0 : i32
      %dma_start3A_473 = arith.constant 0 : i32
      %dma_start3A_474 = tpu.memref_slice %arg8[%run_scoped3A, %dma_start3A_472, %dma_start3A_473] : memref<2x208x128xf32, #tpu.memory_space<vmem>> -> memref<1x16x128xf32, #tpu.memory_space<vmem>>
      %dma_start3A_475 = tpu.memref_squeeze %dma_start3A_474 : memref<1x16x128xf32, #tpu.memory_space<vmem>> -> memref<16x128xf32, #tpu.memory_space<vmem>>
      %dma_start3A_476 = arith.constant 0 : i32
      %dma_start3A_477 = tpu.memref_slice %arg4[%add3A_421, %dma_start3A_476] : memref<320000x128xf32, #tpu.memory_space<hbm>> -> memref<16x128xf32, #tpu.memory_space<hbm>>
      tpu.enqueue_dma source(%dma_start3A_477 : memref<16x128xf32, #tpu.memory_space<hbm>>) target(%dma_start3A_475 : memref<16x128xf32, #tpu.memory_space<vmem>>) target_semaphore(%run_scoped3A_465 : memref<!tpu.dma_semaphore, #tpu.memory_space<semaphore_mem>>)
      %dma_wait3A_478 = arith.constant 0 : i32
      %dma_wait3A_479 = arith.constant 0 : i32
      %dma_wait3A_480 = tpu.memref_slice %arg8[%run_scoped3A, %dma_wait3A_478, %dma_wait3A_479] : memref<2x208x128xf32, #tpu.memory_space<vmem>> -> memref<1x16x128xf32, #tpu.memory_space<vmem>>
      %dma_wait3A_481 = tpu.memref_squeeze %dma_wait3A_480 : memref<1x16x128xf32, #tpu.memory_space<vmem>> -> memref<16x128xf32, #tpu.memory_space<vmem>>
      %dma_wait3A_482 = arith.constant 0 : i32
      %dma_wait3A_483 = tpu.memref_slice %arg4[%add3A_421, %dma_wait3A_482] : memref<320000x128xf32, #tpu.memory_space<hbm>> -> memref<16x128xf32, #tpu.memory_space<hbm>>
      %dma_wait3A_484 = arith.constant 0 : i32
      %dma_wait3A_485 = arith.constant 0 : i32
      %dma_wait3A_486 = tpu.memref_slice %arg8[%run_scoped3A, %dma_wait3A_484, %dma_wait3A_485] : memref<2x208x128xf32, #tpu.memory_space<vmem>> -> memref<1x16x128xf32, #tpu.memory_space<vmem>>
      %dma_wait3A_487 = tpu.memref_squeeze %dma_wait3A_486 : memref<1x16x128xf32, #tpu.memory_space<vmem>> -> memref<16x128xf32, #tpu.memory_space<vmem>>
      %dma_wait3A_488 = arith.constant 0 : i32
      %dma_wait3A_489 = tpu.memref_slice %arg4[%add3A_421, %dma_wait3A_488] : memref<320000x128xf32, #tpu.memory_space<hbm>> -> memref<16x128xf32, #tpu.memory_space<hbm>>
      tpu.wait_dma2 semaphore(%run_scoped3A_465 : memref<!tpu.dma_semaphore, #tpu.memory_space<semaphore_mem>>) src(%dma_wait3A_489 : memref<16x128xf32, #tpu.memory_space<hbm>>) dst(%dma_wait3A_487 : memref<16x128xf32, #tpu.memory_space<vmem>>)
      tpu.yield
    }) : () -> ()
    %dma_wait3A_432 = arith.constant 0 : i32
    %dma_wait3A_433 = arith.constant 0 : i32
    %dma_wait3A_434 = arith.constant 0 : i32
    %dma_wait3A_435 = tpu.memref_slice %arg7[%dma_wait3A_432, %dma_wait3A_433, %dma_wait3A_434] : memref<2x208x128xf32, #tpu.memory_space<vmem>> -> memref<1x16x128xf32, #tpu.memory_space<vmem>>
    %dma_wait3A_436 = tpu.memref_squeeze %dma_wait3A_435 : memref<1x16x128xf32, #tpu.memory_space<vmem>> -> memref<16x128xf32, #tpu.memory_space<vmem>>
    %dma_wait3A_437 = arith.constant 9984 : i32
    %dma_wait3A_438 = tpu.memref_slice %arg6[%dma_wait3A_437] : memref<10000xi32, #tpu.memory_space<vmem>> -> memref<16xi32, #tpu.memory_space<vmem>>
    %dma_wait3A_439 = arith.constant 0 : i32
    %dma_wait3A_440 = arith.constant 0 : i32
    %dma_wait3A_441 = tpu.memref_slice %arg2[%dma_wait3A_439, %dma_wait3A_440] : memref<27759x128xf32, #tpu.memory_space<hbm>> -> memref<27759x128xf32, #tpu.memory_space<hbm>>
    tpu.wait_indirect_dma semaphore(%arg9 : memref<!tpu.dma_semaphore, #tpu.memory_space<semaphore_mem>>) src(%dma_wait3A_441 : memref<27759x128xf32, #tpu.memory_space<hbm>>) dst(%dma_wait3A_436 : memref<16x128xf32, #tpu.memory_space<vmem>>)
    %scan3A_442 = arith.constant 0 : i32
    %scan3A_443 = arith.constant 0 : i32
    %scan3A_444 = arith.constant 16 : i32
    %scan3A_445 = arith.addi %scan3A_443, %scan3A_444 : i32
    %scan3A_446 = arith.constant 1 : i32
    %scan3A_447 = scf.for %scan3A_465 = %scan3A_443 to %scan3A_445 step %scan3A_446 iter_args(%scan3A_466 = %scan3A_442) -> (i32)  : i32 {
      %get3A = arith.constant 0 : i32
      %get3A_467 = arith.index_cast %get3A : i32 to index
      %get3A_468 = arith.index_cast %scan3A_465 : i32 to index
      %get3A_469 = arith.constant 0 : index
      %get3A_470 = tpu.vector_load %arg8[%get3A_467, %get3A_468, %get3A_469] {strides = array<i32>} : memref<2x208x128xf32, #tpu.memory_space<vmem>>, vector<16xf32>,
      %get3A_471 = arith.constant 0 : i32
      %get3A_472 = arith.index_cast %get3A_471 : i32 to index
      %get3A_473 = arith.index_cast %scan3A_465 : i32 to index
      %get3A_474 = arith.constant 0 : index
      %get3A_475 = tpu.vector_load %arg7[%get3A_472, %get3A_473, %get3A_474] {strides = array<i32>} : memref<2x208x128xf32, #tpu.memory_space<vmem>>, vector<16xf32>,
      %add3A_476 = arith.addf %get3A_470, %get3A_475 : vector<16xf32>
      %swap3A = arith.constant 0 : i32
      %swap3A_477 = arith.index_cast %swap3A : i32 to index
      %swap3A_478 = arith.index_cast %scan3A_465 : i32 to index
      %swap3A_479 = arith.constant 0 : index
      %swap3A_480 = tpu.vector_load %arg8[%swap3A_477, %swap3A_478, %swap3A_479] {strides = array<i32>} : memref<2x208x128xf32, #tpu.memory_space<vmem>>, vector<16xf32>,
      tpu.vector_store %arg8[%swap3A_477, %swap3A_478, %swap3A_479], %add3A_476 {strides = array<i32>} : memref<2x208x128xf32, #tpu.memory_space<vmem>>, vector<16xf32>,
      %get3A_481 = arith.constant 0 : i32
      %get3A_482 = arith.index_cast %get3A_481 : i32 to index
      %get3A_483 = arith.index_cast %scan3A_465 : i32 to index
      %get3A_484 = arith.constant 16 : index
      %get3A_485 = tpu.vector_load %arg8[%get3A_482, %get3A_483, %get3A_484] {strides = array<i32>} : memref<2x208x128xf32, #tpu.memory_space<vmem>>, vector<16xf32>,
      %get3A_486 = arith.constant 0 : i32
      %get3A_487 = arith.index_cast %get3A_486 : i32 to index
      %get3A_488 = arith.index_cast %scan3A_465 : i32 to index
      %get3A_489 = arith.constant 16 : index
      %get3A_490 = tpu.vector_load %arg7[%get3A_487, %get3A_488, %get3A_489] {strides = array<i32>} : memref<2x208x128xf32, #tpu.memory_space<vmem>>, vector<16xf32>,
      %add3A_491 = arith.addf %get3A_485, %get3A_490 : vector<16xf32>
      %swap3A_492 = arith.constant 0 : i32
      %swap3A_493 = arith.index_cast %swap3A_492 : i32 to index
      %swap3A_494 = arith.index_cast %scan3A_465 : i32 to index
      %swap3A_495 = arith.constant 16 : index
      %swap3A_496 = tpu.vector_load %arg8[%swap3A_493, %swap3A_494, %swap3A_495] {strides = array<i32>} : memref<2x208x128xf32, #tpu.memory_space<vmem>>, vector<16xf32>,
      tpu.vector_store %arg8[%swap3A_493, %swap3A_494, %swap3A_495], %add3A_491 {strides = array<i32>} : memref<2x208x128xf32, #tpu.memory_space<vmem>>, vector<16xf32>,
      %get3A_497 = arith.constant 0 : i32
      %get3A_498 = arith.index_cast %get3A_497 : i32 to index
      %get3A_499 = arith.index_cast %scan3A_465 : i32 to index
      %get3A_500 = arith.constant 32 : index
      %get3A_501 = tpu.vector_load %arg8[%get3A_498, %get3A_499, %get3A_500] {strides = array<i32>} : memref<2x208x128xf32, #tpu.memory_space<vmem>>, vector<16xf32>,
      %get3A_502 = arith.constant 0 : i32
      %get3A_503 = arith.index_cast %get3A_502 : i32 to index
      %get3A_504 = arith.index_cast %scan3A_465 : i32 to index
      %get3A_505 = arith.constant 32 : index
      %get3A_506 = tpu.vector_load %arg7[%get3A_503, %get3A_504, %get3A_505] {strides = array<i32>} : memref<2x208x128xf32, #tpu.memory_space<vmem>>, vector<16xf32>,
      %add3A_507 = arith.addf %get3A_501, %get3A_506 : vector<16xf32>
      %swap3A_508 = arith.constant 0 : i32
      %swap3A_509 = arith.index_cast %swap3A_508 : i32 to index
      %swap3A_510 = arith.index_cast %scan3A_465 : i32 to index
      %swap3A_511 = arith.constant 32 : index
      %swap3A_512 = tpu.vector_load %arg8[%swap3A_509, %swap3A_510, %swap3A_511] {strides = array<i32>} : memref<2x208x128xf32, #tpu.memory_space<vmem>>, vector<16xf32>,
      tpu.vector_store %arg8[%swap3A_509, %swap3A_510, %swap3A_511], %add3A_507 {strides = array<i32>} : memref<2x208x128xf32, #tpu.memory_space<vmem>>, vector<16xf32>,
      %get3A_513 = arith.constant 0 : i32
      %get3A_514 = arith.index_cast %get3A_513 : i32 to index
      %get3A_515 = arith.index_cast %scan3A_465 : i32 to index
      %get3A_516 = arith.constant 48 : index
      %get3A_517 = tpu.vector_load %arg8[%get3A_514, %get3A_515, %get3A_516] {strides = array<i32>} : memref<2x208x128xf32, #tpu.memory_space<vmem>>, vector<16xf32>,
      %get3A_518 = arith.constant 0 : i32
      %get3A_519 = arith.index_cast %get3A_518 : i32 to index
      %get3A_520 = arith.index_cast %scan3A_465 : i32 to index
      %get3A_521 = arith.constant 48 : index
      %get3A_522 = tpu.vector_load %arg7[%get3A_519, %get3A_520, %get3A_521] {strides = array<i32>} : memref<2x208x128xf32, #tpu.memory_space<vmem>>, vector<16xf32>,
      %add3A_523 = arith.addf %get3A_517, %get3A_522 : vector<16xf32>
      %swap3A_524 = arith.constant 0 : i32
      %swap3A_525 = arith.index_cast %swap3A_524 : i32 to index
      %swap3A_526 = arith.index_cast %scan3A_465 : i32 to index
      %swap3A_527 = arith.constant 48 : index
      %swap3A_528 = tpu.vector_load %arg8[%swap3A_525, %swap3A_526, %swap3A_527] {strides = array<i32>} : memref<2x208x128xf32, #tpu.memory_space<vmem>>, vector<16xf32>,
      tpu.vector_store %arg8[%swap3A_525, %swap3A_526, %swap3A_527], %add3A_523 {strides = array<i32>} : memref<2x208x128xf32, #tpu.memory_space<vmem>>, vector<16xf32>,
      %get3A_529 = arith.constant 0 : i32
      %get3A_530 = arith.index_cast %get3A_529 : i32 to index
      %get3A_531 = arith.index_cast %scan3A_465 : i32 to index
      %get3A_532 = arith.constant 64 : index
      %get3A_533 = tpu.vector_load %arg8[%get3A_530, %get3A_531, %get3A_532] {strides = array<i32>} : memref<2x208x128xf32, #tpu.memory_space<vmem>>, vector<16xf32>,
      %get3A_534 = arith.constant 0 : i32
      %get3A_535 = arith.index_cast %get3A_534 : i32 to index
      %get3A_536 = arith.index_cast %scan3A_465 : i32 to index
      %get3A_537 = arith.constant 64 : index
      %get3A_538 = tpu.vector_load %arg7[%get3A_535, %get3A_536, %get3A_537] {strides = array<i32>} : memref<2x208x128xf32, #tpu.memory_space<vmem>>, vector<16xf32>,
      %add3A_539 = arith.addf %get3A_533, %get3A_538 : vector<16xf32>
      %swap3A_540 = arith.constant 0 : i32
      %swap3A_541 = arith.index_cast %swap3A_540 : i32 to index
      %swap3A_542 = arith.index_cast %scan3A_465 : i32 to index
      %swap3A_543 = arith.constant 64 : index
      %swap3A_544 = tpu.vector_load %arg8[%swap3A_541, %swap3A_542, %swap3A_543] {strides = array<i32>} : memref<2x208x128xf32, #tpu.memory_space<vmem>>, vector<16xf32>,
      tpu.vector_store %arg8[%swap3A_541, %swap3A_542, %swap3A_543], %add3A_539 {strides = array<i32>} : memref<2x208x128xf32, #tpu.memory_space<vmem>>, vector<16xf32>,
      %get3A_545 = arith.constant 0 : i32
      %get3A_546 = arith.index_cast %get3A_545 : i32 to index
      %get3A_547 = arith.index_cast %scan3A_465 : i32 to index
      %get3A_548 = arith.constant 80 : index
      %get3A_549 = tpu.vector_load %arg8[%get3A_546, %get3A_547, %get3A_548] {strides = array<i32>} : memref<2x208x128xf32, #tpu.memory_space<vmem>>, vector<16xf32>,
      %get3A_550 = arith.constant 0 : i32
      %get3A_551 = arith.index_cast %get3A_550 : i32 to index
      %get3A_552 = arith.index_cast %scan3A_465 : i32 to index
      %get3A_553 = arith.constant 80 : index
      %get3A_554 = tpu.vector_load %arg7[%get3A_551, %get3A_552, %get3A_553] {strides = array<i32>} : memref<2x208x128xf32, #tpu.memory_space<vmem>>, vector<16xf32>,
      %add3A_555 = arith.addf %get3A_549, %get3A_554 : vector<16xf32>
      %swap3A_556 = arith.constant 0 : i32
      %swap3A_557 = arith.index_cast %swap3A_556 : i32 to index
      %swap3A_558 = arith.index_cast %scan3A_465 : i32 to index
      %swap3A_559 = arith.constant 80 : index
      %swap3A_560 = tpu.vector_load %arg8[%swap3A_557, %swap3A_558, %swap3A_559] {strides = array<i32>} : memref<2x208x128xf32, #tpu.memory_space<vmem>>, vector<16xf32>,
      tpu.vector_store %arg8[%swap3A_557, %swap3A_558, %swap3A_559], %add3A_555 {strides = array<i32>} : memref<2x208x128xf32, #tpu.memory_space<vmem>>, vector<16xf32>,
      %get3A_561 = arith.constant 0 : i32
      %get3A_562 = arith.index_cast %get3A_561 : i32 to index
      %get3A_563 = arith.index_cast %scan3A_465 : i32 to index
      %get3A_564 = arith.constant 96 : index
      %get3A_565 = tpu.vector_load %arg8[%get3A_562, %get3A_563, %get3A_564] {strides = array<i32>} : memref<2x208x128xf32, #tpu.memory_space<vmem>>, vector<16xf32>,
      %get3A_566 = arith.constant 0 : i32
      %get3A_567 = arith.index_cast %get3A_566 : i32 to index
      %get3A_568 = arith.index_cast %scan3A_465 : i32 to index
      %get3A_569 = arith.constant 96 : index
      %get3A_570 = tpu.vector_load %arg7[%get3A_567, %get3A_568, %get3A_569] {strides = array<i32>} : memref<2x208x128xf32, #tpu.memory_space<vmem>>, vector<16xf32>,
      %add3A_571 = arith.addf %get3A_565, %get3A_570 : vector<16xf32>
      %swap3A_572 = arith.constant 0 : i32
      %swap3A_573 = arith.index_cast %swap3A_572 : i32 to index
      %swap3A_574 = arith.index_cast %scan3A_465 : i32 to index
      %swap3A_575 = arith.constant 96 : index
      %swap3A_576 = tpu.vector_load %arg8[%swap3A_573, %swap3A_574, %swap3A_575] {strides = array<i32>} : memref<2x208x128xf32, #tpu.memory_space<vmem>>, vector<16xf32>,
      tpu.vector_store %arg8[%swap3A_573, %swap3A_574, %swap3A_575], %add3A_571 {strides = array<i32>} : memref<2x208x128xf32, #tpu.memory_space<vmem>>, vector<16xf32>,
      %get3A_577 = arith.constant 0 : i32
      %get3A_578 = arith.index_cast %get3A_577 : i32 to index
      %get3A_579 = arith.index_cast %scan3A_465 : i32 to index
      %get3A_580 = arith.constant 112 : index
      %get3A_581 = tpu.vector_load %arg8[%get3A_578, %get3A_579, %get3A_580] {strides = array<i32>} : memref<2x208x128xf32, #tpu.memory_space<vmem>>, vector<16xf32>,
      %get3A_582 = arith.constant 0 : i32
      %get3A_583 = arith.index_cast %get3A_582 : i32 to index
      %get3A_584 = arith.index_cast %scan3A_465 : i32 to index
      %get3A_585 = arith.constant 112 : index
      %get3A_586 = tpu.vector_load %arg7[%get3A_583, %get3A_584, %get3A_585] {strides = array<i32>} : memref<2x208x128xf32, #tpu.memory_space<vmem>>, vector<16xf32>,
      %add3A_587 = arith.addf %get3A_581, %get3A_586 : vector<16xf32>
      %swap3A_588 = arith.constant 0 : i32
      %swap3A_589 = arith.index_cast %swap3A_588 : i32 to index
      %swap3A_590 = arith.index_cast %scan3A_465 : i32 to index
      %swap3A_591 = arith.constant 112 : index
      %swap3A_592 = tpu.vector_load %arg8[%swap3A_589, %swap3A_590, %swap3A_591] {strides = array<i32>} : memref<2x208x128xf32, #tpu.memory_space<vmem>>, vector<16xf32>,
      tpu.vector_store %arg8[%swap3A_589, %swap3A_590, %swap3A_591], %add3A_587 {strides = array<i32>} : memref<2x208x128xf32, #tpu.memory_space<vmem>>, vector<16xf32>,
      %scan3A_593 = arith.constant 0 : i32
      scf.yield %scan3A_593 : i32
    }
    %scan3A_448 = arith.constant 16 : i32
    %run_scoped3A_449 = arith.constant 0 : i32
    "tpu.region"() ({
      %run_scoped3A_465 = tpu.sem_alloc : memref<!tpu.dma_semaphore, #tpu.memory_space<semaphore_mem>>
      %dma_start3A_466 = arith.constant 0 : i32
      %dma_start3A_467 = arith.constant 0 : i32
      %dma_start3A_468 = tpu.memref_slice %arg8[%run_scoped3A_449, %dma_start3A_466, %dma_start3A_467] : memref<2x208x128xf32, #tpu.memory_space<vmem>> -> memref<1x16x128xf32, #tpu.memory_space<vmem>>
      %dma_start3A_469 = tpu.memref_squeeze %dma_start3A_468 : memref<1x16x128xf32, #tpu.memory_space<vmem>> -> memref<16x128xf32, #tpu.memory_space<vmem>>
      %dma_start3A_470 = arith.constant 0 : i32
      %dma_start3A_471 = tpu.memref_slice %arg5[%add3A_421, %dma_start3A_470] : memref<320000x128xf32, #tpu.memory_space<hbm>> -> memref<16x128xf32, #tpu.memory_space<hbm>>
      %dma_start3A_472 = arith.constant 0 : i32
      %dma_start3A_473 = tpu.memref_slice %arg5[%add3A_421, %dma_start3A_472] : memref<320000x128xf32, #tpu.memory_space<hbm>> -> memref<16x128xf32, #tpu.memory_space<hbm>>
      %dma_start3A_474 = arith.constant 0 : i32
      %dma_start3A_475 = arith.constant 0 : i32
      %dma_start3A_476 = tpu.memref_slice %arg8[%run_scoped3A_449, %dma_start3A_474, %dma_start3A_475] : memref<2x208x128xf32, #tpu.memory_space<vmem>> -> memref<1x16x128xf32, #tpu.memory_space<vmem>>
      %dma_start3A_477 = tpu.memref_squeeze %dma_start3A_476 : memref<1x16x128xf32, #tpu.memory_space<vmem>> -> memref<16x128xf32, #tpu.memory_space<vmem>>
      tpu.enqueue_dma source(%dma_start3A_477 : memref<16x128xf32, #tpu.memory_space<vmem>>) target(%dma_start3A_473 : memref<16x128xf32, #tpu.memory_space<hbm>>) target_semaphore(%run_scoped3A_465 : memref<!tpu.dma_semaphore, #tpu.memory_space<semaphore_mem>>)
      %dma_wait3A_478 = arith.constant 0 : i32
      %dma_wait3A_479 = arith.constant 0 : i32
      %dma_wait3A_480 = tpu.memref_slice %arg8[%run_scoped3A_449, %dma_wait3A_478, %dma_wait3A_479] : memref<2x208x128xf32, #tpu.memory_space<vmem>> -> memref<1x16x128xf32, #tpu.memory_space<vmem>>
      %dma_wait3A_481 = tpu.memref_squeeze %dma_wait3A_480 : memref<1x16x128xf32, #tpu.memory_space<vmem>> -> memref<16x128xf32, #tpu.memory_space<vmem>>
      %dma_wait3A_482 = arith.constant 0 : i32
      %dma_wait3A_483 = tpu.memref_slice %arg5[%add3A_421, %dma_wait3A_482] : memref<320000x128xf32, #tpu.memory_space<hbm>> -> memref<16x128xf32, #tpu.memory_space<hbm>>
      %dma_wait3A_484 = arith.constant 0 : i32
      %dma_wait3A_485 = tpu.memref_slice %arg5[%add3A_421, %dma_wait3A_484] : memref<320000x128xf32, #tpu.memory_space<hbm>> -> memref<16x128xf32, #tpu.memory_space<hbm>>
      %dma_wait3A_486 = arith.constant 0 : i32
      %dma_wait3A_487 = arith.constant 0 : i32
      %dma_wait3A_488 = tpu.memref_slice %arg8[%run_scoped3A_449, %dma_wait3A_486, %dma_wait3A_487] : memref<2x208x128xf32, #tpu.memory_space<vmem>> -> memref<1x16x128xf32, #tpu.memory_space<vmem>>
      %dma_wait3A_489 = tpu.memref_squeeze %dma_wait3A_488 : memref<1x16x128xf32, #tpu.memory_space<vmem>> -> memref<16x128xf32, #tpu.memory_space<vmem>>
      tpu.wait_dma2 semaphore(%run_scoped3A_465 : memref<!tpu.dma_semaphore, #tpu.memory_space<semaphore_mem>>) src(%dma_wait3A_489 : memref<16x128xf32, #tpu.memory_space<vmem>>) dst(%dma_wait3A_485 : memref<16x128xf32, #tpu.memory_space<hbm>>)
      tpu.yield
    }) : () -> ()
    %add3A_450 = arith.constant 9776 : i32
    %add3A_451 = arith.addi %mul3A_2, %add3A_450 : i32
    %dma_wait3A_452 = arith.constant 1 : i32
    %dma_wait3A_453 = arith.constant 0 : i32
    %dma_wait3A_454 = arith.constant 0 : i32
    %dma_wait3A_455 = tpu.memref_slice %arg8[%dma_wait3A_452, %dma_wait3A_453, %dma_wait3A_454] : memref<2x208x128xf32, #tpu.memory_space<vmem>> -> memref<1x208x128xf32, #tpu.memory_space<vmem>>
    %dma_wait3A_456 = tpu.memref_squeeze %dma_wait3A_455 : memref<1x208x128xf32, #tpu.memory_space<vmem>> -> memref<208x128xf32, #tpu.memory_space<vmem>>
    %dma_wait3A_457 = arith.constant 0 : i32
    %dma_wait3A_458 = tpu.memref_slice %arg5[%add3A_451, %dma_wait3A_457] : memref<320000x128xf32, #tpu.memory_space<hbm>> -> memref<208x128xf32, #tpu.memory_space<hbm>>
    %dma_wait3A_459 = arith.constant 0 : i32
    %dma_wait3A_460 = tpu.memref_slice %arg5[%add3A_451, %dma_wait3A_459] : memref<320000x128xf32, #tpu.memory_space<hbm>> -> memref<208x128xf32, #tpu.memory_space<hbm>>
    %dma_wait3A_461 = arith.constant 0 : i32
    %dma_wait3A_462 = arith.constant 0 : i32
    %dma_wait3A_463 = tpu.memref_slice %arg8[%dma_wait3A_452, %dma_wait3A_461, %dma_wait3A_462] : memref<2x208x128xf32, #tpu.memory_space<vmem>> -> memref<1x208x128xf32, #tpu.memory_space<vmem>>
    %dma_wait3A_464 = tpu.memref_squeeze %dma_wait3A_463 : memref<1x208x128xf32, #tpu.memory_space<vmem>> -> memref<208x128xf32, #tpu.memory_space<vmem>>
    tpu.wait_dma2 semaphore(%arg14 : memref<!tpu.dma_semaphore, #tpu.memory_space<semaphore_mem>>) src(%dma_wait3A_464 : memref<208x128xf32, #tpu.memory_space<vmem>>) dst(%dma_wait3A_460 : memref<208x128xf32, #tpu.memory_space<hbm>>)
    return
  }
}

module attributes {stable_mosaic.version = 14 : i64} {
  func.func @body(%arg0: i32, %arg1: memref<13880x128xf32, #tpu.memory_space<vmem>>, %arg2: memref<128x128xf32, #tpu.memory_space<vmem>>, %arg3: memref<8x128xf32, #tpu.memory_space<vmem>>, %arg4: memref<13880x128xf32, #tpu.memory_space<vmem>>) attributes {dimension_semantics = [#tpu.dimension_semantics<arbitrary>], iteration_bounds = array<i64: 2>, scalar_prefetch = 0 : i64, scratch_operands = 0 : i64, tpu.core_type = #tpu.core_type<tc>, window_params = [{transform_indices = @transform_0, window_bounds = array<i64: 13880, 128>}, {pipeline_mode = #tpu.pipeline_mode<synchronous>, transform_indices = @transform_1, window_bounds = array<i64: 128, 128>}, {pipeline_mode = #tpu.pipeline_mode<synchronous>, transform_indices = @transform_2, window_bounds = array<i64: 8, 128>}, {transform_indices = @transform_3, window_bounds = array<i64: 13880, 128>}]} {
    %get3A = arith.constant 0 : index
    %get3A_0 = arith.constant 0 : index
    %get3A_1 = vector.load %arg1[%get3A, %get3A_0] : memref<13880x128xf32, #tpu.memory_space<vmem>>, vector<13880x128xf32>
    %get3A_2 = arith.constant 0 : index
    %get3A_3 = arith.constant 0 : index
    %get3A_4 = vector.load %arg2[%get3A_2, %get3A_3] : memref<128x128xf32, #tpu.memory_space<vmem>>, vector<128x128xf32>
    %dot_general3A = arith.constant dense<0.000000e+00> : vector<13880x128xf32>
    %dot_general3A_5 = tpu.matmul %get3A_1, %get3A_4, %dot_general3A {dimension_numbers = #tpu.dot_dimension_numbers<[1], [1], [0], [0], [0, 0, 1, 0], [], []>, transpose_lhs_hint = false} : vector<13880x128xf32>, vector<128x128xf32>, vector<13880x128xf32> -> vector<13880x128xf32>
    %get3A_6 = arith.constant 0 : index
    %get3A_7 = arith.constant 0 : index
    %get3A_8 = vector.load %arg3[%get3A_6, %get3A_7] : memref<8x128xf32, #tpu.memory_space<vmem>>, vector<1x128xf32>
    %get3A_9 = vector.shape_cast %get3A_8 : vector<1x128xf32> to vector<128xf32>
    %broadcast_in_dim3A = vector.shape_cast %get3A_9 : vector<128xf32> to vector<1x128xf32>
    %add3A = vector.broadcast %broadcast_in_dim3A : vector<1x128xf32> to vector<13880x128xf32>
    %add3A_10 = arith.addf %dot_general3A_5, %add3A : vector<13880x128xf32>
    %swap3A = arith.constant 0 : index
    %swap3A_11 = arith.constant 0 : index
    %swap3A_12 = vector.load %arg4[%swap3A, %swap3A_11] : memref<13880x128xf32, #tpu.memory_space<vmem>>, vector<13880x128xf32>
    tpu.vector_store %arg4[%swap3A, %swap3A_11], %add3A_10 {strides = array<i32>} : memref<13880x128xf32, #tpu.memory_space<vmem>>, vector<13880x128xf32>,
    return
  }
  func.func @transform_0(%arg0: i32) -> (i32, i32) {
    %c0_i32 = arith.constant 0 : i32
    %c0_i32_0 = arith.constant 0 : i32
    return %arg0, %c0_i32 : i32, i32
  }
  func.func @transform_1(%arg0: i32) -> (i32, i32) {
    %c0_i32 = arith.constant 0 : i32
    %c0_i32_0 = arith.constant 0 : i32
    %c0_i32_1 = arith.constant 0 : i32
    return %c0_i32, %c0_i32_0 : i32, i32
  }
  func.func @transform_2(%arg0: i32) -> (i32, i32) {
    %c0_i32 = arith.constant 0 : i32
    %c0_i32_0 = arith.constant 0 : i32
    %c0_i32_1 = arith.constant 0 : i32
    return %c0_i32, %c0_i32_0 : i32, i32
  }
  func.func @transform_3(%arg0: i32) -> (i32, i32) {
    %c0_i32 = arith.constant 0 : i32
    %c0_i32_0 = arith.constant 0 : i32
    return %arg0, %c0_i32 : i32, i32
  }
}

</mosaic_0001>

<sc_bundles>
// kernel: kernel.4.cloned.1.call-start
scs
__scs_entry_jumppad:
0x0: {  	(pc) =	sbr.rel $0x88, $3  }
0x1: {  	(tag) =	ssettag $0x0;
	lr =	simm.s32 $0x1  }
0x2: {  	[smem:$0x3F9C] =	sst lr;
	_ =	strace $0xD0000000  }
0x3: {  	_ = 	snop  }
0x4: {  	_ = 	snop  }
0x5: {  	_ = 	snop  }
0x6: {  	_ = 	snop  }
0x7: {  	_ = 	snop  }
__scs_overlays_trampoline_lowered:
0x8: {  	[smem:$0x3FAB] =	sst s0  }
0x9: {  	[smem:$0x3FAC] =	sst s1  }
0xa: {  	[smem:$0x3FAD] =	sst s2  }
0xb: {  	[smem:$0x3FAE] =	sst s3  }
0xc: {  	[smem:$0x3FAF] =	sst s4  }
0xd: {  	[smem:$0x3FB0] =	sst s5  }
0xe: {  	[smem:$0x3FB1] =	sst s6  }
0xf: {  	[smem:$0x3FB2] =	sst s7  }
0x10: {  	[smem:$0x3FB3] =	sst s8  }
0x11: {  	[smem:$0x3FB4] =	sst s9;
	s0 =	simm.s32 @!p0 $0x0  }
0x12: {  	s1 =	sld [smem:$0x3F9A];
	s0 =	simm.s32 @p0 $0x1  }
0x13: {  	[smem:$0x3FB5] =	sst s0;
	s0 =	simm.s32 @!p1 $0x0  }
0x14: {  	s2 =	sld [smem:$0x3F99];
	s0 =	simm.s32 @p1 $0x1  }
0x15: {  	[smem:$0x3FB6] =	sst s0;
	s0 =	simm.s32 @!p2 $0x0  }
0x16: {  	s3 =	sld [smem:$0x3FDB];
	s0 =	simm.s32 @p2 $0x1  }
0x17: {  	s4 =	simm.s32 $0x1BF5;
	[smem:$0x3FB8] =	sst s0  }
0x18: {  	s0 =	sld [smem:$0x3F9B];
	_ =	swait.ge [sflag:s4], $0x0  }
0x19: {  	s7 =	sld [smem:$0x3F9C]  }
0x1a: {  	s8 =	sadd.s32 $0xFFFFE003, lr  }
0x1b: {  	s9 =	sadd.s32 $0xFFFFFEF7, lr;
	s5 =	simm.s32 $0xFFFFFFFF;
	p2 =	slt.u32 s8, $0xFFFFF086  }
0x1c: {  	p1 =	slt.u32 s9, $0xF7A;
	s5 =	simm.s32 @!p2 $0x0  }
0x1d: {  	s5 =	simm.s32 @p1 $0x1;
	p0 =	seq.s32 s7, s2  }
0x1e: {  	s7 =	smul.u32 @!p0 $0xF7A, s2;
	p2 =	seq.s32 @!p0 s5, $0x0  }
0x1f: {  	s9 =	smul.u32 $0xF7A, s1;
	s8 =	simm.s32 @!p0 $0x1BF5;
	p2 =	por !p2, p0  }
0x20: {  	[sflag:s8] =	ssyncset.s32 @!p0 $0xFFFFF086;
	s6 =	sadd.s32 @!p0 s3, s7;
	s7 =	simm.s32 @!p0 $0x108  }
0x21: {  	s3 =	sadd.s32 s3, s9;
	s6 =	sadd.s32 @!p0 $0x88, s6;
	s7 =	simm.s32 @p2 $0x1082  }
0x22: {  	[simem:s7], [sflag:s8] =	dma.local @!p0 [hbm:s6], $0xF7A  }
0x23: {  	s9 =	sor.u32 $0xD0000000, s2;
	s6 =	simm.s32 $0x108;
	_ =	swait.ge @!p0 [sflag:s8], $0x0  }
0x24: {  	s3 =	sadd.s32 $0x88, s3;
	s6 =	simm.s32 @!p1 $0x1082;
	[sflag:s4] =	ssyncset.s32 $0xFFFFF086  }
0x25: {  	[simem:s6], [sflag:s4] =	dma.local [hbm:s3], $0xF7A  }
0x26: {  	[smem:$0x3F9C] =	sst s1;
	(tag) =	ssettag s2;
	_ =	strace s9  }
0x27: {  	s1 =	sld [smem:$0x3FAC]  }
0x28: {  	s2 =	sld [smem:$0x3FAD]  }
0x29: {  	s4 =	sld [smem:$0x3FAF]  }
0x2a: {  	p0 =	seq.s32 s5, $0x0;
	s5 =	sld [smem:$0x3FB0]  }
0x2b: {  	s6 =	sld [smem:$0x3FB1]  }
0x2c: {  	s7 =	sld [smem:$0x3FB2]  }
0x2d: {  	s3 =	simm.s32 $0x108;
	s8 =	sld [smem:$0x3FB3]  }
0x2e: {  	s3 =	simm.s32 @!p0 $0x1082;
	s9 =	sld [smem:$0x3FB4]  }
0x2f: {  	lr =	sadd.s32 s0, s3;
	s0 =	sld [smem:$0x3FAB]  }
0x30: {  	s3 =	sld [smem:$0x3FAE]  }
0x31: {  	[smem:$0x3FB7] =	sst s10  }
0x32: {  	s10 =	sld [smem:$0x3FB5];
	_ =	sdelay $0x3  }
0x33: {  	p0 =	seq.s32 s10, $0x1;
	s10 =	sld [smem:$0x3FB7];
	_ =	sdelay $0x3  }
0x34: {  	[smem:$0x3FB7] =	sst s10  }
0x35: {  	s10 =	sld [smem:$0x3FB6];
	_ =	sdelay $0x3  }
0x36: {  	p1 =	seq.s32 s10, $0x1;
	s10 =	sld [smem:$0x3FB7];
	_ =	sdelay $0x3  }
0x37: {  	[smem:$0x3FB7] =	sst s10  }
0x38: {  	s10 =	sld [smem:$0x3FB8]  }
0x39: {  	_ = 	snop;
	(pc) =	sbr.ind lr, $3  }
0x3a: {  	_ = 	snop  }
0x3b: {  	_ = 	snop  }
0x3c: {  	p2 =	seq.s32 s10, $0x1;
	s10 =	sld [smem:$0x3FB7]  }
0x3d: {  	_ =	shalt  }
0x3e: {  	_ =	shalt  }
0x3f: {  	_ =	shalt  }
0x40: {  	_ =	shalt  }
0x41: {  	_ =	shalt  }
0x42: {  	_ =	shalt  }
0x43: {  	_ =	shalt  }
0x44: {  	_ =	shalt  }
0x45: {  	_ =	shalt  }
0x46: {  	_ =	shalt  }
0x47: {  	_ =	shalt  }
0x48: {  	_ =	shalt  }
0x49: {  	_ =	shalt  }
0x4a: {  	_ =	shalt  }
0x4b: {  	_ =	shalt  }
0x4c: {  	_ =	shalt  }
0x4d: {  	_ =	shalt  }
0x4e: {  	_ =	shalt  }
0x4f: {  	_ =	shalt  }
0x50: {  	_ =	shalt  }
0x51: {  	_ =	shalt  }
0x52: {  	_ =	shalt  }
0x53: {  	_ =	shalt  }
0x54: {  	_ =	shalt  }
0x55: {  	_ =	shalt  }
0x56: {  	_ =	shalt  }
0x57: {  	_ =	shalt  }
0x58: {  	_ =	shalt  }
0x59: {  	_ =	shalt  }
0x5a: {  	_ =	shalt  }
0x5b: {  	_ =	shalt  }
0x5c: {  	_ =	shalt  }
0x5d: {  	_ =	shalt  }
0x5e: {  	_ =	shalt  }
0x5f: {  	_ =	shalt  }
0x60: {  	_ =	shalt  }
0x61: {  	_ =	shalt  }
0x62: {  	_ =	shalt  }
0x63: {  	_ =	shalt  }
0x64: {  	_ =	shalt  }
0x65: {  	_ =	shalt  }
0x66: {  	_ =	shalt  }
0x67: {  	_ =	shalt  }
0x68: {  	_ =	shalt  }
0x69: {  	_ =	shalt  }
0x6a: {  	_ =	shalt  }
0x6b: {  	_ =	shalt  }
0x6c: {  	_ =	shalt  }
0x6d: {  	_ =	shalt  }
0x6e: {  	_ =	shalt  }
0x6f: {  	_ =	shalt  }
0x70: {  	_ =	shalt  }
0x71: {  	_ =	shalt  }
0x72: {  	_ =	shalt  }
0x73: {  	_ =	shalt  }
0x74: {  	_ =	shalt  }
0x75: {  	_ =	shalt  }
0x76: {  	_ =	shalt  }
0x77: {  	_ =	shalt  }
0x78: {  	_ =	shalt  }
0x79: {  	_ =	shalt  }
0x7a: {  	_ =	shalt  }
0x7b: {  	_ =	shalt  }
0x7c: {  	_ =	shalt  }
0x7d: {  	_ =	shalt  }
0x7e: {  	_ =	shalt  }
0x7f: {  	_ =	shalt  }
0x80: {  	_ =	shalt  }
0x81: {  	_ =	shalt  }
0x82: {  	_ =	shalt  }
0x83: {  	_ =	shalt  }
0x84: {  	_ =	shalt  }
0x85: {  	_ =	shalt  }
0x86: {  	_ =	shalt  }
0x87: {  	_ =	shalt  }
.Lfunc_end0:
.L_simem_size_0:
called_computation_lowered:
.L_overlay_start_0:
0x88: {  	s2 =	sld [smem:$0x3FD9]  }
0x89: {  	s3 =	sld [smem:$0x3FFE];
	_ =	sdelay $0x1  }
0x8a: {  	s1 =	srdreg.scid  }
0x8b: {  	s0 =	sand.u32 $0x1, s1  }
0x8c: {  	s17 =	sshll.u32 s0, $0xA;
	s2 =	sadd.s32 s3, s2  }
0x8d: {  	s2 =	sadd.s32 s2, s17  }
0x8e: {  	[smem:$0x3FC3] =	sst s2  }
0x8f: {  	_ = 	snop  }
0x90: {  	s2 =	sld [smem:$0x3FC9]  }
0x91: {  	s18 =	sld [smem:$0x3FC8]  }
0x92: {  	s4 =	sld [smem:$0x3FD0];
	(tm) =	ssettm $0x1  }
0x93: {  	s5 =	sld [smem:$0x3FFB];
	_ =	sdelay $0x3  }
0x94: {  	_ =	strace s5  }
0x95: {  	s5 =	sld [smem:$0x3FFC];
	_ =	sdelay $0x3  }
0x96: {  	_ =	strace s5  }
0x97: {  	s5 =	sld [smem:$0x3FFD];
	_ =	sdelay $0x3  }
0x98: {  	_ =	strace s5  }
0x99: {  	_ =	strace $0x8FFFFFFF  }
0x9a: {  	s19 =	sld [smem:$0x3FDB];
	_ =	sdelay $0x1  }
0x9b: {  	s6 =	simm.s32 $_scs_section_size  }
0x9c: {  	s7 =	simm.s32 $_size__tile_overlayer_lowered;
	s8 =	simm.s32 $_tile_overlayer_lowered  }
0x9d: {  	s22 =	simm.s32 $0x1BFF;
	s21 =	sshll.u32 s8, $0x1;
	s5 =	sadd.s32 s6, s19  }
0x9e: {  	s9 =	simm.s32 $0x0;
	s20 =	sshll.u32 s7, $0x1;
	s7 =	sadd.s32 s21, s5  }
0x9f: {  	[timem:s9], [sflag:s22] =	dma.local [hbm:s7], s20  }
0xa0: {  	_ =	swait.ge [sflag:s22], s20  }
0xa1: {  	s6 =	ssub.s32 $0x0, s20;
	[sflag:s22] =	ssyncset.done $0x0  }
0xa2: {  	[sflag:s22] =	ssyncadd.s32 s6;
	_ =	sdelay $0x1  }
0xa3: {  	s23 =	simm.s32 $0x1B8B  }
0xa4: {  	_ =	swait.ge [sflag:s23], $0x1  }
0xa5: {  	[sflag:s23] =	ssyncset.done $0x0  }
0xa6: {  	s25 =	simm.s32 $0x1B8E;
	s24 =	sld [smem:$0x3FFE];
	[sflag:s23] =	ssyncadd.s32 $0xFFFFFFFF  }
0xa7: {  	s26 =	simm.s32 $execute0_lowered;
	[smem:$0x3FD2] =	sst s25  }
0xa8: {  	s7 =	sshll.u32 s26, $0x1;
	_ =	strace $0x80000046;
	[dreg:$0x1] =	wrdreg $0xFFFFFFFF  }
0xa9: {  	s28 =	simm.s32 $_size_execute0_lowered;
	s5 =	sadd.s32 s5, s7;
	[dreg:$0x0] =	wrdreg $0x0  }
0xaa: {  	s7 =	sshll.u32 s28, $0x1;
	[dreg:$0x2] =	wrdreg s5  }
0xab: {  	[dreg:$0x3] =	wrdreg s7  }
0xac: {  	[dreg:$0x4] =	wrdreg $0xC0  }
0xad: {  	_ =	task [dreg:s9], $0x5FFFF  }
0xae: {  	[dreg:$0x1] =	wrdreg $0xFFFFFFFF  }
0xaf: {  	[dreg:$0x0] =	wrdreg $0x60  }
0xb0: {  	[dreg:$0x2] =	wrdreg s24  }
0xb1: {  	[dreg:$0x3] =	wrdreg s18  }
0xb2: {  	[dreg:$0x4] =	wrdreg s2  }
0xb3: {  	[dreg:$0x5] =	wrdreg s4  }
0xb4: {  	[dreg:$0x6] =	wrdreg $0x9  }
0xb5: {  	_ =	task.clear_ibuf [dreg:s9], $0x7FFFF;
	_ =	strace $0x90000046  }
0xb6: {  	s29 =	simm.s32 $0x9;
	_ =	strace $0x80000048  }
0xb7: {  	_ =	swait.ge [sflag:s29], $0x1  }
0xb8: {  	[sflag:s29] =	ssyncadd.s32 $0xFFFFFFFF  }
0xb9: {  	_ =	strace $0x90000048  }
0xba: {  	_ =	sfence  }
0xbb: {  	s30 =	sld [smem:$0x0];
	_ =	sdelay $0x2  }
0xbc: {  	s31 =	sshll.u32 s1, $0xD;
	s1 =	sshrl.u32 s1, $0x2  }
0xbd: {  	s3 =	sand.u32 $0x4000, s31;
	s1 =	sadd.s32 s1, s30  }
0xbe: {  	s0 =	sor.u32 s3, s0;
	s1 =	sshll.u32 s1, $0x11  }
0xbf: {  	s0 =	sor.u32 s1, s0  }
0xc0: {  	s0 =	sadd.s32 $0x8F2B, s0  }
0xc1: {  	[sflag:s0] =	ssyncadd.remote.s32 $0x1  }
0xc2: {  	_ =	sfence.sel $0xFFFF  }
0xc3: {  	[dreg:$0x0] =	wrdreg $0xFFFFFFFF;
	(pc) =	sbr.abs _section_cstart, $3  }
0xc4: {  	[dreg:$0x1] =	wrdreg $0xFFFFFFFF  }
0xc5: {  	_ =	task.clear_ibuf [dreg:s9], $0x2FFFF;
	_ =	strace $0x9FFFFFFF  }
0xc6: {  	(tm) =	ssettm $0x7FFFFFFF  }
0xc7: {  	_ =	shalt  }
tec
execute0_lowered:
.L_overlay_start_1:
0x0: {  	(tag) =	ssettag $0x1  }
0x1: {  	s0 =	rddreg [dreg:$0x0]  }
0x2: {  	s1 =	rddreg [dreg:$0x1]  }
0x3: {  	s2 =	rddreg [dreg:$0x2]  }
0x4: {  	s3 =	rddreg [dreg:$0x3]  }
0x5: {  	s5 =	srdreg.scid;
	s6 =	stileid.u32  }
0x6: {  	s4 =	simm.s32 $0x0;
	s7 =	sand.u32 $0x1, s5;
	s15 =	sshll.u32 s6, $0x1  }
0x7: {  	s28 =	simm.s32 $0x8F10;
	s30 =	simm.s32 $0xC310;
	s8 =	sor.u32 s7, s15  }
0x8: {  	s31 =	simm.s32 $0x15F10;
	s29 =	simm.s32 $0x6;
	s5 =	smul.u32 $0x2710, s8  }
0x9: {  	[smem:$0x7FF] =	sst s4;
	s16 =	ssub.s32 $0x2, s7;
	s17 =	smul.u32 $0x138800, s8  }
0xa: {  	s6 =	sadd.s32 $0x800, s0;
	s9 =	sshrl.u32 s16, $0x1;
	s8 =	smul.u32 $0x27100, s8  }
0xb: {  	_ =	strace $0x80000047;
	s0 =	ssub.s32 s16, s9;
	s10 =	sshrl.u32 s5, $0x3  }
0xc: {  	s18 =	sshrl.u32 s17, $0x3;
	s19 =	sadd.s32 s2, s8;
	s8 =	sadd.s32 s3, s8  }
0xd: {  	s1 =	sadd.s32 s1, s10;
	[dreg:$0x6] =	wrdreg s19;
	s20 =	sadd.s32 $0xD00, s18  }
0xe: {  	s21 =	sadd.s32 s2, s18;
	[dreg:$0x8] =	wrdreg s8;
	s24 =	sadd.s32 $0x26300, s18  }
0xf: {  	s25 =	sadd.s32 s3, s18;
	s19 =	simm.s32 $0x7;
	[dreg:$0x5] =	wrdreg s1  }
0x10: {  	s22 =	sadd.s32 s2, s20;
	s23 =	sadd.s32 $0x1A00, s21;
	s7 =	sadd.s32 s3, s20  }
0x11: {  	s26 =	sadd.s32 s2, s24;
	s14 =	sadd.s32 $0x25600, s25;
	s1 =	sadd.s32 $0x27000, s18  }
0x12: {  	s15 =	sadd.s32 s3, s24;
	s18 =	smax.u32 s0, $0x1;
	[dreg:$0x7] =	wrdreg s22  }
0x13: {  	s20 =	simm.s32 $0x68;
	s21 =	simm.s32 $0x2710;
	[dreg:$0x9] =	wrdreg s23  }
0x14: {  	s24 =	simm.s32 $0x1;
	s25 =	simm.s32 $0x3;
	[dreg:$0xa] =	wrdreg s7  }
0x15: {  	s0 =	simm.s32 $0x2;
	[dreg:$0xb] =	wrdreg s26;
	s16 =	sadd.s32 s2, s1  }
0x16: {  	s17 =	sadd.s32 s3, s1;
	s22 =	simm.s32 $0x5B10;
	s23 =	simm.s32 $0xF710  }
0x17: {  	s1 =	simm.s32 $0x4;
	s26 =	simm.s32 $0x5;
	s7 =	simm.s32 $0x0  }
.LBB2_1:
0x18: {  	s8 =	rddreg [dreg:$0x5]  }
0x19: {  	[tilespmem:s4], [sflag:$0x7] =	stream.linear.gather [hbm4b:s8+s4], $0x2710, $0x38;
	[tilespmem:$0x1C710] =	vst v63  }
0x1a: {  	_ =	swait.ge [sflag:s19], $0x2710  }
0x1b: {  	[sflag:s19] =	ssyncset.done $0x0  }
0x1c: {  	[sflag:s19] =	ssyncadd.s32 $0xFFFFD8F0  }
0x1d: {  	[tilespmem:s21], [sflag:$0x1] =	stream.indirect.gather [hbm4b:s6+s20], $0x80, s4, s20, $0xb8;
	[tilespmem:$0x1C710] =	vst v63  }
0x1e: {  	_ = 	snop  }
0x1f: {  	[tilespmem:s22], [sflag:$0x1] =	stream.indirect.gather [hbm4b:s6+s20], $0x80, s20, s20, $0xb8;
	[tilespmem:$0x1C710] =	vst v63  }
0x20: {  	s10 =	rddreg [dreg:$0x6]  }
0x21: {  	[tilespmem:s23], [sflag:$0x3] =	stream.linear.gather [hbm4b:s10+s4], $0x6800, $0x38;
	[tilespmem:$0x1C710] =	vst v63  }
0x22: {  	_ =	swait.ge [sflag:s24], $0x3400  }
0x23: {  	[sflag:s24] =	ssyncset.done $0x0  }
0x24: {  	[sflag:s24] =	ssyncadd.s32 $0xFFFFCC00  }
0x25: {  	_ =	swait.ge [sflag:s24], $0x3400  }
0x26: {  	[sflag:s24] =	ssyncset.done $0x0  }
0x27: {  	[sflag:s24] =	ssyncadd.s32 $0xFFFFCC00  }
0x28: {  	_ =	swait.ge [sflag:s25], $0x6800  }
0x29: {  	[sflag:s25] =	ssyncset.done $0x0  }
0x2a: {  	s11 =	simm.s32 $0xD0;
	[sflag:s25] =	ssyncadd.s32 $0xFFFF9800  }
0x2b: {  	[tilespmem:s28], [sflag:$0x2] =	stream.indirect.gather [hbm4b:s6+s20], $0x80, s11, s20, $0xb8;
	[tilespmem:$0x1C710] =	vst v63  }
0x2c: {  	s12 =	simm.s32 $0x138  }
0x2d: {  	[tilespmem:s30], [sflag:$0x2] =	stream.indirect.gather [hbm4b:s6+s20], $0x80, s12, s20, $0xb8;
	[tilespmem:$0x1C710] =	vst v63  }
0x2e: {  	s8 =	simm.s32 $0x0;
	s13 =	rddreg [dreg:$0x7]  }
0x2f: {  	[tilespmem:s31], [sflag:$0x4] =	stream.linear.gather [hbm4b:s13+s4], $0x6800, $0x38;
	[tilespmem:$0x1C710] =	vst v63  }
0x30: {  	v7 =	vld [tilespmem:s8+$0x2710]  }
0x31: {  	v11 =	vld [tilespmem:s8+$0x2720]  }
0x32: {  	v5 =	vld [tilespmem:s8+$0x2730]  }
0x33: {  	v4 =	vld [tilespmem:s8+$0x2740]  }
0x34: {  	v3 =	vld [tilespmem:s8+$0x2750]  }
0x35: {  	v2 =	vld [tilespmem:s8+$0x2760]  }
0x36: {  	v1 =	vld [tilespmem:s8+$0x2770]  }
0x37: {  	v0 =	vld [tilespmem:s8+$0x2780]  }
0x38: {  	v12 =	vld [tilespmem:s8+$0xF710]  }
0x39: {  	v13 =	vld [tilespmem:s8+$0xF720]  }
0x3a: {  	v10 =	vld [tilespmem:s8+$0xF730]  }
0x3b: {  	v9 =	vld [tilespmem:s8+$0xF740]  }
0x3c: {  	v8 =	vld [tilespmem:s8+$0xF750]  }
0x3d: {  	v6 =	vld [tilespmem:s8+$0xF760];
	v12 =	vadd.f32 v7, v12  }
0x3e: {  	s9 =	simm.s32 $0x200;
	v11 =	vadd.f32 v11, v13;
	v7 =	vld [tilespmem:s8+$0xF770]  }
.LBB2_2:
0x3f: {  	s10 =	sshra.s32 s9, $0x2;
	p0 =	sne.s32 s9, $0x19E00;
	[tilespmem:s8+$0xF710] =	vst v12;
	v5 =	vadd.f32 v5, v10;
	v10 =	vld [tilespmem:s8+$0xF780]  }
0x40: {  	v12 =	vld [tilespmem:s10+$0x2710];
	[tilespmem:s8+$0xF720] =	vst v11;
	v4 =	vadd.f32 v4, v9  }
0x41: {  	v11 =	vld [tilespmem:s10+$0x2720];
	[tilespmem:s8+$0xF730] =	vst v5;
	v3 =	vadd.f32 v3, v8  }
0x42: {  	v5 =	vld [tilespmem:s10+$0x2730];
	[tilespmem:s8+$0xF740] =	vst v4;
	v2 =	vadd.f32 v2, v6  }
0x43: {  	v4 =	vld [tilespmem:s10+$0x2740];
	[tilespmem:s8+$0xF750] =	vst v3;
	v1 =	vadd.f32 v1, v7  }
0x44: {  	v3 =	vld [tilespmem:s10+$0x2750];
	[tilespmem:s8+$0xF760] =	vst v2;
	v0 =	vadd.f32 v0, v10  }
0x45: {  	v2 =	vld [tilespmem:s10+$0x2760];
	[tilespmem:s8+$0xF770] =	vst v1  }
0x46: {  	v1 =	vld [tilespmem:s10+$0x2770];
	[tilespmem:s8+$0xF780] =	vst v0;
	s8 =	smov.u32 s10  }
0x47: {  	v0 =	vld [tilespmem:s8+$0x2780]  }
0x48: {  	v6 =	vld [tilespmem:s8+$0xF710]  }
0x49: {  	v7 =	vld [tilespmem:s8+$0xF720]  }
.Ltmp0:
0x4a: {  	v10 =	vld [tilespmem:s8+$0xF730];
	(pc) =	sbr.rel @p0 .LBB2_2-.Ltmp0, $4  }
0x4b: {  	v9 =	vld [tilespmem:s8+$0xF740]  }
0x4c: {  	v8 =	vld [tilespmem:s8+$0xF750]  }
0x4d: {  	v12 =	vadd.f32 v12, v6;
	v6 =	vld [tilespmem:s8+$0xF760]  }
0x4e: {  	s9 =	sadd.s32 $0x200, s9;
	v11 =	vadd.f32 v11, v7;
	v7 =	vld [tilespmem:s8+$0xF770]  }
0x4f: {  	[tilespmem:s8+$0xF710] =	vst v12;
	v5 =	vadd.f32 v5, v10;
	v10 =	vld [tilespmem:s8+$0xF780]  }
0x50: {  	[tilespmem:s8+$0xF720] =	vst v11;
	v4 =	vadd.f32 v4, v9  }
0x51: {  	[tilespmem:s8+$0xF730] =	vst v5;
	v3 =	vadd.f32 v3, v8  }
0x52: {  	[tilespmem:s8+$0xF740] =	vst v4;
	v2 =	vadd.f32 v2, v6  }
0x53: {  	[tilespmem:s8+$0xF750] =	vst v3;
	v1 =	vadd.f32 v1, v7  }
0x54: {  	[tilespmem:s8+$0xF760] =	vst v2;
	v0 =	vadd.f32 v0, v10  }
0x55: {  	[tilespmem:s8+$0xF770] =	vst v1  }
0x56: {  	s10 =	simm.s32 $0x0;
	s9 =	rddreg [dreg:$0x8];
	[tilespmem:s8+$0xF780] =	vst v0  }
0x57: {  	[hbm4b:s9+s10] =	stream.linear.scatter [tilespmem:s23], [sflag:$0x5], $0x6800, $0x38;
	[tilespmem:$0x1C710] =	vst v63  }
0x58: {  	_ =	swait.ge [sflag:s0], $0x3400  }
0x59: {  	[sflag:s0] =	ssyncset.done $0x0  }
0x5a: {  	[sflag:s0] =	ssyncadd.s32 $0xFFFFCC00  }
0x5b: {  	_ =	swait.ge [sflag:s0], $0x3400  }
0x5c: {  	[sflag:s0] =	ssyncset.done $0x0  }
0x5d: {  	[sflag:s0] =	ssyncadd.s32 $0xFFFFCC00  }
0x5e: {  	_ =	swait.ge [sflag:s1], $0x6800  }
0x5f: {  	[sflag:s1] =	ssyncset.done $0x0  }
0x60: {  	[sflag:s1] =	ssyncadd.s32 $0xFFFF9800  }
0x61: {  	_ =	swait.ge [sflag:s26], $0x6800  }
0x62: {  	[sflag:s26] =	ssyncset.done $0x0  }
0x63: {  	s11 =	simm.s32 $0x1A0;
	[sflag:s26] =	ssyncadd.s32 $0xFFFF9800  }
0x64: {  	[tilespmem:s21], [sflag:$0x1] =	stream.indirect.gather [hbm4b:s6+s20], $0x80, s11, s20, $0xb8;
	[tilespmem:$0x1C710] =	vst v63  }
0x65: {  	s12 =	simm.s32 $0x208  }
0x66: {  	[tilespmem:s22], [sflag:$0x1] =	stream.indirect.gather [hbm4b:s6+s20], $0x80, s12, s20, $0xb8;
	[tilespmem:$0x1C710] =	vst v63  }
0x67: {  	s8 =	simm.s32 $0x0;
	s13 =	rddreg [dreg:$0x9]  }
0x68: {  	[tilespmem:s23], [sflag:$0x3] =	stream.linear.gather [hbm4b:s13+s10], $0x6800, $0x38;
	[tilespmem:$0x1C710] =	vst v63  }
0x69: {  	v7 =	vld [tilespmem:s8+$0x8F10]  }
0x6a: {  	v11 =	vld [tilespmem:s8+$0x8F20]  }
0x6b: {  	v5 =	vld [tilespmem:s8+$0x8F30]  }
0x6c: {  	v4 =	vld [tilespmem:s8+$0x8F40]  }
0x6d: {  	v3 =	vld [tilespmem:s8+$0x8F50]  }
0x6e: {  	v2 =	vld [tilespmem:s8+$0x8F60]  }
0x6f: {  	v1 =	vld [tilespmem:s8+$0x8F70]  }
0x70: {  	v0 =	vld [tilespmem:s8+$0x8F80]  }
0x71: {  	v12 =	vld [tilespmem:s8+$0x15F10]  }
0x72: {  	v13 =	vld [tilespmem:s8+$0x15F20]  }
0x73: {  	v10 =	vld [tilespmem:s8+$0x15F30]  }
0x74: {  	v9 =	vld [tilespmem:s8+$0x15F40]  }
0x75: {  	v8 =	vld [tilespmem:s8+$0x15F50]  }
0x76: {  	v6 =	vld [tilespmem:s8+$0x15F60];
	v12 =	vadd.f32 v7, v12  }
0x77: {  	s9 =	simm.s32 $0x200;
	v11 =	vadd.f32 v11, v13;
	v7 =	vld [tilespmem:s8+$0x15F70]  }
.LBB2_4:
0x78: {  	s10 =	sshra.s32 s9, $0x2;
	p0 =	sne.s32 s9, $0x19E00;
	[tilespmem:s8+$0x15F10] =	vst v12;
	v5 =	vadd.f32 v5, v10;
	v10 =	vld [tilespmem:s8+$0x15F80]  }
0x79: {  	v12 =	vld [tilespmem:s10+$0x8F10];
	[tilespmem:s8+$0x15F20] =	vst v11;
	v4 =	vadd.f32 v4, v9  }
0x7a: {  	v11 =	vld [tilespmem:s10+$0x8F20];
	[tilespmem:s8+$0x15F30] =	vst v5;
	v3 =	vadd.f32 v3, v8  }
0x7b: {  	v5 =	vld [tilespmem:s10+$0x8F30];
	[tilespmem:s8+$0x15F40] =	vst v4;
	v2 =	vadd.f32 v2, v6  }
0x7c: {  	v4 =	vld [tilespmem:s10+$0x8F40];
	[tilespmem:s8+$0x15F50] =	vst v3;
	v1 =	vadd.f32 v1, v7  }
0x7d: {  	v3 =	vld [tilespmem:s10+$0x8F50];
	[tilespmem:s8+$0x15F60] =	vst v2;
	v0 =	vadd.f32 v0, v10  }
0x7e: {  	v2 =	vld [tilespmem:s10+$0x8F60];
	[tilespmem:s8+$0x15F70] =	vst v1  }
0x7f: {  	v1 =	vld [tilespmem:s10+$0x8F70];
	[tilespmem:s8+$0x15F80] =	vst v0;
	s8 =	smov.u32 s10  }
0x80: {  	v0 =	vld [tilespmem:s8+$0x8F80]  }
0x81: {  	v6 =	vld [tilespmem:s8+$0x15F10]  }
0x82: {  	v7 =	vld [tilespmem:s8+$0x15F20]  }
.Ltmp1:
0x83: {  	v10 =	vld [tilespmem:s8+$0x15F30];
	(pc) =	sbr.rel @p0 .LBB2_4-.Ltmp1, $4  }
0x84: {  	v9 =	vld [tilespmem:s8+$0x15F40]  }
0x85: {  	v8 =	vld [tilespmem:s8+$0x15F50]  }
0x86: {  	v12 =	vadd.f32 v12, v6;
	v6 =	vld [tilespmem:s8+$0x15F60]  }
0x87: {  	s9 =	sadd.s32 $0x200, s9;
	v11 =	vadd.f32 v11, v7;
	v7 =	vld [tilespmem:s8+$0x15F70]  }
0x88: {  	[tilespmem:s8+$0x15F10] =	vst v12;
	v5 =	vadd.f32 v5, v10;
	v63 =	vld [tilespmem:s8+$0x15F80]  }
0x89: {  	[tilespmem:s8+$0x15F20] =	vst v11;
	v4 =	vadd.f32 v4, v9  }
0x8a: {  	[tilespmem:s8+$0x15F30] =	vst v5;
	v3 =	vadd.f32 v3, v8  }
0x8b: {  	[tilespmem:s8+$0x15F40] =	vst v4;
	v2 =	vadd.f32 v2, v6  }
0x8c: {  	[tilespmem:s8+$0x15F50] =	vst v3;
	v1 =	vadd.f32 v1, v7  }
0x8d: {  	[tilespmem:s8+$0x15F60] =	vst v2;
	v0 =	vadd.f32 v0, v63  }
0x8e: {  	[tilespmem:s8+$0x15F70] =	vst v1  }
0x8f: {  	s13 =	rddreg [dreg:$0xa];
	[tilespmem:s8+$0x15F80] =	vst v0;
	s8 =	simm.s32 $0x1  }
0x90: {  	[hbm4b:s13+s4] =	stream.linear.scatter [tilespmem:s31], [sflag:$0x6], $0x6800, $0x38;
	[tilespmem:$0x1C710] =	vst v63  }
.LBB2_6:
0x91: {  	_ =	swait.ge [sflag:s24], $0x3400  }
0x92: {  	[sflag:s24] =	ssyncset.done $0x0  }
0x93: {  	[sflag:s24] =	ssyncadd.s32 $0xFFFFCC00  }
0x94: {  	_ =	swait.ge [sflag:s24], $0x3400  }
0x95: {  	[sflag:s24] =	ssyncset.done $0x0  }
0x96: {  	[sflag:s24] =	ssyncadd.s32 $0xFFFFCC00  }
0x97: {  	_ =	swait.ge [sflag:s25], $0x6800  }
0x98: {  	[sflag:s25] =	ssyncset.done $0x0  }
0x99: {  	[sflag:s25] =	ssyncadd.s32 $0xFFFF9800  }
0x9a: {  	s10 =	smul.u32 $0x1A0, s8;
	_ =	swait.ge [sflag:s29], $0x6800  }
0x9b: {  	[sflag:s29] =	ssyncset.done $0x0  }
0x9c: {  	s9 =	sadd.s32 $0xD0, s10;
	[sflag:s29] =	ssyncadd.s32 $0xFFFF9800  }
0x9d: {  	[tilespmem:s28], [sflag:$0x2] =	stream.indirect.gather [hbm4b:s6+s20], $0x80, s9, s20, $0xb8;
	[tilespmem:$0x1C710] =	vst v63  }
0x9e: {  	s9 =	sadd.s32 s5, s9  }
0x9f: {  	s11 =	sadd.s32 $0x138, s10;
	s9 =	sshll.u32 s9, $0x4  }
0xa0: {  	[tilespmem:s30], [sflag:$0x2] =	stream.indirect.gather [hbm4b:s6+s20], $0x80, s11, s20, $0xb8;
	[tilespmem:$0x1C710] =	vst v63  }
0xa1: {  	s9 =	sand.u32 $0x1FFFFF00, s9  }
0xa2: {  	s12 =	simm.s32 $0x0;
	s11 =	simm.s32 $0x0;
	s13 =	sadd.s32 s2, s9  }
0xa3: {  	[tilespmem:s31], [sflag:$0x4] =	stream.linear.gather [hbm4b:s13+s12], $0x6800, $0x38;
	[tilespmem:$0x1C710] =	vst v63  }
0xa4: {  	v7 =	vld [tilespmem:s11+$0x2710]  }
0xa5: {  	v11 =	vld [tilespmem:s11+$0x2720]  }
0xa6: {  	v5 =	vld [tilespmem:s11+$0x2730]  }
0xa7: {  	v4 =	vld [tilespmem:s11+$0x2740]  }
0xa8: {  	v3 =	vld [tilespmem:s11+$0x2750]  }
0xa9: {  	v2 =	vld [tilespmem:s11+$0x2760]  }
0xaa: {  	v1 =	vld [tilespmem:s11+$0x2770]  }
0xab: {  	v0 =	vld [tilespmem:s11+$0x2780]  }
0xac: {  	v12 =	vld [tilespmem:s11+$0xF710]  }
0xad: {  	v13 =	vld [tilespmem:s11+$0xF720]  }
0xae: {  	v10 =	vld [tilespmem:s11+$0xF730]  }
0xaf: {  	v9 =	vld [tilespmem:s11+$0xF740]  }
0xb0: {  	v8 =	vld [tilespmem:s11+$0xF750]  }
0xb1: {  	v6 =	vld [tilespmem:s11+$0xF760];
	v12 =	vadd.f32 v7, v12  }
0xb2: {  	s12 =	simm.s32 $0x200;
	v11 =	vadd.f32 v11, v13;
	v7 =	vld [tilespmem:s11+$0xF770]  }
.LBB2_7:
0xb3: {  	s13 =	sshra.s32 s12, $0x2;
	p0 =	sne.s32 s12, $0x19E00;
	[tilespmem:s11+$0xF710] =	vst v12;
	v5 =	vadd.f32 v5, v10;
	v10 =	vld [tilespmem:s11+$0xF780]  }
0xb4: {  	v12 =	vld [tilespmem:s13+$0x2710];
	[tilespmem:s11+$0xF720] =	vst v11;
	v4 =	vadd.f32 v4, v9  }
0xb5: {  	v11 =	vld [tilespmem:s13+$0x2720];
	[tilespmem:s11+$0xF730] =	vst v5;
	v3 =	vadd.f32 v3, v8  }
0xb6: {  	v5 =	vld [tilespmem:s13+$0x2730];
	[tilespmem:s11+$0xF740] =	vst v4;
	v2 =	vadd.f32 v2, v6  }
0xb7: {  	v4 =	vld [tilespmem:s13+$0x2740];
	[tilespmem:s11+$0xF750] =	vst v3;
	v1 =	vadd.f32 v1, v7  }
0xb8: {  	v3 =	vld [tilespmem:s13+$0x2750];
	[tilespmem:s11+$0xF760] =	vst v2;
	v0 =	vadd.f32 v0, v10  }
0xb9: {  	v2 =	vld [tilespmem:s13+$0x2760];
	[tilespmem:s11+$0xF770] =	vst v1  }
0xba: {  	v1 =	vld [tilespmem:s13+$0x2770];
	[tilespmem:s11+$0xF780] =	vst v0;
	s11 =	smov.u32 s13  }
0xbb: {  	v0 =	vld [tilespmem:s11+$0x2780]  }
0xbc: {  	v6 =	vld [tilespmem:s11+$0xF710]  }
0xbd: {  	v7 =	vld [tilespmem:s11+$0xF720]  }
.Ltmp2:
0xbe: {  	v10 =	vld [tilespmem:s11+$0xF730];
	(pc) =	sbr.rel @p0 .LBB2_7-.Ltmp2, $4  }
0xbf: {  	v9 =	vld [tilespmem:s11+$0xF740]  }
0xc0: {  	v8 =	vld [tilespmem:s11+$0xF750]  }
0xc1: {  	v12 =	vadd.f32 v12, v6;
	v6 =	vld [tilespmem:s11+$0xF760]  }
0xc2: {  	s12 =	sadd.s32 $0x200, s12;
	v11 =	vadd.f32 v11, v7;
	v7 =	vld [tilespmem:s11+$0xF770]  }
0xc3: {  	[tilespmem:s11+$0xF710] =	vst v12;
	v5 =	vadd.f32 v5, v10;
	v10 =	vld [tilespmem:s11+$0xF780]  }
0xc4: {  	[tilespmem:s11+$0xF720] =	vst v11;
	v4 =	vadd.f32 v4, v9  }
0xc5: {  	[tilespmem:s11+$0xF730] =	vst v5;
	v3 =	vadd.f32 v3, v8  }
0xc6: {  	[tilespmem:s11+$0xF740] =	vst v4;
	v2 =	vadd.f32 v2, v6  }
0xc7: {  	s12 =	sadd.s32 s5, s10;
	[tilespmem:s11+$0xF750] =	vst v3;
	v1 =	vadd.f32 v1, v7  }
0xc8: {  	s12 =	sshll.u32 s12, $0x4;
	[tilespmem:s11+$0xF760] =	vst v2;
	v0 =	vadd.f32 v0, v10  }
0xc9: {  	s12 =	sand.u32 $0x1FFFFF00, s12;
	[tilespmem:s11+$0xF770] =	vst v1  }
0xca: {  	s13 =	sadd.s32 s3, s12;
	s12 =	simm.s32 $0x0;
	[tilespmem:s11+$0xF780] =	vst v0  }
0xcb: {  	[hbm4b:s13+s12] =	stream.linear.scatter [tilespmem:s23], [sflag:$0x5], $0x6800, $0x38;
	[tilespmem:$0x1C710] =	vst v63  }
0xcc: {  	_ =	swait.ge [sflag:s0], $0x3400  }
0xcd: {  	[sflag:s0] =	ssyncset.done $0x0  }
0xce: {  	[sflag:s0] =	ssyncadd.s32 $0xFFFFCC00  }
0xcf: {  	_ =	swait.ge [sflag:s0], $0x3400  }
0xd0: {  	[sflag:s0] =	ssyncset.done $0x0  }
0xd1: {  	[sflag:s0] =	ssyncadd.s32 $0xFFFFCC00  }
0xd2: {  	_ =	swait.ge [sflag:s1], $0x6800  }
0xd3: {  	[sflag:s1] =	ssyncset.done $0x0  }
0xd4: {  	[sflag:s1] =	ssyncadd.s32 $0xFFFF9800  }
0xd5: {  	_ =	swait.ge [sflag:s26], $0x6800  }
0xd6: {  	[sflag:s26] =	ssyncset.done $0x0  }
0xd7: {  	s11 =	sadd.s32 $0x1A0, s10;
	[sflag:s26] =	ssyncadd.s32 $0xFFFF9800  }
0xd8: {  	[tilespmem:s21], [sflag:$0x1] =	stream.indirect.gather [hbm4b:s6+s20], $0x80, s11, s20, $0xb8;
	[tilespmem:$0x1C710] =	vst v63  }
0xd9: {  	s13 =	sadd.s32 $0x208, s10  }
0xda: {  	[tilespmem:s22], [sflag:$0x1] =	stream.indirect.gather [hbm4b:s6+s20], $0x80, s13, s20, $0xb8;
	[tilespmem:$0x1C710] =	vst v63  }
0xdb: {  	s13 =	sadd.s32 s5, s11  }
0xdc: {  	s10 =	sshll.u32 s13, $0x4  }
0xdd: {  	s10 =	sand.u32 $0x1FFFFF00, s10  }
0xde: {  	s10 =	sadd.s32 s2, s10  }
0xdf: {  	[tilespmem:s23], [sflag:$0x3] =	stream.linear.gather [hbm4b:s10+s12], $0x6800, $0x38;
	[tilespmem:$0x1C710] =	vst v63  }
0xe0: {  	s10 =	simm.s32 $0x0  }
0xe1: {  	v7 =	vld [tilespmem:s10+$0x8F10]  }
0xe2: {  	v11 =	vld [tilespmem:s10+$0x8F20]  }
0xe3: {  	v5 =	vld [tilespmem:s10+$0x8F30]  }
0xe4: {  	v4 =	vld [tilespmem:s10+$0x8F40]  }
0xe5: {  	v3 =	vld [tilespmem:s10+$0x8F50]  }
0xe6: {  	v2 =	vld [tilespmem:s10+$0x8F60]  }
0xe7: {  	v1 =	vld [tilespmem:s10+$0x8F70]  }
0xe8: {  	v0 =	vld [tilespmem:s10+$0x8F80]  }
0xe9: {  	v12 =	vld [tilespmem:s10+$0x15F10]  }
0xea: {  	v13 =	vld [tilespmem:s10+$0x15F20]  }
0xeb: {  	v10 =	vld [tilespmem:s10+$0x15F30]  }
0xec: {  	v9 =	vld [tilespmem:s10+$0x15F40]  }
0xed: {  	v8 =	vld [tilespmem:s10+$0x15F50]  }
0xee: {  	v6 =	vld [tilespmem:s10+$0x15F60];
	v12 =	vadd.f32 v7, v12  }
0xef: {  	s11 =	simm.s32 $0x200;
	v11 =	vadd.f32 v11, v13;
	v7 =	vld [tilespmem:s10+$0x15F70]  }
.LBB2_9:
0xf0: {  	s12 =	sshra.s32 s11, $0x2;
	p0 =	sne.s32 s11, $0x19E00;
	[tilespmem:s10+$0x15F10] =	vst v12;
	v5 =	vadd.f32 v5, v10;
	v10 =	vld [tilespmem:s10+$0x15F80]  }
0xf1: {  	v12 =	vld [tilespmem:s12+$0x8F10];
	[tilespmem:s10+$0x15F20] =	vst v11;
	v4 =	vadd.f32 v4, v9  }
0xf2: {  	v11 =	vld [tilespmem:s12+$0x8F20];
	[tilespmem:s10+$0x15F30] =	vst v5;
	v3 =	vadd.f32 v3, v8  }
0xf3: {  	v5 =	vld [tilespmem:s12+$0x8F30];
	[tilespmem:s10+$0x15F40] =	vst v4;
	v2 =	vadd.f32 v2, v6  }
0xf4: {  	v4 =	vld [tilespmem:s12+$0x8F40];
	[tilespmem:s10+$0x15F50] =	vst v3;
	v1 =	vadd.f32 v1, v7  }
0xf5: {  	v3 =	vld [tilespmem:s12+$0x8F50];
	[tilespmem:s10+$0x15F60] =	vst v2;
	v0 =	vadd.f32 v0, v10  }
0xf6: {  	v2 =	vld [tilespmem:s12+$0x8F60];
	[tilespmem:s10+$0x15F70] =	vst v1  }
0xf7: {  	v1 =	vld [tilespmem:s12+$0x8F70];
	[tilespmem:s10+$0x15F80] =	vst v0;
	s10 =	smov.u32 s12  }
0xf8: {  	v0 =	vld [tilespmem:s10+$0x8F80]  }
0xf9: {  	v6 =	vld [tilespmem:s10+$0x15F10]  }
0xfa: {  	v7 =	vld [tilespmem:s10+$0x15F20]  }
.Ltmp3:
0xfb: {  	v10 =	vld [tilespmem:s10+$0x15F30];
	(pc) =	sbr.rel @p0 .LBB2_9-.Ltmp3, $4  }
0xfc: {  	v9 =	vld [tilespmem:s10+$0x15F40]  }
0xfd: {  	v8 =	vld [tilespmem:s10+$0x15F50]  }
0xfe: {  	v12 =	vadd.f32 v12, v6;
	v6 =	vld [tilespmem:s10+$0x15F60]  }
0xff: {  	s11 =	sadd.s32 $0x200, s11;
	v11 =	vadd.f32 v11, v7;
	v7 =	vld [tilespmem:s10+$0x15F70]  }
0x100: {  	[tilespmem:s10+$0x15F10] =	vst v12;
	v5 =	vadd.f32 v5, v10;
	v63 =	vld [tilespmem:s10+$0x15F80]  }
0x101: {  	[tilespmem:s10+$0x15F20] =	vst v11;
	v4 =	vadd.f32 v4, v9  }
0x102: {  	s8 =	sadd.s32 $0x1, s8;
	[tilespmem:s10+$0x15F30] =	vst v5;
	v3 =	vadd.f32 v3, v8  }
0x103: {  	p0 =	sne.s32 s8, $0x17;
	[tilespmem:s10+$0x15F40] =	vst v4;
	v2 =	vadd.f32 v2, v6  }
.Ltmp4:
0x104: {  	[tilespmem:s10+$0x15F50] =	vst v3;
	v1 =	vadd.f32 v1, v7;
	(pc) =	sbr.rel @p0 .LBB2_6-.Ltmp4, $4  }
0x105: {  	[tilespmem:s10+$0x15F60] =	vst v2;
	v0 =	vadd.f32 v0, v63  }
0x106: {  	[tilespmem:s10+$0x15F70] =	vst v1  }
0x107: {  	s9 =	sadd.s32 s3, s9;
	[tilespmem:s10+$0x15F80] =	vst v0  }
0x108: {  	[hbm4b:s9+s4] =	stream.linear.scatter [tilespmem:s31], [sflag:$0x6], $0x6800, $0x38;
	[tilespmem:$0x1C710] =	vst v63  }
0x109: {  	_ =	swait.ge [sflag:s24], $0x3400  }
0x10a: {  	[sflag:s24] =	ssyncset.done $0x0  }
0x10b: {  	[sflag:s24] =	ssyncadd.s32 $0xFFFFCC00  }
0x10c: {  	_ =	swait.ge [sflag:s24], $0x3400  }
0x10d: {  	[sflag:s24] =	ssyncset.done $0x0  }
0x10e: {  	[sflag:s24] =	ssyncadd.s32 $0xFFFFCC00  }
0x10f: {  	_ =	swait.ge [sflag:s25], $0x6800  }
0x110: {  	[sflag:s25] =	ssyncset.done $0x0  }
0x111: {  	[sflag:s25] =	ssyncadd.s32 $0xFFFF9800  }
0x112: {  	_ =	swait.ge [sflag:s29], $0x6800  }
0x113: {  	[sflag:s29] =	ssyncset.done $0x0  }
0x114: {  	s8 =	simm.s32 $0x2630;
	[sflag:s29] =	ssyncadd.s32 $0xFFFF9800  }
0x115: {  	[tilespmem:s28], [sflag:$0x2] =	stream.indirect.gather [hbm4b:s6+s20], $0x80, s8, s20, $0xb8;
	[tilespmem:$0x1C710] =	vst v63  }
0x116: {  	s12 =	simm.s32 $0x2698  }
0x117: {  	[tilespmem:s30], [sflag:$0x2] =	stream.indirect.gather [hbm4b:s6+s20], $0x80, s12, s20, $0xb8;
	[tilespmem:$0x1C710] =	vst v63  }
0x118: {  	s13 =	simm.s32 $0x0;
	s9 =	rddreg [dreg:$0xb];
	s8 =	simm.s32 $0x0  }
0x119: {  	[tilespmem:s31], [sflag:$0x4] =	stream.linear.gather [hbm4b:s9+s13], $0x6800, $0x38;
	[tilespmem:$0x1C710] =	vst v63  }
0x11a: {  	v7 =	vld [tilespmem:s8+$0x2710]  }
0x11b: {  	v11 =	vld [tilespmem:s8+$0x2720]  }
0x11c: {  	v5 =	vld [tilespmem:s8+$0x2730]  }
0x11d: {  	v4 =	vld [tilespmem:s8+$0x2740]  }
0x11e: {  	v3 =	vld [tilespmem:s8+$0x2750]  }
0x11f: {  	v2 =	vld [tilespmem:s8+$0x2760]  }
0x120: {  	v1 =	vld [tilespmem:s8+$0x2770]  }
0x121: {  	v0 =	vld [tilespmem:s8+$0x2780]  }
0x122: {  	v12 =	vld [tilespmem:s8+$0xF710]  }
0x123: {  	v13 =	vld [tilespmem:s8+$0xF720]  }
0x124: {  	v10 =	vld [tilespmem:s8+$0xF730]  }
0x125: {  	v9 =	vld [tilespmem:s8+$0xF740]  }
0x126: {  	v8 =	vld [tilespmem:s8+$0xF750]  }
0x127: {  	v6 =	vld [tilespmem:s8+$0xF760];
	v12 =	vadd.f32 v7, v12  }
0x128: {  	s9 =	simm.s32 $0x200;
	v11 =	vadd.f32 v11, v13;
	v7 =	vld [tilespmem:s8+$0xF770]  }
.LBB2_12:
0x129: {  	s10 =	sshra.s32 s9, $0x2;
	p0 =	sne.s32 s9, $0x19E00;
	[tilespmem:s8+$0xF710] =	vst v12;
	v5 =	vadd.f32 v5, v10;
	v10 =	vld [tilespmem:s8+$0xF780]  }
0x12a: {  	v12 =	vld [tilespmem:s10+$0x2710];
	[tilespmem:s8+$0xF720] =	vst v11;
	v4 =	vadd.f32 v4, v9  }
0x12b: {  	v11 =	vld [tilespmem:s10+$0x2720];
	[tilespmem:s8+$0xF730] =	vst v5;
	v3 =	vadd.f32 v3, v8  }
0x12c: {  	v5 =	vld [tilespmem:s10+$0x2730];
	[tilespmem:s8+$0xF740] =	vst v4;
	v2 =	vadd.f32 v2, v6  }
0x12d: {  	v4 =	vld [tilespmem:s10+$0x2740];
	[tilespmem:s8+$0xF750] =	vst v3;
	v1 =	vadd.f32 v1, v7  }
0x12e: {  	v3 =	vld [tilespmem:s10+$0x2750];
	[tilespmem:s8+$0xF760] =	vst v2;
	v0 =	vadd.f32 v0, v10  }
0x12f: {  	v2 =	vld [tilespmem:s10+$0x2760];
	[tilespmem:s8+$0xF770] =	vst v1  }
0x130: {  	v1 =	vld [tilespmem:s10+$0x2770];
	[tilespmem:s8+$0xF780] =	vst v0;
	s8 =	smov.u32 s10  }
0x131: {  	v0 =	vld [tilespmem:s8+$0x2780]  }
0x132: {  	v6 =	vld [tilespmem:s8+$0xF710]  }
0x133: {  	v7 =	vld [tilespmem:s8+$0xF720]  }
.Ltmp5:
0x134: {  	v10 =	vld [tilespmem:s8+$0xF730];
	(pc) =	sbr.rel @p0 .LBB2_12-.Ltmp5, $4  }
0x135: {  	v9 =	vld [tilespmem:s8+$0xF740]  }
0x136: {  	v8 =	vld [tilespmem:s8+$0xF750]  }
0x137: {  	v12 =	vadd.f32 v12, v6;
	v6 =	vld [tilespmem:s8+$0xF760]  }
0x138: {  	s9 =	sadd.s32 $0x200, s9;
	v11 =	vadd.f32 v11, v7;
	v7 =	vld [tilespmem:s8+$0xF770]  }
0x139: {  	[tilespmem:s8+$0xF710] =	vst v12;
	v5 =	vadd.f32 v5, v10;
	v10 =	vld [tilespmem:s8+$0xF780]  }
0x13a: {  	[tilespmem:s8+$0xF720] =	vst v11;
	v4 =	vadd.f32 v4, v9  }
0x13b: {  	[tilespmem:s8+$0xF730] =	vst v5;
	v3 =	vadd.f32 v3, v8  }
0x13c: {  	[tilespmem:s8+$0xF740] =	vst v4;
	v2 =	vadd.f32 v2, v6  }
0x13d: {  	[tilespmem:s8+$0xF750] =	vst v3;
	v1 =	vadd.f32 v1, v7  }
0x13e: {  	[tilespmem:s8+$0xF760] =	vst v2;
	v0 =	vadd.f32 v0, v10  }
0x13f: {  	[tilespmem:s8+$0xF770] =	vst v1  }
0x140: {  	s13 =	simm.s32 $0x0;
	[tilespmem:s8+$0xF780] =	vst v0  }
0x141: {  	[hbm4b:s14+s13] =	stream.linear.scatter [tilespmem:s23], [sflag:$0x5], $0x6800, $0x38;
	[tilespmem:$0x1C710] =	vst v63  }
0x142: {  	_ =	swait.ge [sflag:s0], $0x3400  }
0x143: {  	[sflag:s0] =	ssyncset.done $0x0  }
0x144: {  	[sflag:s0] =	ssyncadd.s32 $0xFFFFCC00  }
0x145: {  	_ =	swait.ge [sflag:s0], $0x3400  }
0x146: {  	[sflag:s0] =	ssyncset.done $0x0  }
0x147: {  	[sflag:s0] =	ssyncadd.s32 $0xFFFFCC00  }
0x148: {  	_ =	swait.ge [sflag:s1], $0x6800  }
0x149: {  	[sflag:s1] =	ssyncset.done $0x0  }
0x14a: {  	s8 =	simm.s32 $0x0;
	[sflag:s1] =	ssyncadd.s32 $0xFFFF9800  }
0x14b: {  	v7 =	vld [tilespmem:s8+$0x8F10]  }
0x14c: {  	v11 =	vld [tilespmem:s8+$0x8F20]  }
0x14d: {  	v5 =	vld [tilespmem:s8+$0x8F30]  }
0x14e: {  	v4 =	vld [tilespmem:s8+$0x8F40]  }
0x14f: {  	v3 =	vld [tilespmem:s8+$0x8F50]  }
0x150: {  	v2 =	vld [tilespmem:s8+$0x8F60]  }
0x151: {  	v1 =	vld [tilespmem:s8+$0x8F70]  }
0x152: {  	v0 =	vld [tilespmem:s8+$0x8F80]  }
0x153: {  	v12 =	vld [tilespmem:s8+$0x15F10]  }
0x154: {  	v13 =	vld [tilespmem:s8+$0x15F20]  }
0x155: {  	v10 =	vld [tilespmem:s8+$0x15F30]  }
0x156: {  	v9 =	vld [tilespmem:s8+$0x15F40]  }
0x157: {  	v8 =	vld [tilespmem:s8+$0x15F50]  }
0x158: {  	v6 =	vld [tilespmem:s8+$0x15F60];
	v12 =	vadd.f32 v7, v12  }
0x159: {  	s9 =	simm.s32 $0x200;
	v11 =	vadd.f32 v11, v13;
	v7 =	vld [tilespmem:s8+$0x15F70]  }
.LBB2_14:
0x15a: {  	s10 =	sshra.s32 s9, $0x2;
	p0 =	sne.s32 s9, $0x19E00;
	[tilespmem:s8+$0x15F10] =	vst v12;
	v5 =	vadd.f32 v5, v10;
	v10 =	vld [tilespmem:s8+$0x15F80]  }
0x15b: {  	v12 =	vld [tilespmem:s10+$0x8F10];
	[tilespmem:s8+$0x15F20] =	vst v11;
	v4 =	vadd.f32 v4, v9  }
0x15c: {  	v11 =	vld [tilespmem:s10+$0x8F20];
	[tilespmem:s8+$0x15F30] =	vst v5;
	v3 =	vadd.f32 v3, v8  }
0x15d: {  	v5 =	vld [tilespmem:s10+$0x8F30];
	[tilespmem:s8+$0x15F40] =	vst v4;
	v2 =	vadd.f32 v2, v6  }
0x15e: {  	v4 =	vld [tilespmem:s10+$0x8F40];
	[tilespmem:s8+$0x15F50] =	vst v3;
	v1 =	vadd.f32 v1, v7  }
0x15f: {  	v3 =	vld [tilespmem:s10+$0x8F50];
	[tilespmem:s8+$0x15F60] =	vst v2;
	v0 =	vadd.f32 v0, v10  }
0x160: {  	v2 =	vld [tilespmem:s10+$0x8F60];
	[tilespmem:s8+$0x15F70] =	vst v1  }
0x161: {  	v1 =	vld [tilespmem:s10+$0x8F70];
	[tilespmem:s8+$0x15F80] =	vst v0;
	s8 =	smov.u32 s10  }
0x162: {  	v0 =	vld [tilespmem:s8+$0x8F80]  }
0x163: {  	v6 =	vld [tilespmem:s8+$0x15F10]  }
0x164: {  	v7 =	vld [tilespmem:s8+$0x15F20]  }
.Ltmp6:
0x165: {  	v10 =	vld [tilespmem:s8+$0x15F30];
	(pc) =	sbr.rel @p0 .LBB2_14-.Ltmp6, $4  }
0x166: {  	v9 =	vld [tilespmem:s8+$0x15F40]  }
0x167: {  	v8 =	vld [tilespmem:s8+$0x15F50]  }
0x168: {  	v12 =	vadd.f32 v12, v6;
	v6 =	vld [tilespmem:s8+$0x15F60]  }
0x169: {  	s9 =	sadd.s32 $0x200, s9;
	v11 =	vadd.f32 v11, v7;
	v7 =	vld [tilespmem:s8+$0x15F70]  }
0x16a: {  	[tilespmem:s8+$0x15F10] =	vst v12;
	v5 =	vadd.f32 v5, v10;
	v10 =	vld [tilespmem:s8+$0x15F80]  }
0x16b: {  	[tilespmem:s8+$0x15F20] =	vst v11;
	v4 =	vadd.f32 v4, v9  }
0x16c: {  	[tilespmem:s8+$0x15F30] =	vst v5;
	v3 =	vadd.f32 v3, v8  }
0x16d: {  	[tilespmem:s8+$0x15F40] =	vst v4;
	v2 =	vadd.f32 v2, v6  }
0x16e: {  	[tilespmem:s8+$0x15F50] =	vst v3;
	v1 =	vadd.f32 v1, v7  }
0x16f: {  	[tilespmem:s8+$0x15F60] =	vst v2;
	v0 =	vadd.f32 v0, v10  }
0x170: {  	[tilespmem:s8+$0x15F70] =	vst v1  }
0x171: {  	s13 =	simm.s32 $0x0;
	[tilespmem:s8+$0x15F80] =	vst v0  }
0x172: {  	[hbm4b:s15+s13] =	stream.linear.scatter [tilespmem:s31], [sflag:$0x6], $0x6800, $0x38;
	[tilespmem:$0x1C710] =	vst v63  }
0x173: {  	_ =	swait.ge [sflag:s26], $0x6800  }
0x174: {  	[sflag:s26] =	ssyncset.done $0x0  }
0x175: {  	s9 =	simm.s32 $0x10;
	s10 =	simm.s32 $0x2700;
	[sflag:s26] =	ssyncadd.s32 $0xFFFF9800  }
0x176: {  	[tilespmem:s21], [sflag:$0x1] =	stream.indirect.gather [hbm4b:s6+s9], $0x80, s10, s9, $0xb8;
	[tilespmem:$0x1C710] =	vst v63  }
0x177: {  	_ = 	snop  }
0x178: {  	[tilespmem:s23], [sflag:$0x7] =	stream.linear.gather [hbm4b:s16+s13], $0x800, $0x38;
	[tilespmem:$0x1C710] =	vst v63  }
0x179: {  	_ =	swait.ge [sflag:s19], $0x800  }
0x17a: {  	[sflag:s19] =	ssyncset.done $0x0  }
0x17b: {  	[sflag:s19] =	ssyncadd.s32 $0xFFFFF800  }
0x17c: {  	_ =	swait.ge [sflag:s24], $0x800  }
0x17d: {  	[sflag:s24] =	ssyncset.done $0x0  }
0x17e: {  	s8 =	simm.s32 $0x0;
	[sflag:s24] =	ssyncadd.s32 $0xFFFFF800  }
0x17f: {  	v7 =	vld [tilespmem:s8+$0x2710]  }
0x180: {  	v11 =	vld [tilespmem:s8+$0x2720]  }
0x181: {  	v5 =	vld [tilespmem:s8+$0x2730]  }
0x182: {  	v4 =	vld [tilespmem:s8+$0x2740]  }
0x183: {  	v3 =	vld [tilespmem:s8+$0x2750]  }
0x184: {  	v2 =	vld [tilespmem:s8+$0x2760]  }
0x185: {  	v1 =	vld [tilespmem:s8+$0x2770]  }
0x186: {  	v0 =	vld [tilespmem:s8+$0x2780]  }
0x187: {  	v12 =	vld [tilespmem:s8+$0xF710]  }
0x188: {  	v13 =	vld [tilespmem:s8+$0xF720]  }
0x189: {  	v10 =	vld [tilespmem:s8+$0xF730]  }
0x18a: {  	v9 =	vld [tilespmem:s8+$0xF740]  }
0x18b: {  	v8 =	vld [tilespmem:s8+$0xF750]  }
0x18c: {  	v6 =	vld [tilespmem:s8+$0xF760];
	v12 =	vadd.f32 v7, v12  }
0x18d: {  	s9 =	simm.s32 $0x200;
	v11 =	vadd.f32 v11, v13;
	v7 =	vld [tilespmem:s8+$0xF770]  }
.LBB2_16:
0x18e: {  	s10 =	sshra.s32 s9, $0x2;
	p0 =	sne.s32 s9, $0x1E00;
	[tilespmem:s8+$0xF710] =	vst v12;
	v5 =	vadd.f32 v5, v10;
	v10 =	vld [tilespmem:s8+$0xF780]  }
0x18f: {  	v12 =	vld [tilespmem:s10+$0x2710];
	[tilespmem:s8+$0xF720] =	vst v11;
	v4 =	vadd.f32 v4, v9  }
0x190: {  	v11 =	vld [tilespmem:s10+$0x2720];
	[tilespmem:s8+$0xF730] =	vst v5;
	v3 =	vadd.f32 v3, v8  }
0x191: {  	v5 =	vld [tilespmem:s10+$0x2730];
	[tilespmem:s8+$0xF740] =	vst v4;
	v2 =	vadd.f32 v2, v6  }
0x192: {  	v4 =	vld [tilespmem:s10+$0x2740];
	[tilespmem:s8+$0xF750] =	vst v3;
	v1 =	vadd.f32 v1, v7  }
0x193: {  	v3 =	vld [tilespmem:s10+$0x2750];
	[tilespmem:s8+$0xF760] =	vst v2;
	v0 =	vadd.f32 v0, v10  }
0x194: {  	v2 =	vld [tilespmem:s10+$0x2760];
	[tilespmem:s8+$0xF770] =	vst v1  }
0x195: {  	v1 =	vld [tilespmem:s10+$0x2770];
	[tilespmem:s8+$0xF780] =	vst v0;
	s8 =	smov.u32 s10  }
0x196: {  	v0 =	vld [tilespmem:s8+$0x2780]  }
0x197: {  	v6 =	vld [tilespmem:s8+$0xF710]  }
0x198: {  	v7 =	vld [tilespmem:s8+$0xF720]  }
.Ltmp7:
0x199: {  	v10 =	vld [tilespmem:s8+$0xF730];
	(pc) =	sbr.rel @p0 .LBB2_16-.Ltmp7, $4  }
0x19a: {  	v9 =	vld [tilespmem:s8+$0xF740]  }
0x19b: {  	v8 =	vld [tilespmem:s8+$0xF750]  }
0x19c: {  	v12 =	vadd.f32 v12, v6;
	v6 =	vld [tilespmem:s8+$0xF760]  }
0x19d: {  	s9 =	sadd.s32 $0x200, s9;
	v11 =	vadd.f32 v11, v7;
	v7 =	vld [tilespmem:s8+$0xF770]  }
0x19e: {  	[tilespmem:s8+$0xF710] =	vst v12;
	v5 =	vadd.f32 v5, v10;
	v63 =	vld [tilespmem:s8+$0xF780]  }
0x19f: {  	[tilespmem:s8+$0xF720] =	vst v11;
	v4 =	vadd.f32 v4, v9  }
0x1a0: {  	[tilespmem:s8+$0xF730] =	vst v5;
	v3 =	vadd.f32 v3, v8  }
0x1a1: {  	[tilespmem:s8+$0xF740] =	vst v4;
	v2 =	vadd.f32 v2, v6  }
0x1a2: {  	[tilespmem:s8+$0xF750] =	vst v3;
	v1 =	vadd.f32 v1, v7  }
0x1a3: {  	[tilespmem:s8+$0xF760] =	vst v2;
	v0 =	vadd.f32 v0, v63  }
0x1a4: {  	[tilespmem:s8+$0xF770] =	vst v1  }
0x1a5: {  	s7 =	sadd.s32 $0x1, s7;
	[tilespmem:s8+$0xF780] =	vst v0  }
0x1a6: {  	[hbm4b:s17+s4] =	stream.linear.scatter [tilespmem:s23], [sflag:$0x7], $0x800, $0x38;
	[tilespmem:$0x1C710] =	vst v63  }
0x1a7: {  	p0 =	sne.s32 s7, s18;
	_ =	swait.ge [sflag:s19], $0x800  }
.Ltmp8:
0x1a8: {  	[sflag:s19] =	ssyncset.done $0x0;
	(pc) =	sbr.rel @p0 .LBB2_1-.Ltmp8, $4  }
0x1a9: {  	[sflag:s19] =	ssyncadd.s32 $0xFFFFF800  }
0x1aa: {  	_ =	swait.ge [sflag:s29], $0x6800  }
0x1ab: {  	[sflag:s29] =	ssyncset.done $0x0  }
0x1ac: {  	[sflag:s29] =	ssyncadd.s32 $0xFFFF9800  }
0x1ad: {  	_ =	sfence.sel $0x180000  }
0x1ae: {  	[bflag:$0x0] =	sbarrier.arrive $0xFFFF  }
0x1af: {  	_ =	strace $0x90000047  }
0x1b0: {  	s0 =	stileid.u32;
	[bflag:$0x2] =	sbarrier.arrive $0xFFFF  }
0x1b1: {  	p0 =	sne.s32 s0, $0x0;
	s0 =	rddreg [dreg:$0x4]  }
0x1b2: {  	s0 =	sadd.s32 @!p0 $0x100000, s0  }
0x1b3: {  	[sflag:s0] =	ssyncadd.tile.s32 @!p0 $0x1;
	_ =	shalt  }
.Lfunc_end2:
_tile_overlayer_lowered:
.L_overlay_start_2:
0x1b4: {  	(tag) =	ssettag $0x2  }
0x1b5: {  	s0 =	rddreg [dreg:$0x0];
	s2 =	stileid.u32  }
0x1b6: {  	s1 =	rddreg [dreg:$0x1];
	p0 =	sne.s32 s2, $0x0  }
0x1b7: {  	s3 =	rddreg [dreg:$0x2];
	[bflag:$0x3] =	sbarrier.arrive $0xFFFF;
	s2 =	simm.s32 @!p0 $0x1C07  }
0x1b8: {  	[timem:s3], [sflag:s2] =	dma.local @!p0 [hbm:s0], s1  }
0x1b9: {  	s0 =	simm.s32 @!p0 $0x7  }
0x1ba: {  	_ =	swait.ge @!p0 [sflag:s0], s1  }
0x1bb: {  	s1 =	ssub.s32 @!p0 $0x0, s1;
	[sflag:s0] =	ssyncset.done @!p0 $0x0  }
0x1bc: {  	[sflag:s0] =	ssyncadd.s32 @!p0 s1  }
0x1bd: {  	[bflag:$0x3] =	sbarrier.arrive $0xFFFF  }
0x1be: {  	_ =	shalt  }

</sc_bundles>
